<compile_context>
chip_gen: v7x
topology: tpu7x:2x2x1
jax: 0.10.2.dev20260603
libtpu: 0.0.44.dev20260713+nightly
codegen_flags: <defaults>
</compile_context>

<pallas_src>
import jax
import jax.numpy as jnp
from jax import lax
from jax.experimental import pallas as pl
from jax.experimental.pallas import tpu as pltpu
from jax.experimental.pallas import tpu_sc as plsc

N = 10000
E = 320000
D = 128
H = 32

ROW_BLK = 1000


def _dense_body(x_ref, h_ref, c_ref, wi_ref, wf_ref, wc_ref, wo_ref,
                ti_ref, tf_ref, tc_ref, to_ref,
                tbi_ref, tbf_ref, tbc_ref, tbo_ref,
                bi_ref, bf_ref, bc_ref, bo_ref,
                wlin_ref, blin_ref, wsrc_ref, bsrc_ref, wdst_ref, bdst_ref,
                hnew_ref, cnew_ref, a_ref, b_ref):
    x = x_ref[...]
    h = h_ref[...]
    c = c_ref[...]
    wcat = jnp.concatenate(
        [wi_ref[...], wf_ref[...], wc_ref[...], wo_ref[...]], axis=1)
    tcat = jnp.concatenate(
        [ti_ref[...], tf_ref[...], tc_ref[...], to_ref[...]], axis=1)
    bias = jnp.concatenate(
        [tbi_ref[...] + bi_ref[...], tbf_ref[...] + bf_ref[...],
         tbc_ref[...] + bc_ref[...], tbo_ref[...] + bo_ref[...]], axis=1)
    g = (jnp.dot(x, wcat, preferred_element_type=jnp.float32)
         + jnp.dot(h, tcat, preferred_element_type=jnp.float32)
         + bias)
    i_g = jax.nn.sigmoid(g[:, 0:H])
    f_g = jax.nn.sigmoid(g[:, H:2 * H])
    t_g = jnp.tanh(g[:, 2 * H:3 * H])
    o_g = jax.nn.sigmoid(g[:, 3 * H:4 * H])
    c_new = f_g * c + i_g * t_g
    h_new = o_g * jnp.tanh(c_new)
    z = (jnp.dot(jax.nn.relu(h_new), wlin_ref[...],
                 preferred_element_type=jnp.float32) + blin_ref[...])
    wsd = jnp.concatenate([wsrc_ref[...], wdst_ref[...]], axis=1)
    bsd = jnp.concatenate([bsrc_ref[...], bdst_ref[...]], axis=1)
    ab = jnp.dot(z, wsd, preferred_element_type=jnp.float32) + bsd
    hnew_ref[...] = h_new
    cnew_ref[...] = c_new
    a_ref[...] = ab[:, 0:H]
    b_ref[...] = ab[:, H:2 * H]


def _dense_call(x, h0, c0, *weights):
    grid = N // ROW_BLK
    row_spec = lambda cols: pl.BlockSpec((ROW_BLK, cols), lambda i: (i, 0))
    full = lambda arr: pl.BlockSpec(arr.shape, lambda i: (0,) * arr.ndim)
    return pl.pallas_call(
        _dense_body,
        grid=(grid,),
        in_specs=[row_spec(D), row_spec(H), row_spec(H)]
                 + [full(w) for w in weights],
        out_specs=[row_spec(H), row_spec(H), row_spec(H), row_spec(H)],
        out_shape=[jax.ShapeDtypeStruct((N, H), jnp.float32)] * 4,
    )(x, h0, c0, *weights)


try:
    _INFO = plsc.get_sparse_core_info()
    _NC, _NS = _INFO.num_cores, _INFO.num_subcores
except Exception:
    _NC, _NS = 2, 16
_NW = _NC * _NS
CHUNK = 80
_PER_W = E // _NW
_NCHUNK = _PER_W // CHUNK
_NGRP = CHUNK // 16


def _edge_body(a_hbm, b_hbm, src_hbm, dst_hbm, neg_hbm, wb_hbm,
               pos_hbm, neg_out_hbm,
               w_v, src_v, dst_v, neg_v,
               a0, bd0, bn0, a1, bd1, bn1, a2, bd2, bn2,
               a3, bd3, bn3, a4, bd4, bn4,
               pos_all, negres_all, sem0, sem1, sem2, sem3, sem4):
    wid = lax.axis_index("s") * _NC + lax.axis_index("c")
    base = wid * _PER_W
    pltpu.sync_copy(wb_hbm, w_v)
    pltpu.sync_copy(src_hbm.at[pl.ds(base, _PER_W)], src_v)
    pltpu.sync_copy(dst_hbm.at[pl.ds(base, _PER_W)], dst_v)
    pltpu.sync_copy(neg_hbm.at[pl.ds(base, _PER_W)], neg_v)
    bufs = ((a0, bd0, bn0, sem0), (a1, bd1, bn1, sem1),
            (a2, bd2, bn2, sem2), (a3, bd3, bn3, sem3),
            (a4, bd4, bn4, sem4))

    def fire(k, which):
        a_r, bd_r, bn_r, sem = bufs[which]
        s = pl.ds(k * CHUNK, CHUNK)
        pltpu.async_copy(a_hbm.at[src_v.at[s]], a_r, sem)
        pltpu.async_copy(b_hbm.at[dst_v.at[s]], bd_r, sem)
        pltpu.async_copy(b_hbm.at[neg_v.at[s]], bn_r, sem)

    def wait(k, which):
        a_r, bd_r, bn_r, sem = bufs[which]
        s = pl.ds(k * CHUNK, CHUNK)
        pltpu.make_async_copy(a_hbm.at[src_v.at[s]], a_r, sem).wait()
        pltpu.make_async_copy(b_hbm.at[dst_v.at[s]], bd_r, sem).wait()
        pltpu.make_async_copy(b_hbm.at[neg_v.at[s]], bn_r, sem).wait()

    def compute(k, which):
        a_r, bd_r, bn_r, _ = bufs[which]

        def do_group(g, _):
            iota16 = lax.iota(jnp.int32, 16)
            rows = g * 16 + iota16

            def do_jblock(t, accs):
                acc_p, acc_n = accs
                for u in range(8):
                    j = t * 8 + u
                    col = jnp.bitwise_and(iota16 + j, H - 1)
                    av = plsc.load_gather(a_r, [rows, col])
                    bd = plsc.load_gather(bd_r, [rows, col])
                    bn = plsc.load_gather(bn_r, [rows, col])
                    wj = plsc.load_gather(w_v, [col])
                    acc_p = acc_p + jnp.maximum(av + bd, 0.0) * wj
                    acc_n = acc_n + jnp.maximum(av + bn, 0.0) * wj
                return acc_p, acc_n

            acc_p, acc_n = lax.fori_loop(
                0, 4, do_jblock,
                (jnp.zeros((16,), jnp.float32), jnp.zeros((16,), jnp.float32)))
            brow = plsc.load_gather(w_v, [H + iota16])
            out_s = pl.ds(k * CHUNK + g * 16, 16)
            pos_all[out_s] = 1.0 / (1.0 + jnp.exp(-(acc_p + brow)))
            negres_all[out_s] = 1.0 / (1.0 + jnp.exp(-(acc_n + brow)))
            return 0

        lax.fori_loop(0, _NGRP, do_group, 0)

    for b in range(4):
        fire(b, b)

    def do_penta(m, _):
        for b in range(5):
            k = 5 * m + b
            wait(k, b)
            kf = k + 4

            @pl.when(kf < _NCHUNK)
            def _():
                fire(kf, (b + 4) % 5)

            compute(k, b)
        return 0

    lax.fori_loop(0, _NCHUNK // 5, do_penta, 0)
    pltpu.sync_copy(pos_all, pos_hbm.at[pl.ds(base, _PER_W)])
    pltpu.sync_copy(negres_all, neg_out_hbm.at[pl.ds(base, _PER_W)])


def _edge_call(a_tbl, b_tbl, src, dst, neg, wb):
    mesh = plsc.VectorSubcoreMesh(core_axis_name="c", subcore_axis_name="s")
    kfn = pl.kernel(
        _edge_body,
        out_type=[jax.ShapeDtypeStruct((E,), jnp.float32),
                  jax.ShapeDtypeStruct((E,), jnp.float32)],
        mesh=mesh,
        compiler_params=pltpu.CompilerParams(needs_layout_passes=False,
                                             use_tc_tiling_on_sc=False),
        scratch_types=[
            pltpu.VMEM((48,), jnp.float32),
            pltpu.VMEM((_PER_W,), jnp.int32),
            pltpu.VMEM((_PER_W,), jnp.int32),
            pltpu.VMEM((_PER_W,), jnp.int32),
        ] + [pltpu.VMEM((CHUNK, H), jnp.float32)] * 15
          + [
            pltpu.VMEM((_PER_W,), jnp.float32),
            pltpu.VMEM((_PER_W,), jnp.float32),
        ] + [pltpu.SemaphoreType.DMA] * 5,
    )
    return kfn(a_tbl, b_tbl, src, dst, neg, wb)


def kernel(node_feat, src, dst, neg, edge_weight, h0, c0,
           W_i, W_f, W_c, W_o, T_i, T_f, T_c, T_o,
           tb_i, tb_f, tb_c, tb_o, b_i, b_f, b_c, b_o,
           W_lin, b_lin, W_src, b_src, W_dst, b_dst, W_out, b_out):
    del edge_weight
    h_new, c_new, a_tbl, b_tbl = _dense_call(
        node_feat, h0, c0,
        W_i, W_f, W_c, W_o, T_i, T_f, T_c, T_o,
        tb_i[None, :], tb_f[None, :], tb_c[None, :], tb_o[None, :],
        b_i, b_f, b_c, b_o,
        W_lin, b_lin[None, :], W_src, b_src[None, :], W_dst, b_dst[None, :])
    wb = jnp.concatenate([W_out.reshape(H), jnp.tile(b_out, 16)])
    pos_out, neg_out = _edge_call(
        a_tbl, b_tbl, src.astype(jnp.int32), dst.astype(jnp.int32),
        neg.astype(jnp.int32), wb)
    return (pos_out, neg_out, h_new, c_new)

# --- scband reference (transcript-rebuilt; emitter-appended) ---
"""Pipeline reference for scband-gclstm-model-4818953306295 (READ-ONLY COPY).

The authoritative reference and input builder live on the scoring server;
editing this copy changes nothing except your own understanding.
"""

import jax, jax.numpy as jnp
import numpy as np

N = 10000
E = 320000
D = 128
H = 32

_PARAM_SHAPES = [
    ("W_i", (D, H)), ("W_f", (D, H)), ("W_c", (D, H)), ("W_o", (D, H)),
    ("T_i", (H, H)), ("T_f", (H, H)), ("T_c", (H, H)), ("T_o", (H, H)),
    ("tb_i", (H,)), ("tb_f", (H,)), ("tb_c", (H,)), ("tb_o", (H,)),
    ("b_i", (1, H)), ("b_f", (1, H)), ("b_c", (1, H)), ("b_o", (1, H)),
    ("W_lin", (H, H)), ("b_lin", (H,)),
    ("W_src", (H, H)), ("b_src", (H,)),
    ("W_dst", (H, H)), ("b_dst", (H,)),
    ("W_out", (H, 1)), ("b_out", (1,)),
]


def setup_inputs(seed: int = 0):
    key = jax.random.key(seed)
    kx, ksrc, kdst, kneg, kw, kh, kc, kp = jax.random.split(key, 8)
    inp = {
        "node_feat": jax.random.normal(kx, (N, D), dtype=jnp.float32),
        "src": jax.random.randint(ksrc, (E,), 0, N),
        "dst": jax.random.randint(kdst, (E,), 0, N),
        "neg": jax.random.randint(kneg, (E,), 0, N),
        "edge_weight": jax.random.uniform(kw, (E,), dtype=jnp.float32),
        "h0": jax.random.normal(kh, (N, H), dtype=jnp.float32),
        "c0": jax.random.normal(kc, (N, H), dtype=jnp.float32),
    }
    pkeys = jax.random.split(kp, len(_PARAM_SHAPES))
    for (name, shape), k in zip(_PARAM_SHAPES, pkeys):
        inp[name] = jax.random.normal(k, shape, dtype=jnp.float32) * 0.05
    return inp


def reference(node_feat, src, dst, neg, edge_weight, h0, c0,
              W_i, W_f, W_c, W_o, T_i, T_f, T_c, T_o,
              tb_i, tb_f, tb_c, tb_o, b_i, b_f, b_c, b_o,
              W_lin, b_lin, W_src, b_src, W_dst, b_dst, W_out, b_out):
    # GCLSTM with K=1 ChebConv: only the T_0 = identity Chebyshev term exists,
    # so conv(Hs) = Hs @ T_* + tb_* exactly as torch_geometric ChebConv(K=1)
    # (edge_index / edge_weight are structurally unused by the conv at K=1).
    X = node_feat
    Hs, Cs = h0, c0
    I = jax.nn.sigmoid(X @ W_i + (Hs @ T_i + tb_i) + b_i)
    Fg = jax.nn.sigmoid(X @ W_f + (Hs @ T_f + tb_f) + b_f)
    Tt = jnp.tanh(X @ W_c + (Hs @ T_c + tb_c) + b_c)
    C_new = Fg * Cs + I * Tt
    O = jax.nn.sigmoid(X @ W_o + (Hs @ T_o + tb_o) + b_o)
    H_new = O * jnp.tanh(C_new)
    # RecurrentGCN head
    z = jax.nn.relu(H_new) @ W_lin + b_lin
    # link-prediction gathers (global_to_local assumed identity mapping)
    z_src = jnp.take(z, src, axis=0)
    z_dst = jnp.take(z, dst, axis=0)
    z_neg = jnp.take(z, neg, axis=0)

    def decode(za, zb):
        h = jax.nn.relu((za @ W_src + b_src) + (zb @ W_dst + b_dst))
        return jax.nn.sigmoid(h @ W_out + b_out).reshape(-1)

    pos_out = decode(z_src, z_dst)
    neg_out = decode(z_src, z_neg)
    return (pos_out, neg_out, H_new, C_new)

if __name__ == "__main__":
    import jax
    _d = setup_inputs()
    print(jax.jit(kernel)(*tuple(_d.values())))

</pallas_src>

<mosaic_0001>
#map = affine_map<(d0, d1) -> (0, 0)>
#map1 = affine_map<(d0, d1) -> (0)>
module attributes {stable_mosaic.version = 14 : i64} {
  func.func @_edge_body(%arg0: i32, %arg1: i32, %arg2: memref<10000x32xf32, #tpu.memory_space<hbm>>, %arg3: memref<10000x32xf32, #tpu.memory_space<hbm>>, %arg4: memref<320000xi32, #tpu.memory_space<hbm>>, %arg5: memref<320000xi32, #tpu.memory_space<hbm>>, %arg6: memref<320000xi32, #tpu.memory_space<hbm>>, %arg7: memref<48xf32, #tpu.memory_space<hbm>>, %arg8: memref<320000xf32, #tpu.memory_space<hbm>>, %arg9: memref<320000xf32, #tpu.memory_space<hbm>>, %arg10: memref<48xf32, #tpu.memory_space<vmem>>, %arg11: memref<10000xi32, #tpu.memory_space<vmem>>, %arg12: memref<10000xi32, #tpu.memory_space<vmem>>, %arg13: memref<10000xi32, #tpu.memory_space<vmem>>, %arg14: memref<80x32xf32, #tpu.memory_space<vmem>>, %arg15: memref<80x32xf32, #tpu.memory_space<vmem>>, %arg16: memref<80x32xf32, #tpu.memory_space<vmem>>, %arg17: memref<80x32xf32, #tpu.memory_space<vmem>>, %arg18: memref<80x32xf32, #tpu.memory_space<vmem>>, %arg19: memref<80x32xf32, #tpu.memory_space<vmem>>, %arg20: memref<80x32xf32, #tpu.memory_space<vmem>>, %arg21: memref<80x32xf32, #tpu.memory_space<vmem>>, %arg22: memref<80x32xf32, #tpu.memory_space<vmem>>, %arg23: memref<80x32xf32, #tpu.memory_space<vmem>>, %arg24: memref<80x32xf32, #tpu.memory_space<vmem>>, %arg25: memref<80x32xf32, #tpu.memory_space<vmem>>, %arg26: memref<80x32xf32, #tpu.memory_space<vmem>>, %arg27: memref<80x32xf32, #tpu.memory_space<vmem>>, %arg28: memref<80x32xf32, #tpu.memory_space<vmem>>, %arg29: memref<10000xf32, #tpu.memory_space<vmem>>, %arg30: memref<10000xf32, #tpu.memory_space<vmem>>, %arg31: memref<!tpu.dma_semaphore, #tpu.memory_space<semaphore_mem>>, %arg32: memref<!tpu.dma_semaphore, #tpu.memory_space<semaphore_mem>>, %arg33: memref<!tpu.dma_semaphore, #tpu.memory_space<semaphore_mem>>, %arg34: memref<!tpu.dma_semaphore, #tpu.memory_space<semaphore_mem>>, %arg35: memref<!tpu.dma_semaphore, #tpu.memory_space<semaphore_mem>>) attributes {dimension_semantics = [#tpu.dimension_semantics<core_parallel>, #tpu.dimension_semantics<subcore_parallel>], iteration_bounds = array<i64: 2, 16>, scalar_prefetch = 0 : i64, scratch_operands = 26 : i64, tpu.core_type = #tpu.core_type<sc_vector_subcore>, window_params = [{transform_indices = #map}, {transform_indices = #map}, {transform_indices = #map1}, {transform_indices = #map1}, {transform_indices = #map1}, {transform_indices = #map1}, {transform_indices = #map1}, {transform_indices = #map1}]} {
    %mul3A = arith.constant 2 : i32
    %mul3A_0 = arith.muli %arg1, %mul3A : i32
    %add3A = arith.addi %mul3A_0, %arg0 : i32
    %mul3A_1 = arith.constant 10000 : i32
    %mul3A_2 = arith.muli %add3A, %mul3A_1 : i32
    "tpu.region"() ({
      %run_scoped3A = tpu.sem_alloc : memref<!tpu.dma_semaphore, #tpu.memory_space<semaphore_mem>>
      tpu.enqueue_dma source(%arg7 : memref<48xf32, #tpu.memory_space<hbm>>) target(%arg10 : memref<48xf32, #tpu.memory_space<vmem>>) target_semaphore(%run_scoped3A : memref<!tpu.dma_semaphore, #tpu.memory_space<semaphore_mem>>)
      tpu.wait_dma2 semaphore(%run_scoped3A : memref<!tpu.dma_semaphore, #tpu.memory_space<semaphore_mem>>) src(%arg7 : memref<48xf32, #tpu.memory_space<hbm>>) dst(%arg10 : memref<48xf32, #tpu.memory_space<vmem>>)
      tpu.yield
    }) : () -> ()
    "tpu.region"() ({
      %run_scoped3A = tpu.sem_alloc : memref<!tpu.dma_semaphore, #tpu.memory_space<semaphore_mem>>
      %dma_start3A_68 = tpu.memref_slice %arg4[%mul3A_2] : memref<320000xi32, #tpu.memory_space<hbm>> -> memref<10000xi32, #tpu.memory_space<hbm>>
      %dma_start3A_69 = tpu.memref_slice %arg4[%mul3A_2] : memref<320000xi32, #tpu.memory_space<hbm>> -> memref<10000xi32, #tpu.memory_space<hbm>>
      tpu.enqueue_dma source(%dma_start3A_69 : memref<10000xi32, #tpu.memory_space<hbm>>) target(%arg11 : memref<10000xi32, #tpu.memory_space<vmem>>) target_semaphore(%run_scoped3A : memref<!tpu.dma_semaphore, #tpu.memory_space<semaphore_mem>>)
      %dma_wait3A = tpu.memref_slice %arg4[%mul3A_2] : memref<320000xi32, #tpu.memory_space<hbm>> -> memref<10000xi32, #tpu.memory_space<hbm>>
      %dma_wait3A_70 = tpu.memref_slice %arg4[%mul3A_2] : memref<320000xi32, #tpu.memory_space<hbm>> -> memref<10000xi32, #tpu.memory_space<hbm>>
      tpu.wait_dma2 semaphore(%run_scoped3A : memref<!tpu.dma_semaphore, #tpu.memory_space<semaphore_mem>>) src(%dma_wait3A_70 : memref<10000xi32, #tpu.memory_space<hbm>>) dst(%arg11 : memref<10000xi32, #tpu.memory_space<vmem>>)
      tpu.yield
    }) : () -> ()
    "tpu.region"() ({
      %run_scoped3A = tpu.sem_alloc : memref<!tpu.dma_semaphore, #tpu.memory_space<semaphore_mem>>
      %dma_start3A_68 = tpu.memref_slice %arg5[%mul3A_2] : memref<320000xi32, #tpu.memory_space<hbm>> -> memref<10000xi32, #tpu.memory_space<hbm>>
      %dma_start3A_69 = tpu.memref_slice %arg5[%mul3A_2] : memref<320000xi32, #tpu.memory_space<hbm>> -> memref<10000xi32, #tpu.memory_space<hbm>>
      tpu.enqueue_dma source(%dma_start3A_69 : memref<10000xi32, #tpu.memory_space<hbm>>) target(%arg12 : memref<10000xi32, #tpu.memory_space<vmem>>) target_semaphore(%run_scoped3A : memref<!tpu.dma_semaphore, #tpu.memory_space<semaphore_mem>>)
      %dma_wait3A = tpu.memref_slice %arg5[%mul3A_2] : memref<320000xi32, #tpu.memory_space<hbm>> -> memref<10000xi32, #tpu.memory_space<hbm>>
      %dma_wait3A_70 = tpu.memref_slice %arg5[%mul3A_2] : memref<320000xi32, #tpu.memory_space<hbm>> -> memref<10000xi32, #tpu.memory_space<hbm>>
      tpu.wait_dma2 semaphore(%run_scoped3A : memref<!tpu.dma_semaphore, #tpu.memory_space<semaphore_mem>>) src(%dma_wait3A_70 : memref<10000xi32, #tpu.memory_space<hbm>>) dst(%arg12 : memref<10000xi32, #tpu.memory_space<vmem>>)
      tpu.yield
    }) : () -> ()
    "tpu.region"() ({
      %run_scoped3A = tpu.sem_alloc : memref<!tpu.dma_semaphore, #tpu.memory_space<semaphore_mem>>
      %dma_start3A_68 = tpu.memref_slice %arg6[%mul3A_2] : memref<320000xi32, #tpu.memory_space<hbm>> -> memref<10000xi32, #tpu.memory_space<hbm>>
      %dma_start3A_69 = tpu.memref_slice %arg6[%mul3A_2] : memref<320000xi32, #tpu.memory_space<hbm>> -> memref<10000xi32, #tpu.memory_space<hbm>>
      tpu.enqueue_dma source(%dma_start3A_69 : memref<10000xi32, #tpu.memory_space<hbm>>) target(%arg13 : memref<10000xi32, #tpu.memory_space<vmem>>) target_semaphore(%run_scoped3A : memref<!tpu.dma_semaphore, #tpu.memory_space<semaphore_mem>>)
      %dma_wait3A = tpu.memref_slice %arg6[%mul3A_2] : memref<320000xi32, #tpu.memory_space<hbm>> -> memref<10000xi32, #tpu.memory_space<hbm>>
      %dma_wait3A_70 = tpu.memref_slice %arg6[%mul3A_2] : memref<320000xi32, #tpu.memory_space<hbm>> -> memref<10000xi32, #tpu.memory_space<hbm>>
      tpu.wait_dma2 semaphore(%run_scoped3A : memref<!tpu.dma_semaphore, #tpu.memory_space<semaphore_mem>>) src(%dma_wait3A_70 : memref<10000xi32, #tpu.memory_space<hbm>>) dst(%arg13 : memref<10000xi32, #tpu.memory_space<vmem>>)
      tpu.yield
    }) : () -> ()
    %dma_start3A = arith.constant 0 : i32
    %dma_start3A_3 = tpu.memref_slice %arg11[%dma_start3A] : memref<10000xi32, #tpu.memory_space<vmem>> -> memref<80xi32, #tpu.memory_space<vmem>>
    %dma_start3A_4 = arith.constant 0 : i32
    %dma_start3A_5 = arith.constant 0 : i32
    %dma_start3A_6 = tpu.memref_slice %arg2[%dma_start3A_4, %dma_start3A_5] : memref<10000x32xf32, #tpu.memory_space<hbm>> -> memref<10000x32xf32, #tpu.memory_space<hbm>>
    tpu.enqueue_indirect_dma source(%dma_start3A_6 : memref<10000x32xf32, #tpu.memory_space<hbm>>) target(%arg14 : memref<80x32xf32, #tpu.memory_space<vmem>>) offsets(%dma_start3A_3 : memref<80xi32, #tpu.memory_space<vmem>>) semaphore(%arg31 : memref<!tpu.dma_semaphore, #tpu.memory_space<semaphore_mem>>)
    %dma_start3A_7 = arith.constant 0 : i32
    %dma_start3A_8 = tpu.memref_slice %arg12[%dma_start3A_7] : memref<10000xi32, #tpu.memory_space<vmem>> -> memref<80xi32, #tpu.memory_space<vmem>>
    %dma_start3A_9 = arith.constant 0 : i32
    %dma_start3A_10 = arith.constant 0 : i32
    %dma_start3A_11 = tpu.memref_slice %arg3[%dma_start3A_9, %dma_start3A_10] : memref<10000x32xf32, #tpu.memory_space<hbm>> -> memref<10000x32xf32, #tpu.memory_space<hbm>>
    tpu.enqueue_indirect_dma source(%dma_start3A_11 : memref<10000x32xf32, #tpu.memory_space<hbm>>) target(%arg15 : memref<80x32xf32, #tpu.memory_space<vmem>>) offsets(%dma_start3A_8 : memref<80xi32, #tpu.memory_space<vmem>>) semaphore(%arg31 : memref<!tpu.dma_semaphore, #tpu.memory_space<semaphore_mem>>)
    %dma_start3A_12 = arith.constant 0 : i32
    %dma_start3A_13 = tpu.memref_slice %arg13[%dma_start3A_12] : memref<10000xi32, #tpu.memory_space<vmem>> -> memref<80xi32, #tpu.memory_space<vmem>>
    %dma_start3A_14 = arith.constant 0 : i32
    %dma_start3A_15 = arith.constant 0 : i32
    %dma_start3A_16 = tpu.memref_slice %arg3[%dma_start3A_14, %dma_start3A_15] : memref<10000x32xf32, #tpu.memory_space<hbm>> -> memref<10000x32xf32, #tpu.memory_space<hbm>>
    tpu.enqueue_indirect_dma source(%dma_start3A_16 : memref<10000x32xf32, #tpu.memory_space<hbm>>) target(%arg16 : memref<80x32xf32, #tpu.memory_space<vmem>>) offsets(%dma_start3A_13 : memref<80xi32, #tpu.memory_space<vmem>>) semaphore(%arg31 : memref<!tpu.dma_semaphore, #tpu.memory_space<semaphore_mem>>)
    %dma_start3A_17 = arith.constant 80 : i32
    %dma_start3A_18 = tpu.memref_slice %arg11[%dma_start3A_17] : memref<10000xi32, #tpu.memory_space<vmem>> -> memref<80xi32, #tpu.memory_space<vmem>>
    %dma_start3A_19 = arith.constant 0 : i32
    %dma_start3A_20 = arith.constant 0 : i32
    %dma_start3A_21 = tpu.memref_slice %arg2[%dma_start3A_19, %dma_start3A_20] : memref<10000x32xf32, #tpu.memory_space<hbm>> -> memref<10000x32xf32, #tpu.memory_space<hbm>>
    tpu.enqueue_indirect_dma source(%dma_start3A_21 : memref<10000x32xf32, #tpu.memory_space<hbm>>) target(%arg17 : memref<80x32xf32, #tpu.memory_space<vmem>>) offsets(%dma_start3A_18 : memref<80xi32, #tpu.memory_space<vmem>>) semaphore(%arg32 : memref<!tpu.dma_semaphore, #tpu.memory_space<semaphore_mem>>)
    %dma_start3A_22 = arith.constant 80 : i32
    %dma_start3A_23 = tpu.memref_slice %arg12[%dma_start3A_22] : memref<10000xi32, #tpu.memory_space<vmem>> -> memref<80xi32, #tpu.memory_space<vmem>>
    %dma_start3A_24 = arith.constant 0 : i32
    %dma_start3A_25 = arith.constant 0 : i32
    %dma_start3A_26 = tpu.memref_slice %arg3[%dma_start3A_24, %dma_start3A_25] : memref<10000x32xf32, #tpu.memory_space<hbm>> -> memref<10000x32xf32, #tpu.memory_space<hbm>>
    tpu.enqueue_indirect_dma source(%dma_start3A_26 : memref<10000x32xf32, #tpu.memory_space<hbm>>) target(%arg18 : memref<80x32xf32, #tpu.memory_space<vmem>>) offsets(%dma_start3A_23 : memref<80xi32, #tpu.memory_space<vmem>>) semaphore(%arg32 : memref<!tpu.dma_semaphore, #tpu.memory_space<semaphore_mem>>)
    %dma_start3A_27 = arith.constant 80 : i32
    %dma_start3A_28 = tpu.memref_slice %arg13[%dma_start3A_27] : memref<10000xi32, #tpu.memory_space<vmem>> -> memref<80xi32, #tpu.memory_space<vmem>>
    %dma_start3A_29 = arith.constant 0 : i32
    %dma_start3A_30 = arith.constant 0 : i32
    %dma_start3A_31 = tpu.memref_slice %arg3[%dma_start3A_29, %dma_start3A_30] : memref<10000x32xf32, #tpu.memory_space<hbm>> -> memref<10000x32xf32, #tpu.memory_space<hbm>>
    tpu.enqueue_indirect_dma source(%dma_start3A_31 : memref<10000x32xf32, #tpu.memory_space<hbm>>) target(%arg19 : memref<80x32xf32, #tpu.memory_space<vmem>>) offsets(%dma_start3A_28 : memref<80xi32, #tpu.memory_space<vmem>>) semaphore(%arg32 : memref<!tpu.dma_semaphore, #tpu.memory_space<semaphore_mem>>)
    %dma_start3A_32 = arith.constant 160 : i32
    %dma_start3A_33 = tpu.memref_slice %arg11[%dma_start3A_32] : memref<10000xi32, #tpu.memory_space<vmem>> -> memref<80xi32, #tpu.memory_space<vmem>>
    %dma_start3A_34 = arith.constant 0 : i32
    %dma_start3A_35 = arith.constant 0 : i32
    %dma_start3A_36 = tpu.memref_slice %arg2[%dma_start3A_34, %dma_start3A_35] : memref<10000x32xf32, #tpu.memory_space<hbm>> -> memref<10000x32xf32, #tpu.memory_space<hbm>>
    tpu.enqueue_indirect_dma source(%dma_start3A_36 : memref<10000x32xf32, #tpu.memory_space<hbm>>) target(%arg20 : memref<80x32xf32, #tpu.memory_space<vmem>>) offsets(%dma_start3A_33 : memref<80xi32, #tpu.memory_space<vmem>>) semaphore(%arg33 : memref<!tpu.dma_semaphore, #tpu.memory_space<semaphore_mem>>)
    %dma_start3A_37 = arith.constant 160 : i32
    %dma_start3A_38 = tpu.memref_slice %arg12[%dma_start3A_37] : memref<10000xi32, #tpu.memory_space<vmem>> -> memref<80xi32, #tpu.memory_space<vmem>>
    %dma_start3A_39 = arith.constant 0 : i32
    %dma_start3A_40 = arith.constant 0 : i32
    %dma_start3A_41 = tpu.memref_slice %arg3[%dma_start3A_39, %dma_start3A_40] : memref<10000x32xf32, #tpu.memory_space<hbm>> -> memref<10000x32xf32, #tpu.memory_space<hbm>>
    tpu.enqueue_indirect_dma source(%dma_start3A_41 : memref<10000x32xf32, #tpu.memory_space<hbm>>) target(%arg21 : memref<80x32xf32, #tpu.memory_space<vmem>>) offsets(%dma_start3A_38 : memref<80xi32, #tpu.memory_space<vmem>>) semaphore(%arg33 : memref<!tpu.dma_semaphore, #tpu.memory_space<semaphore_mem>>)
    %dma_start3A_42 = arith.constant 160 : i32
    %dma_start3A_43 = tpu.memref_slice %arg13[%dma_start3A_42] : memref<10000xi32, #tpu.memory_space<vmem>> -> memref<80xi32, #tpu.memory_space<vmem>>
    %dma_start3A_44 = arith.constant 0 : i32
    %dma_start3A_45 = arith.constant 0 : i32
    %dma_start3A_46 = tpu.memref_slice %arg3[%dma_start3A_44, %dma_start3A_45] : memref<10000x32xf32, #tpu.memory_space<hbm>> -> memref<10000x32xf32, #tpu.memory_space<hbm>>
    tpu.enqueue_indirect_dma source(%dma_start3A_46 : memref<10000x32xf32, #tpu.memory_space<hbm>>) target(%arg22 : memref<80x32xf32, #tpu.memory_space<vmem>>) offsets(%dma_start3A_43 : memref<80xi32, #tpu.memory_space<vmem>>) semaphore(%arg33 : memref<!tpu.dma_semaphore, #tpu.memory_space<semaphore_mem>>)
    %dma_start3A_47 = arith.constant 240 : i32
    %dma_start3A_48 = tpu.memref_slice %arg11[%dma_start3A_47] : memref<10000xi32, #tpu.memory_space<vmem>> -> memref<80xi32, #tpu.memory_space<vmem>>
    %dma_start3A_49 = arith.constant 0 : i32
    %dma_start3A_50 = arith.constant 0 : i32
    %dma_start3A_51 = tpu.memref_slice %arg2[%dma_start3A_49, %dma_start3A_50] : memref<10000x32xf32, #tpu.memory_space<hbm>> -> memref<10000x32xf32, #tpu.memory_space<hbm>>
    tpu.enqueue_indirect_dma source(%dma_start3A_51 : memref<10000x32xf32, #tpu.memory_space<hbm>>) target(%arg23 : memref<80x32xf32, #tpu.memory_space<vmem>>) offsets(%dma_start3A_48 : memref<80xi32, #tpu.memory_space<vmem>>) semaphore(%arg34 : memref<!tpu.dma_semaphore, #tpu.memory_space<semaphore_mem>>)
    %dma_start3A_52 = arith.constant 240 : i32
    %dma_start3A_53 = tpu.memref_slice %arg12[%dma_start3A_52] : memref<10000xi32, #tpu.memory_space<vmem>> -> memref<80xi32, #tpu.memory_space<vmem>>
    %dma_start3A_54 = arith.constant 0 : i32
    %dma_start3A_55 = arith.constant 0 : i32
    %dma_start3A_56 = tpu.memref_slice %arg3[%dma_start3A_54, %dma_start3A_55] : memref<10000x32xf32, #tpu.memory_space<hbm>> -> memref<10000x32xf32, #tpu.memory_space<hbm>>
    tpu.enqueue_indirect_dma source(%dma_start3A_56 : memref<10000x32xf32, #tpu.memory_space<hbm>>) target(%arg24 : memref<80x32xf32, #tpu.memory_space<vmem>>) offsets(%dma_start3A_53 : memref<80xi32, #tpu.memory_space<vmem>>) semaphore(%arg34 : memref<!tpu.dma_semaphore, #tpu.memory_space<semaphore_mem>>)
    %dma_start3A_57 = arith.constant 240 : i32
    %dma_start3A_58 = tpu.memref_slice %arg13[%dma_start3A_57] : memref<10000xi32, #tpu.memory_space<vmem>> -> memref<80xi32, #tpu.memory_space<vmem>>
    %dma_start3A_59 = arith.constant 0 : i32
    %dma_start3A_60 = arith.constant 0 : i32
    %dma_start3A_61 = tpu.memref_slice %arg3[%dma_start3A_59, %dma_start3A_60] : memref<10000x32xf32, #tpu.memory_space<hbm>> -> memref<10000x32xf32, #tpu.memory_space<hbm>>
    tpu.enqueue_indirect_dma source(%dma_start3A_61 : memref<10000x32xf32, #tpu.memory_space<hbm>>) target(%arg25 : memref<80x32xf32, #tpu.memory_space<vmem>>) offsets(%dma_start3A_58 : memref<80xi32, #tpu.memory_space<vmem>>) semaphore(%arg34 : memref<!tpu.dma_semaphore, #tpu.memory_space<semaphore_mem>>)
    %scan3A = arith.constant 0 : i32
    %scan3A_62 = arith.constant 0 : i32
    %scan3A_63 = arith.constant 25 : i32
    %scan3A_64 = arith.addi %scan3A_62, %scan3A_63 : i32
    %scan3A_65 = arith.constant 1 : i32
    %scan3A_66 = scf.for %scan3A_68 = %scan3A_62 to %scan3A_64 step %scan3A_65 iter_args(%scan3A_69 = %scan3A) -> (i32)  : i32 {
      %mul3A_70 = arith.constant 5 : i32
      %mul3A_71 = arith.muli %mul3A_70, %scan3A_68 : i32
      %add3A_72 = arith.constant 0 : i32
      %add3A_73 = arith.addi %mul3A_71, %add3A_72 : i32
      %mul3A_74 = arith.constant 80 : i32
      %mul3A_75 = arith.muli %add3A_73, %mul3A_74 : i32
      %dma_wait3A = tpu.memref_slice %arg11[%mul3A_75] : memref<10000xi32, #tpu.memory_space<vmem>> -> memref<80xi32, #tpu.memory_space<vmem>>
      %dma_wait3A_76 = arith.constant 0 : i32
      %dma_wait3A_77 = arith.constant 0 : i32
      %dma_wait3A_78 = tpu.memref_slice %arg2[%dma_wait3A_76, %dma_wait3A_77] : memref<10000x32xf32, #tpu.memory_space<hbm>> -> memref<10000x32xf32, #tpu.memory_space<hbm>>
      tpu.wait_indirect_dma semaphore(%arg31 : memref<!tpu.dma_semaphore, #tpu.memory_space<semaphore_mem>>) src(%dma_wait3A_78 : memref<10000x32xf32, #tpu.memory_space<hbm>>) dst(%arg14 : memref<80x32xf32, #tpu.memory_space<vmem>>)
      %dma_wait3A_79 = tpu.memref_slice %arg12[%mul3A_75] : memref<10000xi32, #tpu.memory_space<vmem>> -> memref<80xi32, #tpu.memory_space<vmem>>
      %dma_wait3A_80 = arith.constant 0 : i32
      %dma_wait3A_81 = arith.constant 0 : i32
      %dma_wait3A_82 = tpu.memref_slice %arg3[%dma_wait3A_80, %dma_wait3A_81] : memref<10000x32xf32, #tpu.memory_space<hbm>> -> memref<10000x32xf32, #tpu.memory_space<hbm>>
      tpu.wait_indirect_dma semaphore(%arg31 : memref<!tpu.dma_semaphore, #tpu.memory_space<semaphore_mem>>) src(%dma_wait3A_82 : memref<10000x32xf32, #tpu.memory_space<hbm>>) dst(%arg15 : memref<80x32xf32, #tpu.memory_space<vmem>>)
      %dma_wait3A_83 = tpu.memref_slice %arg13[%mul3A_75] : memref<10000xi32, #tpu.memory_space<vmem>> -> memref<80xi32, #tpu.memory_space<vmem>>
      %dma_wait3A_84 = arith.constant 0 : i32
      %dma_wait3A_85 = arith.constant 0 : i32
      %dma_wait3A_86 = tpu.memref_slice %arg3[%dma_wait3A_84, %dma_wait3A_85] : memref<10000x32xf32, #tpu.memory_space<hbm>> -> memref<10000x32xf32, #tpu.memory_space<hbm>>
      tpu.wait_indirect_dma semaphore(%arg31 : memref<!tpu.dma_semaphore, #tpu.memory_space<semaphore_mem>>) src(%dma_wait3A_86 : memref<10000x32xf32, #tpu.memory_space<hbm>>) dst(%arg16 : memref<80x32xf32, #tpu.memory_space<vmem>>)
      %add3A_87 = arith.constant 4 : i32
      %add3A_88 = arith.addi %add3A_73, %add3A_87 : i32
      %lt3A = arith.constant 125 : i32
      %lt3A_89 = arith.cmpi slt, %add3A_88, %lt3A : i32
      %convert_element_type3A = arith.extui %lt3A_89 : i1 to i32
      %cond3A = arith.constant 0 : i32
      %cond3A_90 = arith.cmpi ne, %convert_element_type3A, %cond3A : i32
      scf.if %cond3A_90 {
        %mul3A_227 = arith.constant 80 : i32
        %mul3A_228 = arith.muli %add3A_88, %mul3A_227 : i32
        %dma_start3A_229 = tpu.memref_slice %arg11[%mul3A_228] : memref<10000xi32, #tpu.memory_space<vmem>> -> memref<80xi32, #tpu.memory_space<vmem>>
        %dma_start3A_230 = arith.constant 0 : i32
        %dma_start3A_231 = arith.constant 0 : i32
        %dma_start3A_232 = tpu.memref_slice %arg2[%dma_start3A_230, %dma_start3A_231] : memref<10000x32xf32, #tpu.memory_space<hbm>> -> memref<10000x32xf32, #tpu.memory_space<hbm>>
        tpu.enqueue_indirect_dma source(%dma_start3A_232 : memref<10000x32xf32, #tpu.memory_space<hbm>>) target(%arg26 : memref<80x32xf32, #tpu.memory_space<vmem>>) offsets(%dma_start3A_229 : memref<80xi32, #tpu.memory_space<vmem>>) semaphore(%arg35 : memref<!tpu.dma_semaphore, #tpu.memory_space<semaphore_mem>>)
        %dma_start3A_233 = tpu.memref_slice %arg12[%mul3A_228] : memref<10000xi32, #tpu.memory_space<vmem>> -> memref<80xi32, #tpu.memory_space<vmem>>
        %dma_start3A_234 = arith.constant 0 : i32
        %dma_start3A_235 = arith.constant 0 : i32
        %dma_start3A_236 = tpu.memref_slice %arg3[%dma_start3A_234, %dma_start3A_235] : memref<10000x32xf32, #tpu.memory_space<hbm>> -> memref<10000x32xf32, #tpu.memory_space<hbm>>
        tpu.enqueue_indirect_dma source(%dma_start3A_236 : memref<10000x32xf32, #tpu.memory_space<hbm>>) target(%arg27 : memref<80x32xf32, #tpu.memory_space<vmem>>) offsets(%dma_start3A_233 : memref<80xi32, #tpu.memory_space<vmem>>) semaphore(%arg35 : memref<!tpu.dma_semaphore, #tpu.memory_space<semaphore_mem>>)
        %dma_start3A_237 = tpu.memref_slice %arg13[%mul3A_228] : memref<10000xi32, #tpu.memory_space<vmem>> -> memref<80xi32, #tpu.memory_space<vmem>>
        %dma_start3A_238 = arith.constant 0 : i32
        %dma_start3A_239 = arith.constant 0 : i32
        %dma_start3A_240 = tpu.memref_slice %arg3[%dma_start3A_238, %dma_start3A_239] : memref<10000x32xf32, #tpu.memory_space<hbm>> -> memref<10000x32xf32, #tpu.memory_space<hbm>>
        tpu.enqueue_indirect_dma source(%dma_start3A_240 : memref<10000x32xf32, #tpu.memory_space<hbm>>) target(%arg28 : memref<80x32xf32, #tpu.memory_space<vmem>>) offsets(%dma_start3A_237 : memref<80xi32, #tpu.memory_space<vmem>>) semaphore(%arg35 : memref<!tpu.dma_semaphore, #tpu.memory_space<semaphore_mem>>)
      } else {
      }
      %scan3A_91 = arith.constant 0 : i32
      %scan3A_92 = arith.constant 0 : i32
      %scan3A_93 = arith.constant 5 : i32
      %scan3A_94 = arith.addi %scan3A_92, %scan3A_93 : i32
      %scan3A_95 = arith.constant 1 : i32
      %scan3A_96 = scf.for %scan3A_227 = %scan3A_92 to %scan3A_94 step %scan3A_95 iter_args(%scan3A_228 = %scan3A_91) -> (i32)  : i32 {
        %iota3A = tpu.iota {dimensions = array<i32: 0>} : vector<16xi32>
        %mul3A_229 = arith.constant 16 : i32
        %mul3A_230 = arith.muli %scan3A_227, %mul3A_229 : i32
        %add3A_231 = vector.broadcast %mul3A_230 : i32 to vector<16xi32>
        %add3A_232 = arith.addi %add3A_231, %iota3A : vector<16xi32>
        %broadcast_in_dim3A = arith.constant 0.000000e+00 : f32
        %broadcast_in_dim3A_233 = vector.broadcast %broadcast_in_dim3A : f32 to vector<16xf32>
        %broadcast_in_dim3A_234 = arith.constant 0.000000e+00 : f32
        %broadcast_in_dim3A_235 = vector.broadcast %broadcast_in_dim3A_234 : f32 to vector<16xf32>
        %scan3A_236 = arith.constant 0 : i32
        %scan3A_237 = arith.constant 4 : i32
        %scan3A_238 = arith.addi %scan3A_236, %scan3A_237 : i32
        %scan3A_239 = arith.constant 1 : i32
        %scan3A_240:2 = scf.for %scan3A_273 = %scan3A_236 to %scan3A_238 step %scan3A_239 iter_args(%scan3A_274 = %broadcast_in_dim3A_233, %scan3A_275 = %broadcast_in_dim3A_235) -> (vector<16xf32>, vector<16xf32>)  : i32 {
          %mul3A_276 = arith.constant 8 : i32
          %mul3A_277 = arith.muli %scan3A_273, %mul3A_276 : i32
          %add3A_278 = arith.constant 0 : i32
          %add3A_279 = arith.addi %mul3A_277, %add3A_278 : i32
          %add3A_280 = vector.broadcast %add3A_279 : i32 to vector<16xi32>
          %add3A_281 = arith.addi %iota3A, %add3A_280 : vector<16xi32>
          %and3A = arith.constant 31 : i32
          %and3A_282 = vector.broadcast %and3A : i32 to vector<16xi32>
          %and3A_283 = arith.andi %add3A_281, %and3A_282 : vector<16xi32>
          %gather3A_284 = tpu.vector_load_idx %arg14[%add3A_232, %and3A_283] : memref<80x32xf32, #tpu.memory_space<vmem>>[vector<16xi32>, vector<16xi32>], vector<16xf32>,
          %gather3A_285 = tpu.vector_load_idx %arg15[%add3A_232, %and3A_283] : memref<80x32xf32, #tpu.memory_space<vmem>>[vector<16xi32>, vector<16xi32>], vector<16xf32>,
          %gather3A_286 = tpu.vector_load_idx %arg16[%add3A_232, %and3A_283] : memref<80x32xf32, #tpu.memory_space<vmem>>[vector<16xi32>, vector<16xi32>], vector<16xf32>,
          %gather3A_287 = tpu.vector_load_idx %arg10[%and3A_283] : memref<48xf32, #tpu.memory_space<vmem>>[vector<16xi32>], vector<16xf32>,
          %add3A_288 = arith.addf %gather3A_284, %gather3A_285 : vector<16xf32>
          %max3A = arith.constant 0.000000e+00 : f32
          %max3A_289 = vector.broadcast %max3A : f32 to vector<16xf32>
          %max3A_290 = arith.maximumf %add3A_288, %max3A_289 : vector<16xf32>
          %mul3A_291 = arith.mulf %max3A_290, %gather3A_287 : vector<16xf32>
          %add3A_292 = arith.addf %scan3A_274, %mul3A_291 : vector<16xf32>
          %add3A_293 = arith.addf %gather3A_284, %gather3A_286 : vector<16xf32>
          %max3A_294 = arith.constant 0.000000e+00 : f32
          %max3A_295 = vector.broadcast %max3A_294 : f32 to vector<16xf32>
          %max3A_296 = arith.maximumf %add3A_293, %max3A_295 : vector<16xf32>
          %mul3A_297 = arith.mulf %max3A_296, %gather3A_287 : vector<16xf32>
          %add3A_298 = arith.addf %scan3A_275, %mul3A_297 : vector<16xf32>
          %mul3A_299 = arith.constant 8 : i32
          %mul3A_300 = arith.muli %scan3A_273, %mul3A_299 : i32
          %add3A_301 = arith.constant 1 : i32
          %add3A_302 = arith.addi %mul3A_300, %add3A_301 : i32
          %add3A_303 = vector.broadcast %add3A_302 : i32 to vector<16xi32>
          %add3A_304 = arith.addi %iota3A, %add3A_303 : vector<16xi32>
          %and3A_305 = arith.constant 31 : i32
          %and3A_306 = vector.broadcast %and3A_305 : i32 to vector<16xi32>
          %and3A_307 = arith.andi %add3A_304, %and3A_306 : vector<16xi32>
          %gather3A_308 = tpu.vector_load_idx %arg14[%add3A_232, %and3A_307] : memref<80x32xf32, #tpu.memory_space<vmem>>[vector<16xi32>, vector<16xi32>], vector<16xf32>,
          %gather3A_309 = tpu.vector_load_idx %arg15[%add3A_232, %and3A_307] : memref<80x32xf32, #tpu.memory_space<vmem>>[vector<16xi32>, vector<16xi32>], vector<16xf32>,
          %gather3A_310 = tpu.vector_load_idx %arg16[%add3A_232, %and3A_307] : memref<80x32xf32, #tpu.memory_space<vmem>>[vector<16xi32>, vector<16xi32>], vector<16xf32>,
          %gather3A_311 = tpu.vector_load_idx %arg10[%and3A_307] : memref<48xf32, #tpu.memory_space<vmem>>[vector<16xi32>], vector<16xf32>,
          %add3A_312 = arith.addf %gather3A_308, %gather3A_309 : vector<16xf32>
          %max3A_313 = arith.constant 0.000000e+00 : f32
          %max3A_314 = vector.broadcast %max3A_313 : f32 to vector<16xf32>
          %max3A_315 = arith.maximumf %add3A_312, %max3A_314 : vector<16xf32>
          %mul3A_316 = arith.mulf %max3A_315, %gather3A_311 : vector<16xf32>
          %add3A_317 = arith.addf %add3A_292, %mul3A_316 : vector<16xf32>
          %add3A_318 = arith.addf %gather3A_308, %gather3A_310 : vector<16xf32>
          %max3A_319 = arith.constant 0.000000e+00 : f32
          %max3A_320 = vector.broadcast %max3A_319 : f32 to vector<16xf32>
          %max3A_321 = arith.maximumf %add3A_318, %max3A_320 : vector<16xf32>
          %mul3A_322 = arith.mulf %max3A_321, %gather3A_311 : vector<16xf32>
          %add3A_323 = arith.addf %add3A_298, %mul3A_322 : vector<16xf32>
          %mul3A_324 = arith.constant 8 : i32
          %mul3A_325 = arith.muli %scan3A_273, %mul3A_324 : i32
          %add3A_326 = arith.constant 2 : i32
          %add3A_327 = arith.addi %mul3A_325, %add3A_326 : i32
          %add3A_328 = vector.broadcast %add3A_327 : i32 to vector<16xi32>
          %add3A_329 = arith.addi %iota3A, %add3A_328 : vector<16xi32>
          %and3A_330 = arith.constant 31 : i32
          %and3A_331 = vector.broadcast %and3A_330 : i32 to vector<16xi32>
          %and3A_332 = arith.andi %add3A_329, %and3A_331 : vector<16xi32>
          %gather3A_333 = tpu.vector_load_idx %arg14[%add3A_232, %and3A_332] : memref<80x32xf32, #tpu.memory_space<vmem>>[vector<16xi32>, vector<16xi32>], vector<16xf32>,
          %gather3A_334 = tpu.vector_load_idx %arg15[%add3A_232, %and3A_332] : memref<80x32xf32, #tpu.memory_space<vmem>>[vector<16xi32>, vector<16xi32>], vector<16xf32>,
          %gather3A_335 = tpu.vector_load_idx %arg16[%add3A_232, %and3A_332] : memref<80x32xf32, #tpu.memory_space<vmem>>[vector<16xi32>, vector<16xi32>], vector<16xf32>,
          %gather3A_336 = tpu.vector_load_idx %arg10[%and3A_332] : memref<48xf32, #tpu.memory_space<vmem>>[vector<16xi32>], vector<16xf32>,
          %add3A_337 = arith.addf %gather3A_333, %gather3A_334 : vector<16xf32>
          %max3A_338 = arith.constant 0.000000e+00 : f32
          %max3A_339 = vector.broadcast %max3A_338 : f32 to vector<16xf32>
          %max3A_340 = arith.maximumf %add3A_337, %max3A_339 : vector<16xf32>
          %mul3A_341 = arith.mulf %max3A_340, %gather3A_336 : vector<16xf32>
          %add3A_342 = arith.addf %add3A_317, %mul3A_341 : vector<16xf32>
          %add3A_343 = arith.addf %gather3A_333, %gather3A_335 : vector<16xf32>
          %max3A_344 = arith.constant 0.000000e+00 : f32
          %max3A_345 = vector.broadcast %max3A_344 : f32 to vector<16xf32>
          %max3A_346 = arith.maximumf %add3A_343, %max3A_345 : vector<16xf32>
          %mul3A_347 = arith.mulf %max3A_346, %gather3A_336 : vector<16xf32>
          %add3A_348 = arith.addf %add3A_323, %mul3A_347 : vector<16xf32>
          %mul3A_349 = arith.constant 8 : i32
          %mul3A_350 = arith.muli %scan3A_273, %mul3A_349 : i32
          %add3A_351 = arith.constant 3 : i32
          %add3A_352 = arith.addi %mul3A_350, %add3A_351 : i32
          %add3A_353 = vector.broadcast %add3A_352 : i32 to vector<16xi32>
          %add3A_354 = arith.addi %iota3A, %add3A_353 : vector<16xi32>
          %and3A_355 = arith.constant 31 : i32
          %and3A_356 = vector.broadcast %and3A_355 : i32 to vector<16xi32>
          %and3A_357 = arith.andi %add3A_354, %and3A_356 : vector<16xi32>
          %gather3A_358 = tpu.vector_load_idx %arg14[%add3A_232, %and3A_357] : memref<80x32xf32, #tpu.memory_space<vmem>>[vector<16xi32>, vector<16xi32>], vector<16xf32>,
          %gather3A_359 = tpu.vector_load_idx %arg15[%add3A_232, %and3A_357] : memref<80x32xf32, #tpu.memory_space<vmem>>[vector<16xi32>, vector<16xi32>], vector<16xf32>,
          %gather3A_360 = tpu.vector_load_idx %arg16[%add3A_232, %and3A_357] : memref<80x32xf32, #tpu.memory_space<vmem>>[vector<16xi32>, vector<16xi32>], vector<16xf32>,
          %gather3A_361 = tpu.vector_load_idx %arg10[%and3A_357] : memref<48xf32, #tpu.memory_space<vmem>>[vector<16xi32>], vector<16xf32>,
          %add3A_362 = arith.addf %gather3A_358, %gather3A_359 : vector<16xf32>
          %max3A_363 = arith.constant 0.000000e+00 : f32
          %max3A_364 = vector.broadcast %max3A_363 : f32 to vector<16xf32>
          %max3A_365 = arith.maximumf %add3A_362, %max3A_364 : vector<16xf32>
          %mul3A_366 = arith.mulf %max3A_365, %gather3A_361 : vector<16xf32>
          %add3A_367 = arith.addf %add3A_342, %mul3A_366 : vector<16xf32>
          %add3A_368 = arith.addf %gather3A_358, %gather3A_360 : vector<16xf32>
          %max3A_369 = arith.constant 0.000000e+00 : f32
          %max3A_370 = vector.broadcast %max3A_369 : f32 to vector<16xf32>
          %max3A_371 = arith.maximumf %add3A_368, %max3A_370 : vector<16xf32>
          %mul3A_372 = arith.mulf %max3A_371, %gather3A_361 : vector<16xf32>
          %add3A_373 = arith.addf %add3A_348, %mul3A_372 : vector<16xf32>
          %mul3A_374 = arith.constant 8 : i32
          %mul3A_375 = arith.muli %scan3A_273, %mul3A_374 : i32
          %add3A_376 = arith.constant 4 : i32
          %add3A_377 = arith.addi %mul3A_375, %add3A_376 : i32
          %add3A_378 = vector.broadcast %add3A_377 : i32 to vector<16xi32>
          %add3A_379 = arith.addi %iota3A, %add3A_378 : vector<16xi32>
          %and3A_380 = arith.constant 31 : i32
          %and3A_381 = vector.broadcast %and3A_380 : i32 to vector<16xi32>
          %and3A_382 = arith.andi %add3A_379, %and3A_381 : vector<16xi32>
          %gather3A_383 = tpu.vector_load_idx %arg14[%add3A_232, %and3A_382] : memref<80x32xf32, #tpu.memory_space<vmem>>[vector<16xi32>, vector<16xi32>], vector<16xf32>,
          %gather3A_384 = tpu.vector_load_idx %arg15[%add3A_232, %and3A_382] : memref<80x32xf32, #tpu.memory_space<vmem>>[vector<16xi32>, vector<16xi32>], vector<16xf32>,
          %gather3A_385 = tpu.vector_load_idx %arg16[%add3A_232, %and3A_382] : memref<80x32xf32, #tpu.memory_space<vmem>>[vector<16xi32>, vector<16xi32>], vector<16xf32>,
          %gather3A_386 = tpu.vector_load_idx %arg10[%and3A_382] : memref<48xf32, #tpu.memory_space<vmem>>[vector<16xi32>], vector<16xf32>,
          %add3A_387 = arith.addf %gather3A_383, %gather3A_384 : vector<16xf32>
          %max3A_388 = arith.constant 0.000000e+00 : f32
          %max3A_389 = vector.broadcast %max3A_388 : f32 to vector<16xf32>
          %max3A_390 = arith.maximumf %add3A_387, %max3A_389 : vector<16xf32>
          %mul3A_391 = arith.mulf %max3A_390, %gather3A_386 : vector<16xf32>
          %add3A_392 = arith.addf %add3A_367, %mul3A_391 : vector<16xf32>
          %add3A_393 = arith.addf %gather3A_383, %gather3A_385 : vector<16xf32>
          %max3A_394 = arith.constant 0.000000e+00 : f32
          %max3A_395 = vector.broadcast %max3A_394 : f32 to vector<16xf32>
          %max3A_396 = arith.maximumf %add3A_393, %max3A_395 : vector<16xf32>
          %mul3A_397 = arith.mulf %max3A_396, %gather3A_386 : vector<16xf32>
          %add3A_398 = arith.addf %add3A_373, %mul3A_397 : vector<16xf32>
          %mul3A_399 = arith.constant 8 : i32
          %mul3A_400 = arith.muli %scan3A_273, %mul3A_399 : i32
          %add3A_401 = arith.constant 5 : i32
          %add3A_402 = arith.addi %mul3A_400, %add3A_401 : i32
          %add3A_403 = vector.broadcast %add3A_402 : i32 to vector<16xi32>
          %add3A_404 = arith.addi %iota3A, %add3A_403 : vector<16xi32>
          %and3A_405 = arith.constant 31 : i32
          %and3A_406 = vector.broadcast %and3A_405 : i32 to vector<16xi32>
          %and3A_407 = arith.andi %add3A_404, %and3A_406 : vector<16xi32>
          %gather3A_408 = tpu.vector_load_idx %arg14[%add3A_232, %and3A_407] : memref<80x32xf32, #tpu.memory_space<vmem>>[vector<16xi32>, vector<16xi32>], vector<16xf32>,
          %gather3A_409 = tpu.vector_load_idx %arg15[%add3A_232, %and3A_407] : memref<80x32xf32, #tpu.memory_space<vmem>>[vector<16xi32>, vector<16xi32>], vector<16xf32>,
          %gather3A_410 = tpu.vector_load_idx %arg16[%add3A_232, %and3A_407] : memref<80x32xf32, #tpu.memory_space<vmem>>[vector<16xi32>, vector<16xi32>], vector<16xf32>,
          %gather3A_411 = tpu.vector_load_idx %arg10[%and3A_407] : memref<48xf32, #tpu.memory_space<vmem>>[vector<16xi32>], vector<16xf32>,
          %add3A_412 = arith.addf %gather3A_408, %gather3A_409 : vector<16xf32>
          %max3A_413 = arith.constant 0.000000e+00 : f32
          %max3A_414 = vector.broadcast %max3A_413 : f32 to vector<16xf32>
          %max3A_415 = arith.maximumf %add3A_412, %max3A_414 : vector<16xf32>
          %mul3A_416 = arith.mulf %max3A_415, %gather3A_411 : vector<16xf32>
          %add3A_417 = arith.addf %add3A_392, %mul3A_416 : vector<16xf32>
          %add3A_418 = arith.addf %gather3A_408, %gather3A_410 : vector<16xf32>
          %max3A_419 = arith.constant 0.000000e+00 : f32
          %max3A_420 = vector.broadcast %max3A_419 : f32 to vector<16xf32>
          %max3A_421 = arith.maximumf %add3A_418, %max3A_420 : vector<16xf32>
          %mul3A_422 = arith.mulf %max3A_421, %gather3A_411 : vector<16xf32>
          %add3A_423 = arith.addf %add3A_398, %mul3A_422 : vector<16xf32>
          %mul3A_424 = arith.constant 8 : i32
          %mul3A_425 = arith.muli %scan3A_273, %mul3A_424 : i32
          %add3A_426 = arith.constant 6 : i32
          %add3A_427 = arith.addi %mul3A_425, %add3A_426 : i32
          %add3A_428 = vector.broadcast %add3A_427 : i32 to vector<16xi32>
          %add3A_429 = arith.addi %iota3A, %add3A_428 : vector<16xi32>
          %and3A_430 = arith.constant 31 : i32
          %and3A_431 = vector.broadcast %and3A_430 : i32 to vector<16xi32>
          %and3A_432 = arith.andi %add3A_429, %and3A_431 : vector<16xi32>
          %gather3A_433 = tpu.vector_load_idx %arg14[%add3A_232, %and3A_432] : memref<80x32xf32, #tpu.memory_space<vmem>>[vector<16xi32>, vector<16xi32>], vector<16xf32>,
          %gather3A_434 = tpu.vector_load_idx %arg15[%add3A_232, %and3A_432] : memref<80x32xf32, #tpu.memory_space<vmem>>[vector<16xi32>, vector<16xi32>], vector<16xf32>,
          %gather3A_435 = tpu.vector_load_idx %arg16[%add3A_232, %and3A_432] : memref<80x32xf32, #tpu.memory_space<vmem>>[vector<16xi32>, vector<16xi32>], vector<16xf32>,
          %gather3A_436 = tpu.vector_load_idx %arg10[%and3A_432] : memref<48xf32, #tpu.memory_space<vmem>>[vector<16xi32>], vector<16xf32>,
          %add3A_437 = arith.addf %gather3A_433, %gather3A_434 : vector<16xf32>
          %max3A_438 = arith.constant 0.000000e+00 : f32
          %max3A_439 = vector.broadcast %max3A_438 : f32 to vector<16xf32>
          %max3A_440 = arith.maximumf %add3A_437, %max3A_439 : vector<16xf32>
          %mul3A_441 = arith.mulf %max3A_440, %gather3A_436 : vector<16xf32>
          %add3A_442 = arith.addf %add3A_417, %mul3A_441 : vector<16xf32>
          %add3A_443 = arith.addf %gather3A_433, %gather3A_435 : vector<16xf32>
          %max3A_444 = arith.constant 0.000000e+00 : f32
          %max3A_445 = vector.broadcast %max3A_444 : f32 to vector<16xf32>
          %max3A_446 = arith.maximumf %add3A_443, %max3A_445 : vector<16xf32>
          %mul3A_447 = arith.mulf %max3A_446, %gather3A_436 : vector<16xf32>
          %add3A_448 = arith.addf %add3A_423, %mul3A_447 : vector<16xf32>
          %mul3A_449 = arith.constant 8 : i32
          %mul3A_450 = arith.muli %scan3A_273, %mul3A_449 : i32
          %add3A_451 = arith.constant 7 : i32
          %add3A_452 = arith.addi %mul3A_450, %add3A_451 : i32
          %add3A_453 = vector.broadcast %add3A_452 : i32 to vector<16xi32>
          %add3A_454 = arith.addi %iota3A, %add3A_453 : vector<16xi32>
          %and3A_455 = arith.constant 31 : i32
          %and3A_456 = vector.broadcast %and3A_455 : i32 to vector<16xi32>
          %and3A_457 = arith.andi %add3A_454, %and3A_456 : vector<16xi32>
          %gather3A_458 = tpu.vector_load_idx %arg14[%add3A_232, %and3A_457] : memref<80x32xf32, #tpu.memory_space<vmem>>[vector<16xi32>, vector<16xi32>], vector<16xf32>,
          %gather3A_459 = tpu.vector_load_idx %arg15[%add3A_232, %and3A_457] : memref<80x32xf32, #tpu.memory_space<vmem>>[vector<16xi32>, vector<16xi32>], vector<16xf32>,
          %gather3A_460 = tpu.vector_load_idx %arg16[%add3A_232, %and3A_457] : memref<80x32xf32, #tpu.memory_space<vmem>>[vector<16xi32>, vector<16xi32>], vector<16xf32>,
          %gather3A_461 = tpu.vector_load_idx %arg10[%and3A_457] : memref<48xf32, #tpu.memory_space<vmem>>[vector<16xi32>], vector<16xf32>,
          %add3A_462 = arith.addf %gather3A_458, %gather3A_459 : vector<16xf32>
          %max3A_463 = arith.constant 0.000000e+00 : f32
          %max3A_464 = vector.broadcast %max3A_463 : f32 to vector<16xf32>
          %max3A_465 = arith.maximumf %add3A_462, %max3A_464 : vector<16xf32>
          %mul3A_466 = arith.mulf %max3A_465, %gather3A_461 : vector<16xf32>
          %add3A_467 = arith.addf %add3A_442, %mul3A_466 : vector<16xf32>
          %add3A_468 = arith.addf %gather3A_458, %gather3A_460 : vector<16xf32>
          %max3A_469 = arith.constant 0.000000e+00 : f32
          %max3A_470 = vector.broadcast %max3A_469 : f32 to vector<16xf32>
          %max3A_471 = arith.maximumf %add3A_468, %max3A_470 : vector<16xf32>
          %mul3A_472 = arith.mulf %max3A_471, %gather3A_461 : vector<16xf32>
          %add3A_473 = arith.addf %add3A_448, %mul3A_472 : vector<16xf32>
          scf.yield %add3A_467, %add3A_473 : vector<16xf32>, vector<16xf32>
        }
        %scan3A_241 = arith.constant 4 : i32
        %add3A_242 = arith.constant 32 : i32
        %add3A_243 = vector.broadcast %add3A_242 : i32 to vector<16xi32>
        %add3A_244 = arith.addi %add3A_243, %iota3A : vector<16xi32>
        %gather3A = tpu.vector_load_idx %arg10[%add3A_244] : memref<48xf32, #tpu.memory_space<vmem>>[vector<16xi32>], vector<16xf32>,
        %mul3A_245 = arith.constant 80 : i32
        %mul3A_246 = arith.muli %add3A_73, %mul3A_245 : i32
        %mul3A_247 = arith.constant 16 : i32
        %mul3A_248 = arith.muli %scan3A_227, %mul3A_247 : i32
        %add3A_249 = arith.addi %mul3A_246, %mul3A_248 : i32
        %add3A_250 = arith.addf %scan3A_240#0, %gather3A : vector<16xf32>
        %neg3A = arith.constant 0.000000e+00 : f32
        %neg3A_251 = vector.broadcast %neg3A : f32 to vector<16xf32>
        %neg3A_252 = arith.subf %neg3A_251, %add3A_250 : vector<16xf32>
        %exp3A = math.exp %neg3A_252 : vector<16xf32>
        %add3A_253 = arith.constant 1.000000e+00 : f32
        %add3A_254 = vector.broadcast %add3A_253 : f32 to vector<16xf32>
        %add3A_255 = arith.addf %add3A_254, %exp3A : vector<16xf32>
        %div3A = arith.constant 1.000000e+00 : f32
        %div3A_256 = vector.broadcast %div3A : f32 to vector<16xf32>
        %div3A_257 = arith.divf %div3A_256, %add3A_255 : vector<16xf32>
        %swap3A = arith.index_cast %add3A_249 : i32 to index
        %swap3A_258 = tpu.vector_load %arg29[%swap3A] {strides = array<i32>} : memref<10000xf32, #tpu.memory_space<vmem>>, vector<16xf32>,
        tpu.vector_store %arg29[%swap3A], %div3A_257 {strides = array<i32>} : memref<10000xf32, #tpu.memory_space<vmem>>, vector<16xf32>,
        %add3A_259 = arith.addf %scan3A_240#1, %gather3A : vector<16xf32>
        %neg3A_260 = arith.constant 0.000000e+00 : f32
        %neg3A_261 = vector.broadcast %neg3A_260 : f32 to vector<16xf32>
        %neg3A_262 = arith.subf %neg3A_261, %add3A_259 : vector<16xf32>
        %exp3A_263 = math.exp %neg3A_262 : vector<16xf32>
        %add3A_264 = arith.constant 1.000000e+00 : f32
        %add3A_265 = vector.broadcast %add3A_264 : f32 to vector<16xf32>
        %add3A_266 = arith.addf %add3A_265, %exp3A_263 : vector<16xf32>
        %div3A_267 = arith.constant 1.000000e+00 : f32
        %div3A_268 = vector.broadcast %div3A_267 : f32 to vector<16xf32>
        %div3A_269 = arith.divf %div3A_268, %add3A_266 : vector<16xf32>
        %swap3A_270 = arith.index_cast %add3A_249 : i32 to index
        %swap3A_271 = tpu.vector_load %arg30[%swap3A_270] {strides = array<i32>} : memref<10000xf32, #tpu.memory_space<vmem>>, vector<16xf32>,
        tpu.vector_store %arg30[%swap3A_270], %div3A_269 {strides = array<i32>} : memref<10000xf32, #tpu.memory_space<vmem>>, vector<16xf32>,
        %scan3A_272 = arith.constant 0 : i32
        scf.yield %scan3A_272 : i32
      }
      %scan3A_97 = arith.constant 5 : i32
      %mul3A_98 = arith.constant 5 : i32
      %mul3A_99 = arith.muli %mul3A_98, %scan3A_68 : i32
      %add3A_100 = arith.constant 1 : i32
      %add3A_101 = arith.addi %mul3A_99, %add3A_100 : i32
      %mul3A_102 = arith.constant 80 : i32
      %mul3A_103 = arith.muli %add3A_101, %mul3A_102 : i32
      %dma_wait3A_104 = tpu.memref_slice %arg11[%mul3A_103] : memref<10000xi32, #tpu.memory_space<vmem>> -> memref<80xi32, #tpu.memory_space<vmem>>
      %dma_wait3A_105 = arith.constant 0 : i32
      %dma_wait3A_106 = arith.constant 0 : i32
      %dma_wait3A_107 = tpu.memref_slice %arg2[%dma_wait3A_105, %dma_wait3A_106] : memref<10000x32xf32, #tpu.memory_space<hbm>> -> memref<10000x32xf32, #tpu.memory_space<hbm>>
      tpu.wait_indirect_dma semaphore(%arg32 : memref<!tpu.dma_semaphore, #tpu.memory_space<semaphore_mem>>) src(%dma_wait3A_107 : memref<10000x32xf32, #tpu.memory_space<hbm>>) dst(%arg17 : memref<80x32xf32, #tpu.memory_space<vmem>>)
      %dma_wait3A_108 = tpu.memref_slice %arg12[%mul3A_103] : memref<10000xi32, #tpu.memory_space<vmem>> -> memref<80xi32, #tpu.memory_space<vmem>>
      %dma_wait3A_109 = arith.constant 0 : i32
      %dma_wait3A_110 = arith.constant 0 : i32
      %dma_wait3A_111 = tpu.memref_slice %arg3[%dma_wait3A_109, %dma_wait3A_110] : memref<10000x32xf32, #tpu.memory_space<hbm>> -> memref<10000x32xf32, #tpu.memory_space<hbm>>
      tpu.wait_indirect_dma semaphore(%arg32 : memref<!tpu.dma_semaphore, #tpu.memory_space<semaphore_mem>>) src(%dma_wait3A_111 : memref<10000x32xf32, #tpu.memory_space<hbm>>) dst(%arg18 : memref<80x32xf32, #tpu.memory_space<vmem>>)
      %dma_wait3A_112 = tpu.memref_slice %arg13[%mul3A_103] : memref<10000xi32, #tpu.memory_space<vmem>> -> memref<80xi32, #tpu.memory_space<vmem>>
      %dma_wait3A_113 = arith.constant 0 : i32
      %dma_wait3A_114 = arith.constant 0 : i32
      %dma_wait3A_115 = tpu.memref_slice %arg3[%dma_wait3A_113, %dma_wait3A_114] : memref<10000x32xf32, #tpu.memory_space<hbm>> -> memref<10000x32xf32, #tpu.memory_space<hbm>>
      tpu.wait_indirect_dma semaphore(%arg32 : memref<!tpu.dma_semaphore, #tpu.memory_space<semaphore_mem>>) src(%dma_wait3A_115 : memref<10000x32xf32, #tpu.memory_space<hbm>>) dst(%arg19 : memref<80x32xf32, #tpu.memory_space<vmem>>)
      %add3A_116 = arith.constant 4 : i32
      %add3A_117 = arith.addi %add3A_101, %add3A_116 : i32
      %lt3A_118 = arith.constant 125 : i32
      %lt3A_119 = arith.cmpi slt, %add3A_117, %lt3A_118 : i32
      %convert_element_type3A_120 = arith.extui %lt3A_119 : i1 to i32
      %cond3A_121 = arith.constant 0 : i32
      %cond3A_122 = arith.cmpi ne, %convert_element_type3A_120, %cond3A_121 : i32
      scf.if %cond3A_122 {
        %mul3A_227 = arith.constant 80 : i32
        %mul3A_228 = arith.muli %add3A_117, %mul3A_227 : i32
        %dma_start3A_229 = tpu.memref_slice %arg11[%mul3A_228] : memref<10000xi32, #tpu.memory_space<vmem>> -> memref<80xi32, #tpu.memory_space<vmem>>
        %dma_start3A_230 = arith.constant 0 : i32
        %dma_start3A_231 = arith.constant 0 : i32
        %dma_start3A_232 = tpu.memref_slice %arg2[%dma_start3A_230, %dma_start3A_231] : memref<10000x32xf32, #tpu.memory_space<hbm>> -> memref<10000x32xf32, #tpu.memory_space<hbm>>
        tpu.enqueue_indirect_dma source(%dma_start3A_232 : memref<10000x32xf32, #tpu.memory_space<hbm>>) target(%arg14 : memref<80x32xf32, #tpu.memory_space<vmem>>) offsets(%dma_start3A_229 : memref<80xi32, #tpu.memory_space<vmem>>) semaphore(%arg31 : memref<!tpu.dma_semaphore, #tpu.memory_space<semaphore_mem>>)
        %dma_start3A_233 = tpu.memref_slice %arg12[%mul3A_228] : memref<10000xi32, #tpu.memory_space<vmem>> -> memref<80xi32, #tpu.memory_space<vmem>>
        %dma_start3A_234 = arith.constant 0 : i32
        %dma_start3A_235 = arith.constant 0 : i32
        %dma_start3A_236 = tpu.memref_slice %arg3[%dma_start3A_234, %dma_start3A_235] : memref<10000x32xf32, #tpu.memory_space<hbm>> -> memref<10000x32xf32, #tpu.memory_space<hbm>>
        tpu.enqueue_indirect_dma source(%dma_start3A_236 : memref<10000x32xf32, #tpu.memory_space<hbm>>) target(%arg15 : memref<80x32xf32, #tpu.memory_space<vmem>>) offsets(%dma_start3A_233 : memref<80xi32, #tpu.memory_space<vmem>>) semaphore(%arg31 : memref<!tpu.dma_semaphore, #tpu.memory_space<semaphore_mem>>)
        %dma_start3A_237 = tpu.memref_slice %arg13[%mul3A_228] : memref<10000xi32, #tpu.memory_space<vmem>> -> memref<80xi32, #tpu.memory_space<vmem>>
        %dma_start3A_238 = arith.constant 0 : i32
        %dma_start3A_239 = arith.constant 0 : i32
        %dma_start3A_240 = tpu.memref_slice %arg3[%dma_start3A_238, %dma_start3A_239] : memref<10000x32xf32, #tpu.memory_space<hbm>> -> memref<10000x32xf32, #tpu.memory_space<hbm>>
        tpu.enqueue_indirect_dma source(%dma_start3A_240 : memref<10000x32xf32, #tpu.memory_space<hbm>>) target(%arg16 : memref<80x32xf32, #tpu.memory_space<vmem>>) offsets(%dma_start3A_237 : memref<80xi32, #tpu.memory_space<vmem>>) semaphore(%arg31 : memref<!tpu.dma_semaphore, #tpu.memory_space<semaphore_mem>>)
      } else {
      }
      %scan3A_123 = arith.constant 0 : i32
      %scan3A_124 = arith.constant 0 : i32
      %scan3A_125 = arith.constant 5 : i32
      %scan3A_126 = arith.addi %scan3A_124, %scan3A_125 : i32
      %scan3A_127 = arith.constant 1 : i32
      %scan3A_128 = scf.for %scan3A_227 = %scan3A_124 to %scan3A_126 step %scan3A_127 iter_args(%scan3A_228 = %scan3A_123) -> (i32)  : i32 {
        %iota3A = tpu.iota {dimensions = array<i32: 0>} : vector<16xi32>
        %mul3A_229 = arith.constant 16 : i32
        %mul3A_230 = arith.muli %scan3A_227, %mul3A_229 : i32
        %add3A_231 = vector.broadcast %mul3A_230 : i32 to vector<16xi32>
        %add3A_232 = arith.addi %add3A_231, %iota3A : vector<16xi32>
        %broadcast_in_dim3A = arith.constant 0.000000e+00 : f32
        %broadcast_in_dim3A_233 = vector.broadcast %broadcast_in_dim3A : f32 to vector<16xf32>
        %broadcast_in_dim3A_234 = arith.constant 0.000000e+00 : f32
        %broadcast_in_dim3A_235 = vector.broadcast %broadcast_in_dim3A_234 : f32 to vector<16xf32>
        %scan3A_236 = arith.constant 0 : i32
        %scan3A_237 = arith.constant 4 : i32
        %scan3A_238 = arith.addi %scan3A_236, %scan3A_237 : i32
        %scan3A_239 = arith.constant 1 : i32
        %scan3A_240:2 = scf.for %scan3A_273 = %scan3A_236 to %scan3A_238 step %scan3A_239 iter_args(%scan3A_274 = %broadcast_in_dim3A_233, %scan3A_275 = %broadcast_in_dim3A_235) -> (vector<16xf32>, vector<16xf32>)  : i32 {
          %mul3A_276 = arith.constant 8 : i32
          %mul3A_277 = arith.muli %scan3A_273, %mul3A_276 : i32
          %add3A_278 = arith.constant 0 : i32
          %add3A_279 = arith.addi %mul3A_277, %add3A_278 : i32
          %add3A_280 = vector.broadcast %add3A_279 : i32 to vector<16xi32>
          %add3A_281 = arith.addi %iota3A, %add3A_280 : vector<16xi32>
          %and3A = arith.constant 31 : i32
          %and3A_282 = vector.broadcast %and3A : i32 to vector<16xi32>
          %and3A_283 = arith.andi %add3A_281, %and3A_282 : vector<16xi32>
          %gather3A_284 = tpu.vector_load_idx %arg17[%add3A_232, %and3A_283] : memref<80x32xf32, #tpu.memory_space<vmem>>[vector<16xi32>, vector<16xi32>], vector<16xf32>,
          %gather3A_285 = tpu.vector_load_idx %arg18[%add3A_232, %and3A_283] : memref<80x32xf32, #tpu.memory_space<vmem>>[vector<16xi32>, vector<16xi32>], vector<16xf32>,
          %gather3A_286 = tpu.vector_load_idx %arg19[%add3A_232, %and3A_283] : memref<80x32xf32, #tpu.memory_space<vmem>>[vector<16xi32>, vector<16xi32>], vector<16xf32>,
          %gather3A_287 = tpu.vector_load_idx %arg10[%and3A_283] : memref<48xf32, #tpu.memory_space<vmem>>[vector<16xi32>], vector<16xf32>,
          %add3A_288 = arith.addf %gather3A_284, %gather3A_285 : vector<16xf32>
          %max3A = arith.constant 0.000000e+00 : f32
          %max3A_289 = vector.broadcast %max3A : f32 to vector<16xf32>
          %max3A_290 = arith.maximumf %add3A_288, %max3A_289 : vector<16xf32>
          %mul3A_291 = arith.mulf %max3A_290, %gather3A_287 : vector<16xf32>
          %add3A_292 = arith.addf %scan3A_274, %mul3A_291 : vector<16xf32>
          %add3A_293 = arith.addf %gather3A_284, %gather3A_286 : vector<16xf32>
          %max3A_294 = arith.constant 0.000000e+00 : f32
          %max3A_295 = vector.broadcast %max3A_294 : f32 to vector<16xf32>
          %max3A_296 = arith.maximumf %add3A_293, %max3A_295 : vector<16xf32>
          %mul3A_297 = arith.mulf %max3A_296, %gather3A_287 : vector<16xf32>
          %add3A_298 = arith.addf %scan3A_275, %mul3A_297 : vector<16xf32>
          %mul3A_299 = arith.constant 8 : i32
          %mul3A_300 = arith.muli %scan3A_273, %mul3A_299 : i32
          %add3A_301 = arith.constant 1 : i32
          %add3A_302 = arith.addi %mul3A_300, %add3A_301 : i32
          %add3A_303 = vector.broadcast %add3A_302 : i32 to vector<16xi32>
          %add3A_304 = arith.addi %iota3A, %add3A_303 : vector<16xi32>
          %and3A_305 = arith.constant 31 : i32
          %and3A_306 = vector.broadcast %and3A_305 : i32 to vector<16xi32>
          %and3A_307 = arith.andi %add3A_304, %and3A_306 : vector<16xi32>
          %gather3A_308 = tpu.vector_load_idx %arg17[%add3A_232, %and3A_307] : memref<80x32xf32, #tpu.memory_space<vmem>>[vector<16xi32>, vector<16xi32>], vector<16xf32>,
          %gather3A_309 = tpu.vector_load_idx %arg18[%add3A_232, %and3A_307] : memref<80x32xf32, #tpu.memory_space<vmem>>[vector<16xi32>, vector<16xi32>], vector<16xf32>,
          %gather3A_310 = tpu.vector_load_idx %arg19[%add3A_232, %and3A_307] : memref<80x32xf32, #tpu.memory_space<vmem>>[vector<16xi32>, vector<16xi32>], vector<16xf32>,
          %gather3A_311 = tpu.vector_load_idx %arg10[%and3A_307] : memref<48xf32, #tpu.memory_space<vmem>>[vector<16xi32>], vector<16xf32>,
          %add3A_312 = arith.addf %gather3A_308, %gather3A_309 : vector<16xf32>
          %max3A_313 = arith.constant 0.000000e+00 : f32
          %max3A_314 = vector.broadcast %max3A_313 : f32 to vector<16xf32>
          %max3A_315 = arith.maximumf %add3A_312, %max3A_314 : vector<16xf32>
          %mul3A_316 = arith.mulf %max3A_315, %gather3A_311 : vector<16xf32>
          %add3A_317 = arith.addf %add3A_292, %mul3A_316 : vector<16xf32>
          %add3A_318 = arith.addf %gather3A_308, %gather3A_310 : vector<16xf32>
          %max3A_319 = arith.constant 0.000000e+00 : f32
          %max3A_320 = vector.broadcast %max3A_319 : f32 to vector<16xf32>
          %max3A_321 = arith.maximumf %add3A_318, %max3A_320 : vector<16xf32>
          %mul3A_322 = arith.mulf %max3A_321, %gather3A_311 : vector<16xf32>
          %add3A_323 = arith.addf %add3A_298, %mul3A_322 : vector<16xf32>
          %mul3A_324 = arith.constant 8 : i32
          %mul3A_325 = arith.muli %scan3A_273, %mul3A_324 : i32
          %add3A_326 = arith.constant 2 : i32
          %add3A_327 = arith.addi %mul3A_325, %add3A_326 : i32
          %add3A_328 = vector.broadcast %add3A_327 : i32 to vector<16xi32>
          %add3A_329 = arith.addi %iota3A, %add3A_328 : vector<16xi32>
          %and3A_330 = arith.constant 31 : i32
          %and3A_331 = vector.broadcast %and3A_330 : i32 to vector<16xi32>
          %and3A_332 = arith.andi %add3A_329, %and3A_331 : vector<16xi32>
          %gather3A_333 = tpu.vector_load_idx %arg17[%add3A_232, %and3A_332] : memref<80x32xf32, #tpu.memory_space<vmem>>[vector<16xi32>, vector<16xi32>], vector<16xf32>,
          %gather3A_334 = tpu.vector_load_idx %arg18[%add3A_232, %and3A_332] : memref<80x32xf32, #tpu.memory_space<vmem>>[vector<16xi32>, vector<16xi32>], vector<16xf32>,
          %gather3A_335 = tpu.vector_load_idx %arg19[%add3A_232, %and3A_332] : memref<80x32xf32, #tpu.memory_space<vmem>>[vector<16xi32>, vector<16xi32>], vector<16xf32>,
          %gather3A_336 = tpu.vector_load_idx %arg10[%and3A_332] : memref<48xf32, #tpu.memory_space<vmem>>[vector<16xi32>], vector<16xf32>,
          %add3A_337 = arith.addf %gather3A_333, %gather3A_334 : vector<16xf32>
          %max3A_338 = arith.constant 0.000000e+00 : f32
          %max3A_339 = vector.broadcast %max3A_338 : f32 to vector<16xf32>
          %max3A_340 = arith.maximumf %add3A_337, %max3A_339 : vector<16xf32>
          %mul3A_341 = arith.mulf %max3A_340, %gather3A_336 : vector<16xf32>
          %add3A_342 = arith.addf %add3A_317, %mul3A_341 : vector<16xf32>
          %add3A_343 = arith.addf %gather3A_333, %gather3A_335 : vector<16xf32>
          %max3A_344 = arith.constant 0.000000e+00 : f32
          %max3A_345 = vector.broadcast %max3A_344 : f32 to vector<16xf32>
          %max3A_346 = arith.maximumf %add3A_343, %max3A_345 : vector<16xf32>
          %mul3A_347 = arith.mulf %max3A_346, %gather3A_336 : vector<16xf32>
          %add3A_348 = arith.addf %add3A_323, %mul3A_347 : vector<16xf32>
          %mul3A_349 = arith.constant 8 : i32
          %mul3A_350 = arith.muli %scan3A_273, %mul3A_349 : i32
          %add3A_351 = arith.constant 3 : i32
          %add3A_352 = arith.addi %mul3A_350, %add3A_351 : i32
          %add3A_353 = vector.broadcast %add3A_352 : i32 to vector<16xi32>
          %add3A_354 = arith.addi %iota3A, %add3A_353 : vector<16xi32>
          %and3A_355 = arith.constant 31 : i32
          %and3A_356 = vector.broadcast %and3A_355 : i32 to vector<16xi32>
          %and3A_357 = arith.andi %add3A_354, %and3A_356 : vector<16xi32>
          %gather3A_358 = tpu.vector_load_idx %arg17[%add3A_232, %and3A_357] : memref<80x32xf32, #tpu.memory_space<vmem>>[vector<16xi32>, vector<16xi32>], vector<16xf32>,
          %gather3A_359 = tpu.vector_load_idx %arg18[%add3A_232, %and3A_357] : memref<80x32xf32, #tpu.memory_space<vmem>>[vector<16xi32>, vector<16xi32>], vector<16xf32>,
          %gather3A_360 = tpu.vector_load_idx %arg19[%add3A_232, %and3A_357] : memref<80x32xf32, #tpu.memory_space<vmem>>[vector<16xi32>, vector<16xi32>], vector<16xf32>,
          %gather3A_361 = tpu.vector_load_idx %arg10[%and3A_357] : memref<48xf32, #tpu.memory_space<vmem>>[vector<16xi32>], vector<16xf32>,
          %add3A_362 = arith.addf %gather3A_358, %gather3A_359 : vector<16xf32>
          %max3A_363 = arith.constant 0.000000e+00 : f32
          %max3A_364 = vector.broadcast %max3A_363 : f32 to vector<16xf32>
          %max3A_365 = arith.maximumf %add3A_362, %max3A_364 : vector<16xf32>
          %mul3A_366 = arith.mulf %max3A_365, %gather3A_361 : vector<16xf32>
          %add3A_367 = arith.addf %add3A_342, %mul3A_366 : vector<16xf32>
          %add3A_368 = arith.addf %gather3A_358, %gather3A_360 : vector<16xf32>
          %max3A_369 = arith.constant 0.000000e+00 : f32
          %max3A_370 = vector.broadcast %max3A_369 : f32 to vector<16xf32>
          %max3A_371 = arith.maximumf %add3A_368, %max3A_370 : vector<16xf32>
          %mul3A_372 = arith.mulf %max3A_371, %gather3A_361 : vector<16xf32>
          %add3A_373 = arith.addf %add3A_348, %mul3A_372 : vector<16xf32>
          %mul3A_374 = arith.constant 8 : i32
          %mul3A_375 = arith.muli %scan3A_273, %mul3A_374 : i32
          %add3A_376 = arith.constant 4 : i32
          %add3A_377 = arith.addi %mul3A_375, %add3A_376 : i32
          %add3A_378 = vector.broadcast %add3A_377 : i32 to vector<16xi32>
          %add3A_379 = arith.addi %iota3A, %add3A_378 : vector<16xi32>
          %and3A_380 = arith.constant 31 : i32
          %and3A_381 = vector.broadcast %and3A_380 : i32 to vector<16xi32>
          %and3A_382 = arith.andi %add3A_379, %and3A_381 : vector<16xi32>
          %gather3A_383 = tpu.vector_load_idx %arg17[%add3A_232, %and3A_382] : memref<80x32xf32, #tpu.memory_space<vmem>>[vector<16xi32>, vector<16xi32>], vector<16xf32>,
          %gather3A_384 = tpu.vector_load_idx %arg18[%add3A_232, %and3A_382] : memref<80x32xf32, #tpu.memory_space<vmem>>[vector<16xi32>, vector<16xi32>], vector<16xf32>,
          %gather3A_385 = tpu.vector_load_idx %arg19[%add3A_232, %and3A_382] : memref<80x32xf32, #tpu.memory_space<vmem>>[vector<16xi32>, vector<16xi32>], vector<16xf32>,
          %gather3A_386 = tpu.vector_load_idx %arg10[%and3A_382] : memref<48xf32, #tpu.memory_space<vmem>>[vector<16xi32>], vector<16xf32>,
          %add3A_387 = arith.addf %gather3A_383, %gather3A_384 : vector<16xf32>
          %max3A_388 = arith.constant 0.000000e+00 : f32
          %max3A_389 = vector.broadcast %max3A_388 : f32 to vector<16xf32>
          %max3A_390 = arith.maximumf %add3A_387, %max3A_389 : vector<16xf32>
          %mul3A_391 = arith.mulf %max3A_390, %gather3A_386 : vector<16xf32>
          %add3A_392 = arith.addf %add3A_367, %mul3A_391 : vector<16xf32>
          %add3A_393 = arith.addf %gather3A_383, %gather3A_385 : vector<16xf32>
          %max3A_394 = arith.constant 0.000000e+00 : f32
          %max3A_395 = vector.broadcast %max3A_394 : f32 to vector<16xf32>
          %max3A_396 = arith.maximumf %add3A_393, %max3A_395 : vector<16xf32>
          %mul3A_397 = arith.mulf %max3A_396, %gather3A_386 : vector<16xf32>
          %add3A_398 = arith.addf %add3A_373, %mul3A_397 : vector<16xf32>
          %mul3A_399 = arith.constant 8 : i32
          %mul3A_400 = arith.muli %scan3A_273, %mul3A_399 : i32
          %add3A_401 = arith.constant 5 : i32
          %add3A_402 = arith.addi %mul3A_400, %add3A_401 : i32
          %add3A_403 = vector.broadcast %add3A_402 : i32 to vector<16xi32>
          %add3A_404 = arith.addi %iota3A, %add3A_403 : vector<16xi32>
          %and3A_405 = arith.constant 31 : i32
          %and3A_406 = vector.broadcast %and3A_405 : i32 to vector<16xi32>
          %and3A_407 = arith.andi %add3A_404, %and3A_406 : vector<16xi32>
          %gather3A_408 = tpu.vector_load_idx %arg17[%add3A_232, %and3A_407] : memref<80x32xf32, #tpu.memory_space<vmem>>[vector<16xi32>, vector<16xi32>], vector<16xf32>,
          %gather3A_409 = tpu.vector_load_idx %arg18[%add3A_232, %and3A_407] : memref<80x32xf32, #tpu.memory_space<vmem>>[vector<16xi32>, vector<16xi32>], vector<16xf32>,
          %gather3A_410 = tpu.vector_load_idx %arg19[%add3A_232, %and3A_407] : memref<80x32xf32, #tpu.memory_space<vmem>>[vector<16xi32>, vector<16xi32>], vector<16xf32>,
          %gather3A_411 = tpu.vector_load_idx %arg10[%and3A_407] : memref<48xf32, #tpu.memory_space<vmem>>[vector<16xi32>], vector<16xf32>,
          %add3A_412 = arith.addf %gather3A_408, %gather3A_409 : vector<16xf32>
          %max3A_413 = arith.constant 0.000000e+00 : f32
          %max3A_414 = vector.broadcast %max3A_413 : f32 to vector<16xf32>
          %max3A_415 = arith.maximumf %add3A_412, %max3A_414 : vector<16xf32>
          %mul3A_416 = arith.mulf %max3A_415, %gather3A_411 : vector<16xf32>
          %add3A_417 = arith.addf %add3A_392, %mul3A_416 : vector<16xf32>
          %add3A_418 = arith.addf %gather3A_408, %gather3A_410 : vector<16xf32>
          %max3A_419 = arith.constant 0.000000e+00 : f32
          %max3A_420 = vector.broadcast %max3A_419 : f32 to vector<16xf32>
          %max3A_421 = arith.maximumf %add3A_418, %max3A_420 : vector<16xf32>
          %mul3A_422 = arith.mulf %max3A_421, %gather3A_411 : vector<16xf32>
          %add3A_423 = arith.addf %add3A_398, %mul3A_422 : vector<16xf32>
          %mul3A_424 = arith.constant 8 : i32
          %mul3A_425 = arith.muli %scan3A_273, %mul3A_424 : i32
          %add3A_426 = arith.constant 6 : i32
          %add3A_427 = arith.addi %mul3A_425, %add3A_426 : i32
          %add3A_428 = vector.broadcast %add3A_427 : i32 to vector<16xi32>
          %add3A_429 = arith.addi %iota3A, %add3A_428 : vector<16xi32>
          %and3A_430 = arith.constant 31 : i32
          %and3A_431 = vector.broadcast %and3A_430 : i32 to vector<16xi32>
          %and3A_432 = arith.andi %add3A_429, %and3A_431 : vector<16xi32>
          %gather3A_433 = tpu.vector_load_idx %arg17[%add3A_232, %and3A_432] : memref<80x32xf32, #tpu.memory_space<vmem>>[vector<16xi32>, vector<16xi32>], vector<16xf32>,
          %gather3A_434 = tpu.vector_load_idx %arg18[%add3A_232, %and3A_432] : memref<80x32xf32, #tpu.memory_space<vmem>>[vector<16xi32>, vector<16xi32>], vector<16xf32>,
          %gather3A_435 = tpu.vector_load_idx %arg19[%add3A_232, %and3A_432] : memref<80x32xf32, #tpu.memory_space<vmem>>[vector<16xi32>, vector<16xi32>], vector<16xf32>,
          %gather3A_436 = tpu.vector_load_idx %arg10[%and3A_432] : memref<48xf32, #tpu.memory_space<vmem>>[vector<16xi32>], vector<16xf32>,
          %add3A_437 = arith.addf %gather3A_433, %gather3A_434 : vector<16xf32>
          %max3A_438 = arith.constant 0.000000e+00 : f32
          %max3A_439 = vector.broadcast %max3A_438 : f32 to vector<16xf32>
          %max3A_440 = arith.maximumf %add3A_437, %max3A_439 : vector<16xf32>
          %mul3A_441 = arith.mulf %max3A_440, %gather3A_436 : vector<16xf32>
          %add3A_442 = arith.addf %add3A_417, %mul3A_441 : vector<16xf32>
          %add3A_443 = arith.addf %gather3A_433, %gather3A_435 : vector<16xf32>
          %max3A_444 = arith.constant 0.000000e+00 : f32
          %max3A_445 = vector.broadcast %max3A_444 : f32 to vector<16xf32>
          %max3A_446 = arith.maximumf %add3A_443, %max3A_445 : vector<16xf32>
          %mul3A_447 = arith.mulf %max3A_446, %gather3A_436 : vector<16xf32>
          %add3A_448 = arith.addf %add3A_423, %mul3A_447 : vector<16xf32>
          %mul3A_449 = arith.constant 8 : i32
          %mul3A_450 = arith.muli %scan3A_273, %mul3A_449 : i32
          %add3A_451 = arith.constant 7 : i32
          %add3A_452 = arith.addi %mul3A_450, %add3A_451 : i32
          %add3A_453 = vector.broadcast %add3A_452 : i32 to vector<16xi32>
          %add3A_454 = arith.addi %iota3A, %add3A_453 : vector<16xi32>
          %and3A_455 = arith.constant 31 : i32
          %and3A_456 = vector.broadcast %and3A_455 : i32 to vector<16xi32>
          %and3A_457 = arith.andi %add3A_454, %and3A_456 : vector<16xi32>
          %gather3A_458 = tpu.vector_load_idx %arg17[%add3A_232, %and3A_457] : memref<80x32xf32, #tpu.memory_space<vmem>>[vector<16xi32>, vector<16xi32>], vector<16xf32>,
          %gather3A_459 = tpu.vector_load_idx %arg18[%add3A_232, %and3A_457] : memref<80x32xf32, #tpu.memory_space<vmem>>[vector<16xi32>, vector<16xi32>], vector<16xf32>,
          %gather3A_460 = tpu.vector_load_idx %arg19[%add3A_232, %and3A_457] : memref<80x32xf32, #tpu.memory_space<vmem>>[vector<16xi32>, vector<16xi32>], vector<16xf32>,
          %gather3A_461 = tpu.vector_load_idx %arg10[%and3A_457] : memref<48xf32, #tpu.memory_space<vmem>>[vector<16xi32>], vector<16xf32>,
          %add3A_462 = arith.addf %gather3A_458, %gather3A_459 : vector<16xf32>
          %max3A_463 = arith.constant 0.000000e+00 : f32
          %max3A_464 = vector.broadcast %max3A_463 : f32 to vector<16xf32>
          %max3A_465 = arith.maximumf %add3A_462, %max3A_464 : vector<16xf32>
          %mul3A_466 = arith.mulf %max3A_465, %gather3A_461 : vector<16xf32>
          %add3A_467 = arith.addf %add3A_442, %mul3A_466 : vector<16xf32>
          %add3A_468 = arith.addf %gather3A_458, %gather3A_460 : vector<16xf32>
          %max3A_469 = arith.constant 0.000000e+00 : f32
          %max3A_470 = vector.broadcast %max3A_469 : f32 to vector<16xf32>
          %max3A_471 = arith.maximumf %add3A_468, %max3A_470 : vector<16xf32>
          %mul3A_472 = arith.mulf %max3A_471, %gather3A_461 : vector<16xf32>
          %add3A_473 = arith.addf %add3A_448, %mul3A_472 : vector<16xf32>
          scf.yield %add3A_467, %add3A_473 : vector<16xf32>, vector<16xf32>
        }
        %scan3A_241 = arith.constant 4 : i32
        %add3A_242 = arith.constant 32 : i32
        %add3A_243 = vector.broadcast %add3A_242 : i32 to vector<16xi32>
        %add3A_244 = arith.addi %add3A_243, %iota3A : vector<16xi32>
        %gather3A = tpu.vector_load_idx %arg10[%add3A_244] : memref<48xf32, #tpu.memory_space<vmem>>[vector<16xi32>], vector<16xf32>,
        %mul3A_245 = arith.constant 80 : i32
        %mul3A_246 = arith.muli %add3A_101, %mul3A_245 : i32
        %mul3A_247 = arith.constant 16 : i32
        %mul3A_248 = arith.muli %scan3A_227, %mul3A_247 : i32
        %add3A_249 = arith.addi %mul3A_246, %mul3A_248 : i32
        %add3A_250 = arith.addf %scan3A_240#0, %gather3A : vector<16xf32>
        %neg3A = arith.constant 0.000000e+00 : f32
        %neg3A_251 = vector.broadcast %neg3A : f32 to vector<16xf32>
        %neg3A_252 = arith.subf %neg3A_251, %add3A_250 : vector<16xf32>
        %exp3A = math.exp %neg3A_252 : vector<16xf32>
        %add3A_253 = arith.constant 1.000000e+00 : f32
        %add3A_254 = vector.broadcast %add3A_253 : f32 to vector<16xf32>
        %add3A_255 = arith.addf %add3A_254, %exp3A : vector<16xf32>
        %div3A = arith.constant 1.000000e+00 : f32
        %div3A_256 = vector.broadcast %div3A : f32 to vector<16xf32>
        %div3A_257 = arith.divf %div3A_256, %add3A_255 : vector<16xf32>
        %swap3A = arith.index_cast %add3A_249 : i32 to index
        %swap3A_258 = tpu.vector_load %arg29[%swap3A] {strides = array<i32>} : memref<10000xf32, #tpu.memory_space<vmem>>, vector<16xf32>,
        tpu.vector_store %arg29[%swap3A], %div3A_257 {strides = array<i32>} : memref<10000xf32, #tpu.memory_space<vmem>>, vector<16xf32>,
        %add3A_259 = arith.addf %scan3A_240#1, %gather3A : vector<16xf32>
        %neg3A_260 = arith.constant 0.000000e+00 : f32
        %neg3A_261 = vector.broadcast %neg3A_260 : f32 to vector<16xf32>
        %neg3A_262 = arith.subf %neg3A_261, %add3A_259 : vector<16xf32>
        %exp3A_263 = math.exp %neg3A_262 : vector<16xf32>
        %add3A_264 = arith.constant 1.000000e+00 : f32
        %add3A_265 = vector.broadcast %add3A_264 : f32 to vector<16xf32>
        %add3A_266 = arith.addf %add3A_265, %exp3A_263 : vector<16xf32>
        %div3A_267 = arith.constant 1.000000e+00 : f32
        %div3A_268 = vector.broadcast %div3A_267 : f32 to vector<16xf32>
        %div3A_269 = arith.divf %div3A_268, %add3A_266 : vector<16xf32>
        %swap3A_270 = arith.index_cast %add3A_249 : i32 to index
        %swap3A_271 = tpu.vector_load %arg30[%swap3A_270] {strides = array<i32>} : memref<10000xf32, #tpu.memory_space<vmem>>, vector<16xf32>,
        tpu.vector_store %arg30[%swap3A_270], %div3A_269 {strides = array<i32>} : memref<10000xf32, #tpu.memory_space<vmem>>, vector<16xf32>,
        %scan3A_272 = arith.constant 0 : i32
        scf.yield %scan3A_272 : i32
      }
      %scan3A_129 = arith.constant 5 : i32
      %mul3A_130 = arith.constant 5 : i32
      %mul3A_131 = arith.muli %mul3A_130, %scan3A_68 : i32
      %add3A_132 = arith.constant 2 : i32
      %add3A_133 = arith.addi %mul3A_131, %add3A_132 : i32
      %mul3A_134 = arith.constant 80 : i32
      %mul3A_135 = arith.muli %add3A_133, %mul3A_134 : i32
      %dma_wait3A_136 = tpu.memref_slice %arg11[%mul3A_135] : memref<10000xi32, #tpu.memory_space<vmem>> -> memref<80xi32, #tpu.memory_space<vmem>>
      %dma_wait3A_137 = arith.constant 0 : i32
      %dma_wait3A_138 = arith.constant 0 : i32
      %dma_wait3A_139 = tpu.memref_slice %arg2[%dma_wait3A_137, %dma_wait3A_138] : memref<10000x32xf32, #tpu.memory_space<hbm>> -> memref<10000x32xf32, #tpu.memory_space<hbm>>
      tpu.wait_indirect_dma semaphore(%arg33 : memref<!tpu.dma_semaphore, #tpu.memory_space<semaphore_mem>>) src(%dma_wait3A_139 : memref<10000x32xf32, #tpu.memory_space<hbm>>) dst(%arg20 : memref<80x32xf32, #tpu.memory_space<vmem>>)
      %dma_wait3A_140 = tpu.memref_slice %arg12[%mul3A_135] : memref<10000xi32, #tpu.memory_space<vmem>> -> memref<80xi32, #tpu.memory_space<vmem>>
      %dma_wait3A_141 = arith.constant 0 : i32
      %dma_wait3A_142 = arith.constant 0 : i32
      %dma_wait3A_143 = tpu.memref_slice %arg3[%dma_wait3A_141, %dma_wait3A_142] : memref<10000x32xf32, #tpu.memory_space<hbm>> -> memref<10000x32xf32, #tpu.memory_space<hbm>>
      tpu.wait_indirect_dma semaphore(%arg33 : memref<!tpu.dma_semaphore, #tpu.memory_space<semaphore_mem>>) src(%dma_wait3A_143 : memref<10000x32xf32, #tpu.memory_space<hbm>>) dst(%arg21 : memref<80x32xf32, #tpu.memory_space<vmem>>)
      %dma_wait3A_144 = tpu.memref_slice %arg13[%mul3A_135] : memref<10000xi32, #tpu.memory_space<vmem>> -> memref<80xi32, #tpu.memory_space<vmem>>
      %dma_wait3A_145 = arith.constant 0 : i32
      %dma_wait3A_146 = arith.constant 0 : i32
      %dma_wait3A_147 = tpu.memref_slice %arg3[%dma_wait3A_145, %dma_wait3A_146] : memref<10000x32xf32, #tpu.memory_space<hbm>> -> memref<10000x32xf32, #tpu.memory_space<hbm>>
      tpu.wait_indirect_dma semaphore(%arg33 : memref<!tpu.dma_semaphore, #tpu.memory_space<semaphore_mem>>) src(%dma_wait3A_147 : memref<10000x32xf32, #tpu.memory_space<hbm>>) dst(%arg22 : memref<80x32xf32, #tpu.memory_space<vmem>>)
      %add3A_148 = arith.constant 4 : i32
      %add3A_149 = arith.addi %add3A_133, %add3A_148 : i32
      %lt3A_150 = arith.constant 125 : i32
      %lt3A_151 = arith.cmpi slt, %add3A_149, %lt3A_150 : i32
      %convert_element_type3A_152 = arith.extui %lt3A_151 : i1 to i32
      %cond3A_153 = arith.constant 0 : i32
      %cond3A_154 = arith.cmpi ne, %convert_element_type3A_152, %cond3A_153 : i32
      scf.if %cond3A_154 {
        %mul3A_227 = arith.constant 80 : i32
        %mul3A_228 = arith.muli %add3A_149, %mul3A_227 : i32
        %dma_start3A_229 = tpu.memref_slice %arg11[%mul3A_228] : memref<10000xi32, #tpu.memory_space<vmem>> -> memref<80xi32, #tpu.memory_space<vmem>>
        %dma_start3A_230 = arith.constant 0 : i32
        %dma_start3A_231 = arith.constant 0 : i32
        %dma_start3A_232 = tpu.memref_slice %arg2[%dma_start3A_230, %dma_start3A_231] : memref<10000x32xf32, #tpu.memory_space<hbm>> -> memref<10000x32xf32, #tpu.memory_space<hbm>>
        tpu.enqueue_indirect_dma source(%dma_start3A_232 : memref<10000x32xf32, #tpu.memory_space<hbm>>) target(%arg17 : memref<80x32xf32, #tpu.memory_space<vmem>>) offsets(%dma_start3A_229 : memref<80xi32, #tpu.memory_space<vmem>>) semaphore(%arg32 : memref<!tpu.dma_semaphore, #tpu.memory_space<semaphore_mem>>)
        %dma_start3A_233 = tpu.memref_slice %arg12[%mul3A_228] : memref<10000xi32, #tpu.memory_space<vmem>> -> memref<80xi32, #tpu.memory_space<vmem>>
        %dma_start3A_234 = arith.constant 0 : i32
        %dma_start3A_235 = arith.constant 0 : i32
        %dma_start3A_236 = tpu.memref_slice %arg3[%dma_start3A_234, %dma_start3A_235] : memref<10000x32xf32, #tpu.memory_space<hbm>> -> memref<10000x32xf32, #tpu.memory_space<hbm>>
        tpu.enqueue_indirect_dma source(%dma_start3A_236 : memref<10000x32xf32, #tpu.memory_space<hbm>>) target(%arg18 : memref<80x32xf32, #tpu.memory_space<vmem>>) offsets(%dma_start3A_233 : memref<80xi32, #tpu.memory_space<vmem>>) semaphore(%arg32 : memref<!tpu.dma_semaphore, #tpu.memory_space<semaphore_mem>>)
        %dma_start3A_237 = tpu.memref_slice %arg13[%mul3A_228] : memref<10000xi32, #tpu.memory_space<vmem>> -> memref<80xi32, #tpu.memory_space<vmem>>
        %dma_start3A_238 = arith.constant 0 : i32
        %dma_start3A_239 = arith.constant 0 : i32
        %dma_start3A_240 = tpu.memref_slice %arg3[%dma_start3A_238, %dma_start3A_239] : memref<10000x32xf32, #tpu.memory_space<hbm>> -> memref<10000x32xf32, #tpu.memory_space<hbm>>
        tpu.enqueue_indirect_dma source(%dma_start3A_240 : memref<10000x32xf32, #tpu.memory_space<hbm>>) target(%arg19 : memref<80x32xf32, #tpu.memory_space<vmem>>) offsets(%dma_start3A_237 : memref<80xi32, #tpu.memory_space<vmem>>) semaphore(%arg32 : memref<!tpu.dma_semaphore, #tpu.memory_space<semaphore_mem>>)
      } else {
      }
      %scan3A_155 = arith.constant 0 : i32
      %scan3A_156 = arith.constant 0 : i32
      %scan3A_157 = arith.constant 5 : i32
      %scan3A_158 = arith.addi %scan3A_156, %scan3A_157 : i32
      %scan3A_159 = arith.constant 1 : i32
      %scan3A_160 = scf.for %scan3A_227 = %scan3A_156 to %scan3A_158 step %scan3A_159 iter_args(%scan3A_228 = %scan3A_155) -> (i32)  : i32 {
        %iota3A = tpu.iota {dimensions = array<i32: 0>} : vector<16xi32>
        %mul3A_229 = arith.constant 16 : i32
        %mul3A_230 = arith.muli %scan3A_227, %mul3A_229 : i32
        %add3A_231 = vector.broadcast %mul3A_230 : i32 to vector<16xi32>
        %add3A_232 = arith.addi %add3A_231, %iota3A : vector<16xi32>
        %broadcast_in_dim3A = arith.constant 0.000000e+00 : f32
        %broadcast_in_dim3A_233 = vector.broadcast %broadcast_in_dim3A : f32 to vector<16xf32>
        %broadcast_in_dim3A_234 = arith.constant 0.000000e+00 : f32
        %broadcast_in_dim3A_235 = vector.broadcast %broadcast_in_dim3A_234 : f32 to vector<16xf32>
        %scan3A_236 = arith.constant 0 : i32
        %scan3A_237 = arith.constant 4 : i32
        %scan3A_238 = arith.addi %scan3A_236, %scan3A_237 : i32
        %scan3A_239 = arith.constant 1 : i32
        %scan3A_240:2 = scf.for %scan3A_273 = %scan3A_236 to %scan3A_238 step %scan3A_239 iter_args(%scan3A_274 = %broadcast_in_dim3A_233, %scan3A_275 = %broadcast_in_dim3A_235) -> (vector<16xf32>, vector<16xf32>)  : i32 {
          %mul3A_276 = arith.constant 8 : i32
          %mul3A_277 = arith.muli %scan3A_273, %mul3A_276 : i32
          %add3A_278 = arith.constant 0 : i32
          %add3A_279 = arith.addi %mul3A_277, %add3A_278 : i32
          %add3A_280 = vector.broadcast %add3A_279 : i32 to vector<16xi32>
          %add3A_281 = arith.addi %iota3A, %add3A_280 : vector<16xi32>
          %and3A = arith.constant 31 : i32
          %and3A_282 = vector.broadcast %and3A : i32 to vector<16xi32>
          %and3A_283 = arith.andi %add3A_281, %and3A_282 : vector<16xi32>
          %gather3A_284 = tpu.vector_load_idx %arg20[%add3A_232, %and3A_283] : memref<80x32xf32, #tpu.memory_space<vmem>>[vector<16xi32>, vector<16xi32>], vector<16xf32>,
          %gather3A_285 = tpu.vector_load_idx %arg21[%add3A_232, %and3A_283] : memref<80x32xf32, #tpu.memory_space<vmem>>[vector<16xi32>, vector<16xi32>], vector<16xf32>,
          %gather3A_286 = tpu.vector_load_idx %arg22[%add3A_232, %and3A_283] : memref<80x32xf32, #tpu.memory_space<vmem>>[vector<16xi32>, vector<16xi32>], vector<16xf32>,
          %gather3A_287 = tpu.vector_load_idx %arg10[%and3A_283] : memref<48xf32, #tpu.memory_space<vmem>>[vector<16xi32>], vector<16xf32>,
          %add3A_288 = arith.addf %gather3A_284, %gather3A_285 : vector<16xf32>
          %max3A = arith.constant 0.000000e+00 : f32
          %max3A_289 = vector.broadcast %max3A : f32 to vector<16xf32>
          %max3A_290 = arith.maximumf %add3A_288, %max3A_289 : vector<16xf32>
          %mul3A_291 = arith.mulf %max3A_290, %gather3A_287 : vector<16xf32>
          %add3A_292 = arith.addf %scan3A_274, %mul3A_291 : vector<16xf32>
          %add3A_293 = arith.addf %gather3A_284, %gather3A_286 : vector<16xf32>
          %max3A_294 = arith.constant 0.000000e+00 : f32
          %max3A_295 = vector.broadcast %max3A_294 : f32 to vector<16xf32>
          %max3A_296 = arith.maximumf %add3A_293, %max3A_295 : vector<16xf32>
          %mul3A_297 = arith.mulf %max3A_296, %gather3A_287 : vector<16xf32>
          %add3A_298 = arith.addf %scan3A_275, %mul3A_297 : vector<16xf32>
          %mul3A_299 = arith.constant 8 : i32
          %mul3A_300 = arith.muli %scan3A_273, %mul3A_299 : i32
          %add3A_301 = arith.constant 1 : i32
          %add3A_302 = arith.addi %mul3A_300, %add3A_301 : i32
          %add3A_303 = vector.broadcast %add3A_302 : i32 to vector<16xi32>
          %add3A_304 = arith.addi %iota3A, %add3A_303 : vector<16xi32>
          %and3A_305 = arith.constant 31 : i32
          %and3A_306 = vector.broadcast %and3A_305 : i32 to vector<16xi32>
          %and3A_307 = arith.andi %add3A_304, %and3A_306 : vector<16xi32>
          %gather3A_308 = tpu.vector_load_idx %arg20[%add3A_232, %and3A_307] : memref<80x32xf32, #tpu.memory_space<vmem>>[vector<16xi32>, vector<16xi32>], vector<16xf32>,
          %gather3A_309 = tpu.vector_load_idx %arg21[%add3A_232, %and3A_307] : memref<80x32xf32, #tpu.memory_space<vmem>>[vector<16xi32>, vector<16xi32>], vector<16xf32>,
          %gather3A_310 = tpu.vector_load_idx %arg22[%add3A_232, %and3A_307] : memref<80x32xf32, #tpu.memory_space<vmem>>[vector<16xi32>, vector<16xi32>], vector<16xf32>,
          %gather3A_311 = tpu.vector_load_idx %arg10[%and3A_307] : memref<48xf32, #tpu.memory_space<vmem>>[vector<16xi32>], vector<16xf32>,
          %add3A_312 = arith.addf %gather3A_308, %gather3A_309 : vector<16xf32>
          %max3A_313 = arith.constant 0.000000e+00 : f32
          %max3A_314 = vector.broadcast %max3A_313 : f32 to vector<16xf32>
          %max3A_315 = arith.maximumf %add3A_312, %max3A_314 : vector<16xf32>
          %mul3A_316 = arith.mulf %max3A_315, %gather3A_311 : vector<16xf32>
          %add3A_317 = arith.addf %add3A_292, %mul3A_316 : vector<16xf32>
          %add3A_318 = arith.addf %gather3A_308, %gather3A_310 : vector<16xf32>
          %max3A_319 = arith.constant 0.000000e+00 : f32
          %max3A_320 = vector.broadcast %max3A_319 : f32 to vector<16xf32>
          %max3A_321 = arith.maximumf %add3A_318, %max3A_320 : vector<16xf32>
          %mul3A_322 = arith.mulf %max3A_321, %gather3A_311 : vector<16xf32>
          %add3A_323 = arith.addf %add3A_298, %mul3A_322 : vector<16xf32>
          %mul3A_324 = arith.constant 8 : i32
          %mul3A_325 = arith.muli %scan3A_273, %mul3A_324 : i32
          %add3A_326 = arith.constant 2 : i32
          %add3A_327 = arith.addi %mul3A_325, %add3A_326 : i32
          %add3A_328 = vector.broadcast %add3A_327 : i32 to vector<16xi32>
          %add3A_329 = arith.addi %iota3A, %add3A_328 : vector<16xi32>
          %and3A_330 = arith.constant 31 : i32
          %and3A_331 = vector.broadcast %and3A_330 : i32 to vector<16xi32>
          %and3A_332 = arith.andi %add3A_329, %and3A_331 : vector<16xi32>
          %gather3A_333 = tpu.vector_load_idx %arg20[%add3A_232, %and3A_332] : memref<80x32xf32, #tpu.memory_space<vmem>>[vector<16xi32>, vector<16xi32>], vector<16xf32>,
          %gather3A_334 = tpu.vector_load_idx %arg21[%add3A_232, %and3A_332] : memref<80x32xf32, #tpu.memory_space<vmem>>[vector<16xi32>, vector<16xi32>], vector<16xf32>,
          %gather3A_335 = tpu.vector_load_idx %arg22[%add3A_232, %and3A_332] : memref<80x32xf32, #tpu.memory_space<vmem>>[vector<16xi32>, vector<16xi32>], vector<16xf32>,
          %gather3A_336 = tpu.vector_load_idx %arg10[%and3A_332] : memref<48xf32, #tpu.memory_space<vmem>>[vector<16xi32>], vector<16xf32>,
          %add3A_337 = arith.addf %gather3A_333, %gather3A_334 : vector<16xf32>
          %max3A_338 = arith.constant 0.000000e+00 : f32
          %max3A_339 = vector.broadcast %max3A_338 : f32 to vector<16xf32>
          %max3A_340 = arith.maximumf %add3A_337, %max3A_339 : vector<16xf32>
          %mul3A_341 = arith.mulf %max3A_340, %gather3A_336 : vector<16xf32>
          %add3A_342 = arith.addf %add3A_317, %mul3A_341 : vector<16xf32>
          %add3A_343 = arith.addf %gather3A_333, %gather3A_335 : vector<16xf32>
          %max3A_344 = arith.constant 0.000000e+00 : f32
          %max3A_345 = vector.broadcast %max3A_344 : f32 to vector<16xf32>
          %max3A_346 = arith.maximumf %add3A_343, %max3A_345 : vector<16xf32>
          %mul3A_347 = arith.mulf %max3A_346, %gather3A_336 : vector<16xf32>
          %add3A_348 = arith.addf %add3A_323, %mul3A_347 : vector<16xf32>
          %mul3A_349 = arith.constant 8 : i32
          %mul3A_350 = arith.muli %scan3A_273, %mul3A_349 : i32
          %add3A_351 = arith.constant 3 : i32
          %add3A_352 = arith.addi %mul3A_350, %add3A_351 : i32
          %add3A_353 = vector.broadcast %add3A_352 : i32 to vector<16xi32>
          %add3A_354 = arith.addi %iota3A, %add3A_353 : vector<16xi32>
          %and3A_355 = arith.constant 31 : i32
          %and3A_356 = vector.broadcast %and3A_355 : i32 to vector<16xi32>
          %and3A_357 = arith.andi %add3A_354, %and3A_356 : vector<16xi32>
          %gather3A_358 = tpu.vector_load_idx %arg20[%add3A_232, %and3A_357] : memref<80x32xf32, #tpu.memory_space<vmem>>[vector<16xi32>, vector<16xi32>], vector<16xf32>,
          %gather3A_359 = tpu.vector_load_idx %arg21[%add3A_232, %and3A_357] : memref<80x32xf32, #tpu.memory_space<vmem>>[vector<16xi32>, vector<16xi32>], vector<16xf32>,
          %gather3A_360 = tpu.vector_load_idx %arg22[%add3A_232, %and3A_357] : memref<80x32xf32, #tpu.memory_space<vmem>>[vector<16xi32>, vector<16xi32>], vector<16xf32>,
          %gather3A_361 = tpu.vector_load_idx %arg10[%and3A_357] : memref<48xf32, #tpu.memory_space<vmem>>[vector<16xi32>], vector<16xf32>,
          %add3A_362 = arith.addf %gather3A_358, %gather3A_359 : vector<16xf32>
          %max3A_363 = arith.constant 0.000000e+00 : f32
          %max3A_364 = vector.broadcast %max3A_363 : f32 to vector<16xf32>
          %max3A_365 = arith.maximumf %add3A_362, %max3A_364 : vector<16xf32>
          %mul3A_366 = arith.mulf %max3A_365, %gather3A_361 : vector<16xf32>
          %add3A_367 = arith.addf %add3A_342, %mul3A_366 : vector<16xf32>
          %add3A_368 = arith.addf %gather3A_358, %gather3A_360 : vector<16xf32>
          %max3A_369 = arith.constant 0.000000e+00 : f32
          %max3A_370 = vector.broadcast %max3A_369 : f32 to vector<16xf32>
          %max3A_371 = arith.maximumf %add3A_368, %max3A_370 : vector<16xf32>
          %mul3A_372 = arith.mulf %max3A_371, %gather3A_361 : vector<16xf32>
          %add3A_373 = arith.addf %add3A_348, %mul3A_372 : vector<16xf32>
          %mul3A_374 = arith.constant 8 : i32
          %mul3A_375 = arith.muli %scan3A_273, %mul3A_374 : i32
          %add3A_376 = arith.constant 4 : i32
          %add3A_377 = arith.addi %mul3A_375, %add3A_376 : i32
          %add3A_378 = vector.broadcast %add3A_377 : i32 to vector<16xi32>
          %add3A_379 = arith.addi %iota3A, %add3A_378 : vector<16xi32>
          %and3A_380 = arith.constant 31 : i32
          %and3A_381 = vector.broadcast %and3A_380 : i32 to vector<16xi32>
          %and3A_382 = arith.andi %add3A_379, %and3A_381 : vector<16xi32>
          %gather3A_383 = tpu.vector_load_idx %arg20[%add3A_232, %and3A_382] : memref<80x32xf32, #tpu.memory_space<vmem>>[vector<16xi32>, vector<16xi32>], vector<16xf32>,
          %gather3A_384 = tpu.vector_load_idx %arg21[%add3A_232, %and3A_382] : memref<80x32xf32, #tpu.memory_space<vmem>>[vector<16xi32>, vector<16xi32>], vector<16xf32>,
          %gather3A_385 = tpu.vector_load_idx %arg22[%add3A_232, %and3A_382] : memref<80x32xf32, #tpu.memory_space<vmem>>[vector<16xi32>, vector<16xi32>], vector<16xf32>,
          %gather3A_386 = tpu.vector_load_idx %arg10[%and3A_382] : memref<48xf32, #tpu.memory_space<vmem>>[vector<16xi32>], vector<16xf32>,
          %add3A_387 = arith.addf %gather3A_383, %gather3A_384 : vector<16xf32>
          %max3A_388 = arith.constant 0.000000e+00 : f32
          %max3A_389 = vector.broadcast %max3A_388 : f32 to vector<16xf32>
          %max3A_390 = arith.maximumf %add3A_387, %max3A_389 : vector<16xf32>
          %mul3A_391 = arith.mulf %max3A_390, %gather3A_386 : vector<16xf32>
          %add3A_392 = arith.addf %add3A_367, %mul3A_391 : vector<16xf32>
          %add3A_393 = arith.addf %gather3A_383, %gather3A_385 : vector<16xf32>
          %max3A_394 = arith.constant 0.000000e+00 : f32
          %max3A_395 = vector.broadcast %max3A_394 : f32 to vector<16xf32>
          %max3A_396 = arith.maximumf %add3A_393, %max3A_395 : vector<16xf32>
          %mul3A_397 = arith.mulf %max3A_396, %gather3A_386 : vector<16xf32>
          %add3A_398 = arith.addf %add3A_373, %mul3A_397 : vector<16xf32>
          %mul3A_399 = arith.constant 8 : i32
          %mul3A_400 = arith.muli %scan3A_273, %mul3A_399 : i32
          %add3A_401 = arith.constant 5 : i32
          %add3A_402 = arith.addi %mul3A_400, %add3A_401 : i32
          %add3A_403 = vector.broadcast %add3A_402 : i32 to vector<16xi32>
          %add3A_404 = arith.addi %iota3A, %add3A_403 : vector<16xi32>
          %and3A_405 = arith.constant 31 : i32
          %and3A_406 = vector.broadcast %and3A_405 : i32 to vector<16xi32>
          %and3A_407 = arith.andi %add3A_404, %and3A_406 : vector<16xi32>
          %gather3A_408 = tpu.vector_load_idx %arg20[%add3A_232, %and3A_407] : memref<80x32xf32, #tpu.memory_space<vmem>>[vector<16xi32>, vector<16xi32>], vector<16xf32>,
          %gather3A_409 = tpu.vector_load_idx %arg21[%add3A_232, %and3A_407] : memref<80x32xf32, #tpu.memory_space<vmem>>[vector<16xi32>, vector<16xi32>], vector<16xf32>,
          %gather3A_410 = tpu.vector_load_idx %arg22[%add3A_232, %and3A_407] : memref<80x32xf32, #tpu.memory_space<vmem>>[vector<16xi32>, vector<16xi32>], vector<16xf32>,
          %gather3A_411 = tpu.vector_load_idx %arg10[%and3A_407] : memref<48xf32, #tpu.memory_space<vmem>>[vector<16xi32>], vector<16xf32>,
          %add3A_412 = arith.addf %gather3A_408, %gather3A_409 : vector<16xf32>
          %max3A_413 = arith.constant 0.000000e+00 : f32
          %max3A_414 = vector.broadcast %max3A_413 : f32 to vector<16xf32>
          %max3A_415 = arith.maximumf %add3A_412, %max3A_414 : vector<16xf32>
          %mul3A_416 = arith.mulf %max3A_415, %gather3A_411 : vector<16xf32>
          %add3A_417 = arith.addf %add3A_392, %mul3A_416 : vector<16xf32>
          %add3A_418 = arith.addf %gather3A_408, %gather3A_410 : vector<16xf32>
          %max3A_419 = arith.constant 0.000000e+00 : f32
          %max3A_420 = vector.broadcast %max3A_419 : f32 to vector<16xf32>
          %max3A_421 = arith.maximumf %add3A_418, %max3A_420 : vector<16xf32>
          %mul3A_422 = arith.mulf %max3A_421, %gather3A_411 : vector<16xf32>
          %add3A_423 = arith.addf %add3A_398, %mul3A_422 : vector<16xf32>
          %mul3A_424 = arith.constant 8 : i32
          %mul3A_425 = arith.muli %scan3A_273, %mul3A_424 : i32
          %add3A_426 = arith.constant 6 : i32
          %add3A_427 = arith.addi %mul3A_425, %add3A_426 : i32
          %add3A_428 = vector.broadcast %add3A_427 : i32 to vector<16xi32>
          %add3A_429 = arith.addi %iota3A, %add3A_428 : vector<16xi32>
          %and3A_430 = arith.constant 31 : i32
          %and3A_431 = vector.broadcast %and3A_430 : i32 to vector<16xi32>
          %and3A_432 = arith.andi %add3A_429, %and3A_431 : vector<16xi32>
          %gather3A_433 = tpu.vector_load_idx %arg20[%add3A_232, %and3A_432] : memref<80x32xf32, #tpu.memory_space<vmem>>[vector<16xi32>, vector<16xi32>], vector<16xf32>,
          %gather3A_434 = tpu.vector_load_idx %arg21[%add3A_232, %and3A_432] : memref<80x32xf32, #tpu.memory_space<vmem>>[vector<16xi32>, vector<16xi32>], vector<16xf32>,
          %gather3A_435 = tpu.vector_load_idx %arg22[%add3A_232, %and3A_432] : memref<80x32xf32, #tpu.memory_space<vmem>>[vector<16xi32>, vector<16xi32>], vector<16xf32>,
          %gather3A_436 = tpu.vector_load_idx %arg10[%and3A_432] : memref<48xf32, #tpu.memory_space<vmem>>[vector<16xi32>], vector<16xf32>,
          %add3A_437 = arith.addf %gather3A_433, %gather3A_434 : vector<16xf32>
          %max3A_438 = arith.constant 0.000000e+00 : f32
          %max3A_439 = vector.broadcast %max3A_438 : f32 to vector<16xf32>
          %max3A_440 = arith.maximumf %add3A_437, %max3A_439 : vector<16xf32>
          %mul3A_441 = arith.mulf %max3A_440, %gather3A_436 : vector<16xf32>
          %add3A_442 = arith.addf %add3A_417, %mul3A_441 : vector<16xf32>
          %add3A_443 = arith.addf %gather3A_433, %gather3A_435 : vector<16xf32>
          %max3A_444 = arith.constant 0.000000e+00 : f32
          %max3A_445 = vector.broadcast %max3A_444 : f32 to vector<16xf32>
          %max3A_446 = arith.maximumf %add3A_443, %max3A_445 : vector<16xf32>
          %mul3A_447 = arith.mulf %max3A_446, %gather3A_436 : vector<16xf32>
          %add3A_448 = arith.addf %add3A_423, %mul3A_447 : vector<16xf32>
          %mul3A_449 = arith.constant 8 : i32
          %mul3A_450 = arith.muli %scan3A_273, %mul3A_449 : i32
          %add3A_451 = arith.constant 7 : i32
          %add3A_452 = arith.addi %mul3A_450, %add3A_451 : i32
          %add3A_453 = vector.broadcast %add3A_452 : i32 to vector<16xi32>
          %add3A_454 = arith.addi %iota3A, %add3A_453 : vector<16xi32>
          %and3A_455 = arith.constant 31 : i32
          %and3A_456 = vector.broadcast %and3A_455 : i32 to vector<16xi32>
          %and3A_457 = arith.andi %add3A_454, %and3A_456 : vector<16xi32>
          %gather3A_458 = tpu.vector_load_idx %arg20[%add3A_232, %and3A_457] : memref<80x32xf32, #tpu.memory_space<vmem>>[vector<16xi32>, vector<16xi32>], vector<16xf32>,
          %gather3A_459 = tpu.vector_load_idx %arg21[%add3A_232, %and3A_457] : memref<80x32xf32, #tpu.memory_space<vmem>>[vector<16xi32>, vector<16xi32>], vector<16xf32>,
          %gather3A_460 = tpu.vector_load_idx %arg22[%add3A_232, %and3A_457] : memref<80x32xf32, #tpu.memory_space<vmem>>[vector<16xi32>, vector<16xi32>], vector<16xf32>,
          %gather3A_461 = tpu.vector_load_idx %arg10[%and3A_457] : memref<48xf32, #tpu.memory_space<vmem>>[vector<16xi32>], vector<16xf32>,
          %add3A_462 = arith.addf %gather3A_458, %gather3A_459 : vector<16xf32>
          %max3A_463 = arith.constant 0.000000e+00 : f32
          %max3A_464 = vector.broadcast %max3A_463 : f32 to vector<16xf32>
          %max3A_465 = arith.maximumf %add3A_462, %max3A_464 : vector<16xf32>
          %mul3A_466 = arith.mulf %max3A_465, %gather3A_461 : vector<16xf32>
          %add3A_467 = arith.addf %add3A_442, %mul3A_466 : vector<16xf32>
          %add3A_468 = arith.addf %gather3A_458, %gather3A_460 : vector<16xf32>
          %max3A_469 = arith.constant 0.000000e+00 : f32
          %max3A_470 = vector.broadcast %max3A_469 : f32 to vector<16xf32>
          %max3A_471 = arith.maximumf %add3A_468, %max3A_470 : vector<16xf32>
          %mul3A_472 = arith.mulf %max3A_471, %gather3A_461 : vector<16xf32>
          %add3A_473 = arith.addf %add3A_448, %mul3A_472 : vector<16xf32>
          scf.yield %add3A_467, %add3A_473 : vector<16xf32>, vector<16xf32>
        }
        %scan3A_241 = arith.constant 4 : i32
        %add3A_242 = arith.constant 32 : i32
        %add3A_243 = vector.broadcast %add3A_242 : i32 to vector<16xi32>
        %add3A_244 = arith.addi %add3A_243, %iota3A : vector<16xi32>
        %gather3A = tpu.vector_load_idx %arg10[%add3A_244] : memref<48xf32, #tpu.memory_space<vmem>>[vector<16xi32>], vector<16xf32>,
        %mul3A_245 = arith.constant 80 : i32
        %mul3A_246 = arith.muli %add3A_133, %mul3A_245 : i32
        %mul3A_247 = arith.constant 16 : i32
        %mul3A_248 = arith.muli %scan3A_227, %mul3A_247 : i32
        %add3A_249 = arith.addi %mul3A_246, %mul3A_248 : i32
        %add3A_250 = arith.addf %scan3A_240#0, %gather3A : vector<16xf32>
        %neg3A = arith.constant 0.000000e+00 : f32
        %neg3A_251 = vector.broadcast %neg3A : f32 to vector<16xf32>
        %neg3A_252 = arith.subf %neg3A_251, %add3A_250 : vector<16xf32>
        %exp3A = math.exp %neg3A_252 : vector<16xf32>
        %add3A_253 = arith.constant 1.000000e+00 : f32
        %add3A_254 = vector.broadcast %add3A_253 : f32 to vector<16xf32>
        %add3A_255 = arith.addf %add3A_254, %exp3A : vector<16xf32>
        %div3A = arith.constant 1.000000e+00 : f32
        %div3A_256 = vector.broadcast %div3A : f32 to vector<16xf32>
        %div3A_257 = arith.divf %div3A_256, %add3A_255 : vector<16xf32>
        %swap3A = arith.index_cast %add3A_249 : i32 to index
        %swap3A_258 = tpu.vector_load %arg29[%swap3A] {strides = array<i32>} : memref<10000xf32, #tpu.memory_space<vmem>>, vector<16xf32>,
        tpu.vector_store %arg29[%swap3A], %div3A_257 {strides = array<i32>} : memref<10000xf32, #tpu.memory_space<vmem>>, vector<16xf32>,
        %add3A_259 = arith.addf %scan3A_240#1, %gather3A : vector<16xf32>
        %neg3A_260 = arith.constant 0.000000e+00 : f32
        %neg3A_261 = vector.broadcast %neg3A_260 : f32 to vector<16xf32>
        %neg3A_262 = arith.subf %neg3A_261, %add3A_259 : vector<16xf32>
        %exp3A_263 = math.exp %neg3A_262 : vector<16xf32>
        %add3A_264 = arith.constant 1.000000e+00 : f32
        %add3A_265 = vector.broadcast %add3A_264 : f32 to vector<16xf32>
        %add3A_266 = arith.addf %add3A_265, %exp3A_263 : vector<16xf32>
        %div3A_267 = arith.constant 1.000000e+00 : f32
        %div3A_268 = vector.broadcast %div3A_267 : f32 to vector<16xf32>
        %div3A_269 = arith.divf %div3A_268, %add3A_266 : vector<16xf32>
        %swap3A_270 = arith.index_cast %add3A_249 : i32 to index
        %swap3A_271 = tpu.vector_load %arg30[%swap3A_270] {strides = array<i32>} : memref<10000xf32, #tpu.memory_space<vmem>>, vector<16xf32>,
        tpu.vector_store %arg30[%swap3A_270], %div3A_269 {strides = array<i32>} : memref<10000xf32, #tpu.memory_space<vmem>>, vector<16xf32>,
        %scan3A_272 = arith.constant 0 : i32
        scf.yield %scan3A_272 : i32
      }
      %scan3A_161 = arith.constant 5 : i32
      %mul3A_162 = arith.constant 5 : i32
      %mul3A_163 = arith.muli %mul3A_162, %scan3A_68 : i32
      %add3A_164 = arith.constant 3 : i32
      %add3A_165 = arith.addi %mul3A_163, %add3A_164 : i32
      %mul3A_166 = arith.constant 80 : i32
      %mul3A_167 = arith.muli %add3A_165, %mul3A_166 : i32
      %dma_wait3A_168 = tpu.memref_slice %arg11[%mul3A_167] : memref<10000xi32, #tpu.memory_space<vmem>> -> memref<80xi32, #tpu.memory_space<vmem>>
      %dma_wait3A_169 = arith.constant 0 : i32
      %dma_wait3A_170 = arith.constant 0 : i32
      %dma_wait3A_171 = tpu.memref_slice %arg2[%dma_wait3A_169, %dma_wait3A_170] : memref<10000x32xf32, #tpu.memory_space<hbm>> -> memref<10000x32xf32, #tpu.memory_space<hbm>>
      tpu.wait_indirect_dma semaphore(%arg34 : memref<!tpu.dma_semaphore, #tpu.memory_space<semaphore_mem>>) src(%dma_wait3A_171 : memref<10000x32xf32, #tpu.memory_space<hbm>>) dst(%arg23 : memref<80x32xf32, #tpu.memory_space<vmem>>)
      %dma_wait3A_172 = tpu.memref_slice %arg12[%mul3A_167] : memref<10000xi32, #tpu.memory_space<vmem>> -> memref<80xi32, #tpu.memory_space<vmem>>
      %dma_wait3A_173 = arith.constant 0 : i32
      %dma_wait3A_174 = arith.constant 0 : i32
      %dma_wait3A_175 = tpu.memref_slice %arg3[%dma_wait3A_173, %dma_wait3A_174] : memref<10000x32xf32, #tpu.memory_space<hbm>> -> memref<10000x32xf32, #tpu.memory_space<hbm>>
      tpu.wait_indirect_dma semaphore(%arg34 : memref<!tpu.dma_semaphore, #tpu.memory_space<semaphore_mem>>) src(%dma_wait3A_175 : memref<10000x32xf32, #tpu.memory_space<hbm>>) dst(%arg24 : memref<80x32xf32, #tpu.memory_space<vmem>>)
      %dma_wait3A_176 = tpu.memref_slice %arg13[%mul3A_167] : memref<10000xi32, #tpu.memory_space<vmem>> -> memref<80xi32, #tpu.memory_space<vmem>>
      %dma_wait3A_177 = arith.constant 0 : i32
      %dma_wait3A_178 = arith.constant 0 : i32
      %dma_wait3A_179 = tpu.memref_slice %arg3[%dma_wait3A_177, %dma_wait3A_178] : memref<10000x32xf32, #tpu.memory_space<hbm>> -> memref<10000x32xf32, #tpu.memory_space<hbm>>
      tpu.wait_indirect_dma semaphore(%arg34 : memref<!tpu.dma_semaphore, #tpu.memory_space<semaphore_mem>>) src(%dma_wait3A_179 : memref<10000x32xf32, #tpu.memory_space<hbm>>) dst(%arg25 : memref<80x32xf32, #tpu.memory_space<vmem>>)
      %add3A_180 = arith.constant 4 : i32
      %add3A_181 = arith.addi %add3A_165, %add3A_180 : i32
      %lt3A_182 = arith.constant 125 : i32
      %lt3A_183 = arith.cmpi slt, %add3A_181, %lt3A_182 : i32
      %convert_element_type3A_184 = arith.extui %lt3A_183 : i1 to i32
      %cond3A_185 = arith.constant 0 : i32
      %cond3A_186 = arith.cmpi ne, %convert_element_type3A_184, %cond3A_185 : i32
      scf.if %cond3A_186 {
        %mul3A_227 = arith.constant 80 : i32
        %mul3A_228 = arith.muli %add3A_181, %mul3A_227 : i32
        %dma_start3A_229 = tpu.memref_slice %arg11[%mul3A_228] : memref<10000xi32, #tpu.memory_space<vmem>> -> memref<80xi32, #tpu.memory_space<vmem>>
        %dma_start3A_230 = arith.constant 0 : i32
        %dma_start3A_231 = arith.constant 0 : i32
        %dma_start3A_232 = tpu.memref_slice %arg2[%dma_start3A_230, %dma_start3A_231] : memref<10000x32xf32, #tpu.memory_space<hbm>> -> memref<10000x32xf32, #tpu.memory_space<hbm>>
        tpu.enqueue_indirect_dma source(%dma_start3A_232 : memref<10000x32xf32, #tpu.memory_space<hbm>>) target(%arg20 : memref<80x32xf32, #tpu.memory_space<vmem>>) offsets(%dma_start3A_229 : memref<80xi32, #tpu.memory_space<vmem>>) semaphore(%arg33 : memref<!tpu.dma_semaphore, #tpu.memory_space<semaphore_mem>>)
        %dma_start3A_233 = tpu.memref_slice %arg12[%mul3A_228] : memref<10000xi32, #tpu.memory_space<vmem>> -> memref<80xi32, #tpu.memory_space<vmem>>
        %dma_start3A_234 = arith.constant 0 : i32
        %dma_start3A_235 = arith.constant 0 : i32
        %dma_start3A_236 = tpu.memref_slice %arg3[%dma_start3A_234, %dma_start3A_235] : memref<10000x32xf32, #tpu.memory_space<hbm>> -> memref<10000x32xf32, #tpu.memory_space<hbm>>
        tpu.enqueue_indirect_dma source(%dma_start3A_236 : memref<10000x32xf32, #tpu.memory_space<hbm>>) target(%arg21 : memref<80x32xf32, #tpu.memory_space<vmem>>) offsets(%dma_start3A_233 : memref<80xi32, #tpu.memory_space<vmem>>) semaphore(%arg33 : memref<!tpu.dma_semaphore, #tpu.memory_space<semaphore_mem>>)
        %dma_start3A_237 = tpu.memref_slice %arg13[%mul3A_228] : memref<10000xi32, #tpu.memory_space<vmem>> -> memref<80xi32, #tpu.memory_space<vmem>>
        %dma_start3A_238 = arith.constant 0 : i32
        %dma_start3A_239 = arith.constant 0 : i32
        %dma_start3A_240 = tpu.memref_slice %arg3[%dma_start3A_238, %dma_start3A_239] : memref<10000x32xf32, #tpu.memory_space<hbm>> -> memref<10000x32xf32, #tpu.memory_space<hbm>>
        tpu.enqueue_indirect_dma source(%dma_start3A_240 : memref<10000x32xf32, #tpu.memory_space<hbm>>) target(%arg22 : memref<80x32xf32, #tpu.memory_space<vmem>>) offsets(%dma_start3A_237 : memref<80xi32, #tpu.memory_space<vmem>>) semaphore(%arg33 : memref<!tpu.dma_semaphore, #tpu.memory_space<semaphore_mem>>)
      } else {
      }
      %scan3A_187 = arith.constant 0 : i32
      %scan3A_188 = arith.constant 0 : i32
      %scan3A_189 = arith.constant 5 : i32
      %scan3A_190 = arith.addi %scan3A_188, %scan3A_189 : i32
      %scan3A_191 = arith.constant 1 : i32
      %scan3A_192 = scf.for %scan3A_227 = %scan3A_188 to %scan3A_190 step %scan3A_191 iter_args(%scan3A_228 = %scan3A_187) -> (i32)  : i32 {
        %iota3A = tpu.iota {dimensions = array<i32: 0>} : vector<16xi32>
        %mul3A_229 = arith.constant 16 : i32
        %mul3A_230 = arith.muli %scan3A_227, %mul3A_229 : i32
        %add3A_231 = vector.broadcast %mul3A_230 : i32 to vector<16xi32>
        %add3A_232 = arith.addi %add3A_231, %iota3A : vector<16xi32>
        %broadcast_in_dim3A = arith.constant 0.000000e+00 : f32
        %broadcast_in_dim3A_233 = vector.broadcast %broadcast_in_dim3A : f32 to vector<16xf32>
        %broadcast_in_dim3A_234 = arith.constant 0.000000e+00 : f32
        %broadcast_in_dim3A_235 = vector.broadcast %broadcast_in_dim3A_234 : f32 to vector<16xf32>
        %scan3A_236 = arith.constant 0 : i32
        %scan3A_237 = arith.constant 4 : i32
        %scan3A_238 = arith.addi %scan3A_236, %scan3A_237 : i32
        %scan3A_239 = arith.constant 1 : i32
        %scan3A_240:2 = scf.for %scan3A_273 = %scan3A_236 to %scan3A_238 step %scan3A_239 iter_args(%scan3A_274 = %broadcast_in_dim3A_233, %scan3A_275 = %broadcast_in_dim3A_235) -> (vector<16xf32>, vector<16xf32>)  : i32 {
          %mul3A_276 = arith.constant 8 : i32
          %mul3A_277 = arith.muli %scan3A_273, %mul3A_276 : i32
          %add3A_278 = arith.constant 0 : i32
          %add3A_279 = arith.addi %mul3A_277, %add3A_278 : i32
          %add3A_280 = vector.broadcast %add3A_279 : i32 to vector<16xi32>
          %add3A_281 = arith.addi %iota3A, %add3A_280 : vector<16xi32>
          %and3A = arith.constant 31 : i32
          %and3A_282 = vector.broadcast %and3A : i32 to vector<16xi32>
          %and3A_283 = arith.andi %add3A_281, %and3A_282 : vector<16xi32>
          %gather3A_284 = tpu.vector_load_idx %arg23[%add3A_232, %and3A_283] : memref<80x32xf32, #tpu.memory_space<vmem>>[vector<16xi32>, vector<16xi32>], vector<16xf32>,
          %gather3A_285 = tpu.vector_load_idx %arg24[%add3A_232, %and3A_283] : memref<80x32xf32, #tpu.memory_space<vmem>>[vector<16xi32>, vector<16xi32>], vector<16xf32>,
          %gather3A_286 = tpu.vector_load_idx %arg25[%add3A_232, %and3A_283] : memref<80x32xf32, #tpu.memory_space<vmem>>[vector<16xi32>, vector<16xi32>], vector<16xf32>,
          %gather3A_287 = tpu.vector_load_idx %arg10[%and3A_283] : memref<48xf32, #tpu.memory_space<vmem>>[vector<16xi32>], vector<16xf32>,
          %add3A_288 = arith.addf %gather3A_284, %gather3A_285 : vector<16xf32>
          %max3A = arith.constant 0.000000e+00 : f32
          %max3A_289 = vector.broadcast %max3A : f32 to vector<16xf32>
          %max3A_290 = arith.maximumf %add3A_288, %max3A_289 : vector<16xf32>
          %mul3A_291 = arith.mulf %max3A_290, %gather3A_287 : vector<16xf32>
          %add3A_292 = arith.addf %scan3A_274, %mul3A_291 : vector<16xf32>
          %add3A_293 = arith.addf %gather3A_284, %gather3A_286 : vector<16xf32>
          %max3A_294 = arith.constant 0.000000e+00 : f32
          %max3A_295 = vector.broadcast %max3A_294 : f32 to vector<16xf32>
          %max3A_296 = arith.maximumf %add3A_293, %max3A_295 : vector<16xf32>
          %mul3A_297 = arith.mulf %max3A_296, %gather3A_287 : vector<16xf32>
          %add3A_298 = arith.addf %scan3A_275, %mul3A_297 : vector<16xf32>
          %mul3A_299 = arith.constant 8 : i32
          %mul3A_300 = arith.muli %scan3A_273, %mul3A_299 : i32
          %add3A_301 = arith.constant 1 : i32
          %add3A_302 = arith.addi %mul3A_300, %add3A_301 : i32
          %add3A_303 = vector.broadcast %add3A_302 : i32 to vector<16xi32>
          %add3A_304 = arith.addi %iota3A, %add3A_303 : vector<16xi32>
          %and3A_305 = arith.constant 31 : i32
          %and3A_306 = vector.broadcast %and3A_305 : i32 to vector<16xi32>
          %and3A_307 = arith.andi %add3A_304, %and3A_306 : vector<16xi32>
          %gather3A_308 = tpu.vector_load_idx %arg23[%add3A_232, %and3A_307] : memref<80x32xf32, #tpu.memory_space<vmem>>[vector<16xi32>, vector<16xi32>], vector<16xf32>,
          %gather3A_309 = tpu.vector_load_idx %arg24[%add3A_232, %and3A_307] : memref<80x32xf32, #tpu.memory_space<vmem>>[vector<16xi32>, vector<16xi32>], vector<16xf32>,
          %gather3A_310 = tpu.vector_load_idx %arg25[%add3A_232, %and3A_307] : memref<80x32xf32, #tpu.memory_space<vmem>>[vector<16xi32>, vector<16xi32>], vector<16xf32>,
          %gather3A_311 = tpu.vector_load_idx %arg10[%and3A_307] : memref<48xf32, #tpu.memory_space<vmem>>[vector<16xi32>], vector<16xf32>,
          %add3A_312 = arith.addf %gather3A_308, %gather3A_309 : vector<16xf32>
          %max3A_313 = arith.constant 0.000000e+00 : f32
          %max3A_314 = vector.broadcast %max3A_313 : f32 to vector<16xf32>
          %max3A_315 = arith.maximumf %add3A_312, %max3A_314 : vector<16xf32>
          %mul3A_316 = arith.mulf %max3A_315, %gather3A_311 : vector<16xf32>
          %add3A_317 = arith.addf %add3A_292, %mul3A_316 : vector<16xf32>
          %add3A_318 = arith.addf %gather3A_308, %gather3A_310 : vector<16xf32>
          %max3A_319 = arith.constant 0.000000e+00 : f32
          %max3A_320 = vector.broadcast %max3A_319 : f32 to vector<16xf32>
          %max3A_321 = arith.maximumf %add3A_318, %max3A_320 : vector<16xf32>
          %mul3A_322 = arith.mulf %max3A_321, %gather3A_311 : vector<16xf32>
          %add3A_323 = arith.addf %add3A_298, %mul3A_322 : vector<16xf32>
          %mul3A_324 = arith.constant 8 : i32
          %mul3A_325 = arith.muli %scan3A_273, %mul3A_324 : i32
          %add3A_326 = arith.constant 2 : i32
          %add3A_327 = arith.addi %mul3A_325, %add3A_326 : i32
          %add3A_328 = vector.broadcast %add3A_327 : i32 to vector<16xi32>
          %add3A_329 = arith.addi %iota3A, %add3A_328 : vector<16xi32>
          %and3A_330 = arith.constant 31 : i32
          %and3A_331 = vector.broadcast %and3A_330 : i32 to vector<16xi32>
          %and3A_332 = arith.andi %add3A_329, %and3A_331 : vector<16xi32>
          %gather3A_333 = tpu.vector_load_idx %arg23[%add3A_232, %and3A_332] : memref<80x32xf32, #tpu.memory_space<vmem>>[vector<16xi32>, vector<16xi32>], vector<16xf32>,
          %gather3A_334 = tpu.vector_load_idx %arg24[%add3A_232, %and3A_332] : memref<80x32xf32, #tpu.memory_space<vmem>>[vector<16xi32>, vector<16xi32>], vector<16xf32>,
          %gather3A_335 = tpu.vector_load_idx %arg25[%add3A_232, %and3A_332] : memref<80x32xf32, #tpu.memory_space<vmem>>[vector<16xi32>, vector<16xi32>], vector<16xf32>,
          %gather3A_336 = tpu.vector_load_idx %arg10[%and3A_332] : memref<48xf32, #tpu.memory_space<vmem>>[vector<16xi32>], vector<16xf32>,
          %add3A_337 = arith.addf %gather3A_333, %gather3A_334 : vector<16xf32>
          %max3A_338 = arith.constant 0.000000e+00 : f32
          %max3A_339 = vector.broadcast %max3A_338 : f32 to vector<16xf32>
          %max3A_340 = arith.maximumf %add3A_337, %max3A_339 : vector<16xf32>
          %mul3A_341 = arith.mulf %max3A_340, %gather3A_336 : vector<16xf32>
          %add3A_342 = arith.addf %add3A_317, %mul3A_341 : vector<16xf32>
          %add3A_343 = arith.addf %gather3A_333, %gather3A_335 : vector<16xf32>
          %max3A_344 = arith.constant 0.000000e+00 : f32
          %max3A_345 = vector.broadcast %max3A_344 : f32 to vector<16xf32>
          %max3A_346 = arith.maximumf %add3A_343, %max3A_345 : vector<16xf32>
          %mul3A_347 = arith.mulf %max3A_346, %gather3A_336 : vector<16xf32>
          %add3A_348 = arith.addf %add3A_323, %mul3A_347 : vector<16xf32>
          %mul3A_349 = arith.constant 8 : i32
          %mul3A_350 = arith.muli %scan3A_273, %mul3A_349 : i32
          %add3A_351 = arith.constant 3 : i32
          %add3A_352 = arith.addi %mul3A_350, %add3A_351 : i32
          %add3A_353 = vector.broadcast %add3A_352 : i32 to vector<16xi32>
          %add3A_354 = arith.addi %iota3A, %add3A_353 : vector<16xi32>
          %and3A_355 = arith.constant 31 : i32
          %and3A_356 = vector.broadcast %and3A_355 : i32 to vector<16xi32>
          %and3A_357 = arith.andi %add3A_354, %and3A_356 : vector<16xi32>
          %gather3A_358 = tpu.vector_load_idx %arg23[%add3A_232, %and3A_357] : memref<80x32xf32, #tpu.memory_space<vmem>>[vector<16xi32>, vector<16xi32>], vector<16xf32>,
          %gather3A_359 = tpu.vector_load_idx %arg24[%add3A_232, %and3A_357] : memref<80x32xf32, #tpu.memory_space<vmem>>[vector<16xi32>, vector<16xi32>], vector<16xf32>,
          %gather3A_360 = tpu.vector_load_idx %arg25[%add3A_232, %and3A_357] : memref<80x32xf32, #tpu.memory_space<vmem>>[vector<16xi32>, vector<16xi32>], vector<16xf32>,
          %gather3A_361 = tpu.vector_load_idx %arg10[%and3A_357] : memref<48xf32, #tpu.memory_space<vmem>>[vector<16xi32>], vector<16xf32>,
          %add3A_362 = arith.addf %gather3A_358, %gather3A_359 : vector<16xf32>
          %max3A_363 = arith.constant 0.000000e+00 : f32
          %max3A_364 = vector.broadcast %max3A_363 : f32 to vector<16xf32>
          %max3A_365 = arith.maximumf %add3A_362, %max3A_364 : vector<16xf32>
          %mul3A_366 = arith.mulf %max3A_365, %gather3A_361 : vector<16xf32>
          %add3A_367 = arith.addf %add3A_342, %mul3A_366 : vector<16xf32>
          %add3A_368 = arith.addf %gather3A_358, %gather3A_360 : vector<16xf32>
          %max3A_369 = arith.constant 0.000000e+00 : f32
          %max3A_370 = vector.broadcast %max3A_369 : f32 to vector<16xf32>
          %max3A_371 = arith.maximumf %add3A_368, %max3A_370 : vector<16xf32>
          %mul3A_372 = arith.mulf %max3A_371, %gather3A_361 : vector<16xf32>
          %add3A_373 = arith.addf %add3A_348, %mul3A_372 : vector<16xf32>
          %mul3A_374 = arith.constant 8 : i32
          %mul3A_375 = arith.muli %scan3A_273, %mul3A_374 : i32
          %add3A_376 = arith.constant 4 : i32
          %add3A_377 = arith.addi %mul3A_375, %add3A_376 : i32
          %add3A_378 = vector.broadcast %add3A_377 : i32 to vector<16xi32>
          %add3A_379 = arith.addi %iota3A, %add3A_378 : vector<16xi32>
          %and3A_380 = arith.constant 31 : i32
          %and3A_381 = vector.broadcast %and3A_380 : i32 to vector<16xi32>
          %and3A_382 = arith.andi %add3A_379, %and3A_381 : vector<16xi32>
          %gather3A_383 = tpu.vector_load_idx %arg23[%add3A_232, %and3A_382] : memref<80x32xf32, #tpu.memory_space<vmem>>[vector<16xi32>, vector<16xi32>], vector<16xf32>,
          %gather3A_384 = tpu.vector_load_idx %arg24[%add3A_232, %and3A_382] : memref<80x32xf32, #tpu.memory_space<vmem>>[vector<16xi32>, vector<16xi32>], vector<16xf32>,
          %gather3A_385 = tpu.vector_load_idx %arg25[%add3A_232, %and3A_382] : memref<80x32xf32, #tpu.memory_space<vmem>>[vector<16xi32>, vector<16xi32>], vector<16xf32>,
          %gather3A_386 = tpu.vector_load_idx %arg10[%and3A_382] : memref<48xf32, #tpu.memory_space<vmem>>[vector<16xi32>], vector<16xf32>,
          %add3A_387 = arith.addf %gather3A_383, %gather3A_384 : vector<16xf32>
          %max3A_388 = arith.constant 0.000000e+00 : f32
          %max3A_389 = vector.broadcast %max3A_388 : f32 to vector<16xf32>
          %max3A_390 = arith.maximumf %add3A_387, %max3A_389 : vector<16xf32>
          %mul3A_391 = arith.mulf %max3A_390, %gather3A_386 : vector<16xf32>
          %add3A_392 = arith.addf %add3A_367, %mul3A_391 : vector<16xf32>
          %add3A_393 = arith.addf %gather3A_383, %gather3A_385 : vector<16xf32>
          %max3A_394 = arith.constant 0.000000e+00 : f32
          %max3A_395 = vector.broadcast %max3A_394 : f32 to vector<16xf32>
          %max3A_396 = arith.maximumf %add3A_393, %max3A_395 : vector<16xf32>
          %mul3A_397 = arith.mulf %max3A_396, %gather3A_386 : vector<16xf32>
          %add3A_398 = arith.addf %add3A_373, %mul3A_397 : vector<16xf32>
          %mul3A_399 = arith.constant 8 : i32
          %mul3A_400 = arith.muli %scan3A_273, %mul3A_399 : i32
          %add3A_401 = arith.constant 5 : i32
          %add3A_402 = arith.addi %mul3A_400, %add3A_401 : i32
          %add3A_403 = vector.broadcast %add3A_402 : i32 to vector<16xi32>
          %add3A_404 = arith.addi %iota3A, %add3A_403 : vector<16xi32>
          %and3A_405 = arith.constant 31 : i32
          %and3A_406 = vector.broadcast %and3A_405 : i32 to vector<16xi32>
          %and3A_407 = arith.andi %add3A_404, %and3A_406 : vector<16xi32>
          %gather3A_408 = tpu.vector_load_idx %arg23[%add3A_232, %and3A_407] : memref<80x32xf32, #tpu.memory_space<vmem>>[vector<16xi32>, vector<16xi32>], vector<16xf32>,
          %gather3A_409 = tpu.vector_load_idx %arg24[%add3A_232, %and3A_407] : memref<80x32xf32, #tpu.memory_space<vmem>>[vector<16xi32>, vector<16xi32>], vector<16xf32>,
          %gather3A_410 = tpu.vector_load_idx %arg25[%add3A_232, %and3A_407] : memref<80x32xf32, #tpu.memory_space<vmem>>[vector<16xi32>, vector<16xi32>], vector<16xf32>,
          %gather3A_411 = tpu.vector_load_idx %arg10[%and3A_407] : memref<48xf32, #tpu.memory_space<vmem>>[vector<16xi32>], vector<16xf32>,
          %add3A_412 = arith.addf %gather3A_408, %gather3A_409 : vector<16xf32>
          %max3A_413 = arith.constant 0.000000e+00 : f32
          %max3A_414 = vector.broadcast %max3A_413 : f32 to vector<16xf32>
          %max3A_415 = arith.maximumf %add3A_412, %max3A_414 : vector<16xf32>
          %mul3A_416 = arith.mulf %max3A_415, %gather3A_411 : vector<16xf32>
          %add3A_417 = arith.addf %add3A_392, %mul3A_416 : vector<16xf32>
          %add3A_418 = arith.addf %gather3A_408, %gather3A_410 : vector<16xf32>
          %max3A_419 = arith.constant 0.000000e+00 : f32
          %max3A_420 = vector.broadcast %max3A_419 : f32 to vector<16xf32>
          %max3A_421 = arith.maximumf %add3A_418, %max3A_420 : vector<16xf32>
          %mul3A_422 = arith.mulf %max3A_421, %gather3A_411 : vector<16xf32>
          %add3A_423 = arith.addf %add3A_398, %mul3A_422 : vector<16xf32>
          %mul3A_424 = arith.constant 8 : i32
          %mul3A_425 = arith.muli %scan3A_273, %mul3A_424 : i32
          %add3A_426 = arith.constant 6 : i32
          %add3A_427 = arith.addi %mul3A_425, %add3A_426 : i32
          %add3A_428 = vector.broadcast %add3A_427 : i32 to vector<16xi32>
          %add3A_429 = arith.addi %iota3A, %add3A_428 : vector<16xi32>
          %and3A_430 = arith.constant 31 : i32
          %and3A_431 = vector.broadcast %and3A_430 : i32 to vector<16xi32>
          %and3A_432 = arith.andi %add3A_429, %and3A_431 : vector<16xi32>
          %gather3A_433 = tpu.vector_load_idx %arg23[%add3A_232, %and3A_432] : memref<80x32xf32, #tpu.memory_space<vmem>>[vector<16xi32>, vector<16xi32>], vector<16xf32>,
          %gather3A_434 = tpu.vector_load_idx %arg24[%add3A_232, %and3A_432] : memref<80x32xf32, #tpu.memory_space<vmem>>[vector<16xi32>, vector<16xi32>], vector<16xf32>,
          %gather3A_435 = tpu.vector_load_idx %arg25[%add3A_232, %and3A_432] : memref<80x32xf32, #tpu.memory_space<vmem>>[vector<16xi32>, vector<16xi32>], vector<16xf32>,
          %gather3A_436 = tpu.vector_load_idx %arg10[%and3A_432] : memref<48xf32, #tpu.memory_space<vmem>>[vector<16xi32>], vector<16xf32>,
          %add3A_437 = arith.addf %gather3A_433, %gather3A_434 : vector<16xf32>
          %max3A_438 = arith.constant 0.000000e+00 : f32
          %max3A_439 = vector.broadcast %max3A_438 : f32 to vector<16xf32>
          %max3A_440 = arith.maximumf %add3A_437, %max3A_439 : vector<16xf32>
          %mul3A_441 = arith.mulf %max3A_440, %gather3A_436 : vector<16xf32>
          %add3A_442 = arith.addf %add3A_417, %mul3A_441 : vector<16xf32>
          %add3A_443 = arith.addf %gather3A_433, %gather3A_435 : vector<16xf32>
          %max3A_444 = arith.constant 0.000000e+00 : f32
          %max3A_445 = vector.broadcast %max3A_444 : f32 to vector<16xf32>
          %max3A_446 = arith.maximumf %add3A_443, %max3A_445 : vector<16xf32>
          %mul3A_447 = arith.mulf %max3A_446, %gather3A_436 : vector<16xf32>
          %add3A_448 = arith.addf %add3A_423, %mul3A_447 : vector<16xf32>
          %mul3A_449 = arith.constant 8 : i32
          %mul3A_450 = arith.muli %scan3A_273, %mul3A_449 : i32
          %add3A_451 = arith.constant 7 : i32
          %add3A_452 = arith.addi %mul3A_450, %add3A_451 : i32
          %add3A_453 = vector.broadcast %add3A_452 : i32 to vector<16xi32>
          %add3A_454 = arith.addi %iota3A, %add3A_453 : vector<16xi32>
          %and3A_455 = arith.constant 31 : i32
          %and3A_456 = vector.broadcast %and3A_455 : i32 to vector<16xi32>
          %and3A_457 = arith.andi %add3A_454, %and3A_456 : vector<16xi32>
          %gather3A_458 = tpu.vector_load_idx %arg23[%add3A_232, %and3A_457] : memref<80x32xf32, #tpu.memory_space<vmem>>[vector<16xi32>, vector<16xi32>], vector<16xf32>,
          %gather3A_459 = tpu.vector_load_idx %arg24[%add3A_232, %and3A_457] : memref<80x32xf32, #tpu.memory_space<vmem>>[vector<16xi32>, vector<16xi32>], vector<16xf32>,
          %gather3A_460 = tpu.vector_load_idx %arg25[%add3A_232, %and3A_457] : memref<80x32xf32, #tpu.memory_space<vmem>>[vector<16xi32>, vector<16xi32>], vector<16xf32>,
          %gather3A_461 = tpu.vector_load_idx %arg10[%and3A_457] : memref<48xf32, #tpu.memory_space<vmem>>[vector<16xi32>], vector<16xf32>,
          %add3A_462 = arith.addf %gather3A_458, %gather3A_459 : vector<16xf32>
          %max3A_463 = arith.constant 0.000000e+00 : f32
          %max3A_464 = vector.broadcast %max3A_463 : f32 to vector<16xf32>
          %max3A_465 = arith.maximumf %add3A_462, %max3A_464 : vector<16xf32>
          %mul3A_466 = arith.mulf %max3A_465, %gather3A_461 : vector<16xf32>
          %add3A_467 = arith.addf %add3A_442, %mul3A_466 : vector<16xf32>
          %add3A_468 = arith.addf %gather3A_458, %gather3A_460 : vector<16xf32>
          %max3A_469 = arith.constant 0.000000e+00 : f32
          %max3A_470 = vector.broadcast %max3A_469 : f32 to vector<16xf32>
          %max3A_471 = arith.maximumf %add3A_468, %max3A_470 : vector<16xf32>
          %mul3A_472 = arith.mulf %max3A_471, %gather3A_461 : vector<16xf32>
          %add3A_473 = arith.addf %add3A_448, %mul3A_472 : vector<16xf32>
          scf.yield %add3A_467, %add3A_473 : vector<16xf32>, vector<16xf32>
        }
        %scan3A_241 = arith.constant 4 : i32
        %add3A_242 = arith.constant 32 : i32
        %add3A_243 = vector.broadcast %add3A_242 : i32 to vector<16xi32>
        %add3A_244 = arith.addi %add3A_243, %iota3A : vector<16xi32>
        %gather3A = tpu.vector_load_idx %arg10[%add3A_244] : memref<48xf32, #tpu.memory_space<vmem>>[vector<16xi32>], vector<16xf32>,
        %mul3A_245 = arith.constant 80 : i32
        %mul3A_246 = arith.muli %add3A_165, %mul3A_245 : i32
        %mul3A_247 = arith.constant 16 : i32
        %mul3A_248 = arith.muli %scan3A_227, %mul3A_247 : i32
        %add3A_249 = arith.addi %mul3A_246, %mul3A_248 : i32
        %add3A_250 = arith.addf %scan3A_240#0, %gather3A : vector<16xf32>
        %neg3A = arith.constant 0.000000e+00 : f32
        %neg3A_251 = vector.broadcast %neg3A : f32 to vector<16xf32>
        %neg3A_252 = arith.subf %neg3A_251, %add3A_250 : vector<16xf32>
        %exp3A = math.exp %neg3A_252 : vector<16xf32>
        %add3A_253 = arith.constant 1.000000e+00 : f32
        %add3A_254 = vector.broadcast %add3A_253 : f32 to vector<16xf32>
        %add3A_255 = arith.addf %add3A_254, %exp3A : vector<16xf32>
        %div3A = arith.constant 1.000000e+00 : f32
        %div3A_256 = vector.broadcast %div3A : f32 to vector<16xf32>
        %div3A_257 = arith.divf %div3A_256, %add3A_255 : vector<16xf32>
        %swap3A = arith.index_cast %add3A_249 : i32 to index
        %swap3A_258 = tpu.vector_load %arg29[%swap3A] {strides = array<i32>} : memref<10000xf32, #tpu.memory_space<vmem>>, vector<16xf32>,
        tpu.vector_store %arg29[%swap3A], %div3A_257 {strides = array<i32>} : memref<10000xf32, #tpu.memory_space<vmem>>, vector<16xf32>,
        %add3A_259 = arith.addf %scan3A_240#1, %gather3A : vector<16xf32>
        %neg3A_260 = arith.constant 0.000000e+00 : f32
        %neg3A_261 = vector.broadcast %neg3A_260 : f32 to vector<16xf32>
        %neg3A_262 = arith.subf %neg3A_261, %add3A_259 : vector<16xf32>
        %exp3A_263 = math.exp %neg3A_262 : vector<16xf32>
        %add3A_264 = arith.constant 1.000000e+00 : f32
        %add3A_265 = vector.broadcast %add3A_264 : f32 to vector<16xf32>
        %add3A_266 = arith.addf %add3A_265, %exp3A_263 : vector<16xf32>
        %div3A_267 = arith.constant 1.000000e+00 : f32
        %div3A_268 = vector.broadcast %div3A_267 : f32 to vector<16xf32>
        %div3A_269 = arith.divf %div3A_268, %add3A_266 : vector<16xf32>
        %swap3A_270 = arith.index_cast %add3A_249 : i32 to index
        %swap3A_271 = tpu.vector_load %arg30[%swap3A_270] {strides = array<i32>} : memref<10000xf32, #tpu.memory_space<vmem>>, vector<16xf32>,
        tpu.vector_store %arg30[%swap3A_270], %div3A_269 {strides = array<i32>} : memref<10000xf32, #tpu.memory_space<vmem>>, vector<16xf32>,
        %scan3A_272 = arith.constant 0 : i32
        scf.yield %scan3A_272 : i32
      }
      %scan3A_193 = arith.constant 5 : i32
      %mul3A_194 = arith.constant 5 : i32
      %mul3A_195 = arith.muli %mul3A_194, %scan3A_68 : i32
      %add3A_196 = arith.constant 4 : i32
      %add3A_197 = arith.addi %mul3A_195, %add3A_196 : i32
      %mul3A_198 = arith.constant 80 : i32
      %mul3A_199 = arith.muli %add3A_197, %mul3A_198 : i32
      %dma_wait3A_200 = tpu.memref_slice %arg11[%mul3A_199] : memref<10000xi32, #tpu.memory_space<vmem>> -> memref<80xi32, #tpu.memory_space<vmem>>
      %dma_wait3A_201 = arith.constant 0 : i32
      %dma_wait3A_202 = arith.constant 0 : i32
      %dma_wait3A_203 = tpu.memref_slice %arg2[%dma_wait3A_201, %dma_wait3A_202] : memref<10000x32xf32, #tpu.memory_space<hbm>> -> memref<10000x32xf32, #tpu.memory_space<hbm>>
      tpu.wait_indirect_dma semaphore(%arg35 : memref<!tpu.dma_semaphore, #tpu.memory_space<semaphore_mem>>) src(%dma_wait3A_203 : memref<10000x32xf32, #tpu.memory_space<hbm>>) dst(%arg26 : memref<80x32xf32, #tpu.memory_space<vmem>>)
      %dma_wait3A_204 = tpu.memref_slice %arg12[%mul3A_199] : memref<10000xi32, #tpu.memory_space<vmem>> -> memref<80xi32, #tpu.memory_space<vmem>>
      %dma_wait3A_205 = arith.constant 0 : i32
      %dma_wait3A_206 = arith.constant 0 : i32
      %dma_wait3A_207 = tpu.memref_slice %arg3[%dma_wait3A_205, %dma_wait3A_206] : memref<10000x32xf32, #tpu.memory_space<hbm>> -> memref<10000x32xf32, #tpu.memory_space<hbm>>
      tpu.wait_indirect_dma semaphore(%arg35 : memref<!tpu.dma_semaphore, #tpu.memory_space<semaphore_mem>>) src(%dma_wait3A_207 : memref<10000x32xf32, #tpu.memory_space<hbm>>) dst(%arg27 : memref<80x32xf32, #tpu.memory_space<vmem>>)
      %dma_wait3A_208 = tpu.memref_slice %arg13[%mul3A_199] : memref<10000xi32, #tpu.memory_space<vmem>> -> memref<80xi32, #tpu.memory_space<vmem>>
      %dma_wait3A_209 = arith.constant 0 : i32
      %dma_wait3A_210 = arith.constant 0 : i32
      %dma_wait3A_211 = tpu.memref_slice %arg3[%dma_wait3A_209, %dma_wait3A_210] : memref<10000x32xf32, #tpu.memory_space<hbm>> -> memref<10000x32xf32, #tpu.memory_space<hbm>>
      tpu.wait_indirect_dma semaphore(%arg35 : memref<!tpu.dma_semaphore, #tpu.memory_space<semaphore_mem>>) src(%dma_wait3A_211 : memref<10000x32xf32, #tpu.memory_space<hbm>>) dst(%arg28 : memref<80x32xf32, #tpu.memory_space<vmem>>)
      %add3A_212 = arith.constant 4 : i32
      %add3A_213 = arith.addi %add3A_197, %add3A_212 : i32
      %lt3A_214 = arith.constant 125 : i32
      %lt3A_215 = arith.cmpi slt, %add3A_213, %lt3A_214 : i32
      %convert_element_type3A_216 = arith.extui %lt3A_215 : i1 to i32
      %cond3A_217 = arith.constant 0 : i32
      %cond3A_218 = arith.cmpi ne, %convert_element_type3A_216, %cond3A_217 : i32
      scf.if %cond3A_218 {
        %mul3A_227 = arith.constant 80 : i32
        %mul3A_228 = arith.muli %add3A_213, %mul3A_227 : i32
        %dma_start3A_229 = tpu.memref_slice %arg11[%mul3A_228] : memref<10000xi32, #tpu.memory_space<vmem>> -> memref<80xi32, #tpu.memory_space<vmem>>
        %dma_start3A_230 = arith.constant 0 : i32
        %dma_start3A_231 = arith.constant 0 : i32
        %dma_start3A_232 = tpu.memref_slice %arg2[%dma_start3A_230, %dma_start3A_231] : memref<10000x32xf32, #tpu.memory_space<hbm>> -> memref<10000x32xf32, #tpu.memory_space<hbm>>
        tpu.enqueue_indirect_dma source(%dma_start3A_232 : memref<10000x32xf32, #tpu.memory_space<hbm>>) target(%arg23 : memref<80x32xf32, #tpu.memory_space<vmem>>) offsets(%dma_start3A_229 : memref<80xi32, #tpu.memory_space<vmem>>) semaphore(%arg34 : memref<!tpu.dma_semaphore, #tpu.memory_space<semaphore_mem>>)
        %dma_start3A_233 = tpu.memref_slice %arg12[%mul3A_228] : memref<10000xi32, #tpu.memory_space<vmem>> -> memref<80xi32, #tpu.memory_space<vmem>>
        %dma_start3A_234 = arith.constant 0 : i32
        %dma_start3A_235 = arith.constant 0 : i32
        %dma_start3A_236 = tpu.memref_slice %arg3[%dma_start3A_234, %dma_start3A_235] : memref<10000x32xf32, #tpu.memory_space<hbm>> -> memref<10000x32xf32, #tpu.memory_space<hbm>>
        tpu.enqueue_indirect_dma source(%dma_start3A_236 : memref<10000x32xf32, #tpu.memory_space<hbm>>) target(%arg24 : memref<80x32xf32, #tpu.memory_space<vmem>>) offsets(%dma_start3A_233 : memref<80xi32, #tpu.memory_space<vmem>>) semaphore(%arg34 : memref<!tpu.dma_semaphore, #tpu.memory_space<semaphore_mem>>)
        %dma_start3A_237 = tpu.memref_slice %arg13[%mul3A_228] : memref<10000xi32, #tpu.memory_space<vmem>> -> memref<80xi32, #tpu.memory_space<vmem>>
        %dma_start3A_238 = arith.constant 0 : i32
        %dma_start3A_239 = arith.constant 0 : i32
        %dma_start3A_240 = tpu.memref_slice %arg3[%dma_start3A_238, %dma_start3A_239] : memref<10000x32xf32, #tpu.memory_space<hbm>> -> memref<10000x32xf32, #tpu.memory_space<hbm>>
        tpu.enqueue_indirect_dma source(%dma_start3A_240 : memref<10000x32xf32, #tpu.memory_space<hbm>>) target(%arg25 : memref<80x32xf32, #tpu.memory_space<vmem>>) offsets(%dma_start3A_237 : memref<80xi32, #tpu.memory_space<vmem>>) semaphore(%arg34 : memref<!tpu.dma_semaphore, #tpu.memory_space<semaphore_mem>>)
      } else {
      }
      %scan3A_219 = arith.constant 0 : i32
      %scan3A_220 = arith.constant 0 : i32
      %scan3A_221 = arith.constant 5 : i32
      %scan3A_222 = arith.addi %scan3A_220, %scan3A_221 : i32
      %scan3A_223 = arith.constant 1 : i32
      %scan3A_224 = scf.for %scan3A_227 = %scan3A_220 to %scan3A_222 step %scan3A_223 iter_args(%scan3A_228 = %scan3A_219) -> (i32)  : i32 {
        %iota3A = tpu.iota {dimensions = array<i32: 0>} : vector<16xi32>
        %mul3A_229 = arith.constant 16 : i32
        %mul3A_230 = arith.muli %scan3A_227, %mul3A_229 : i32
        %add3A_231 = vector.broadcast %mul3A_230 : i32 to vector<16xi32>
        %add3A_232 = arith.addi %add3A_231, %iota3A : vector<16xi32>
        %broadcast_in_dim3A = arith.constant 0.000000e+00 : f32
        %broadcast_in_dim3A_233 = vector.broadcast %broadcast_in_dim3A : f32 to vector<16xf32>
        %broadcast_in_dim3A_234 = arith.constant 0.000000e+00 : f32
        %broadcast_in_dim3A_235 = vector.broadcast %broadcast_in_dim3A_234 : f32 to vector<16xf32>
        %scan3A_236 = arith.constant 0 : i32
        %scan3A_237 = arith.constant 4 : i32
        %scan3A_238 = arith.addi %scan3A_236, %scan3A_237 : i32
        %scan3A_239 = arith.constant 1 : i32
        %scan3A_240:2 = scf.for %scan3A_273 = %scan3A_236 to %scan3A_238 step %scan3A_239 iter_args(%scan3A_274 = %broadcast_in_dim3A_233, %scan3A_275 = %broadcast_in_dim3A_235) -> (vector<16xf32>, vector<16xf32>)  : i32 {
          %mul3A_276 = arith.constant 8 : i32
          %mul3A_277 = arith.muli %scan3A_273, %mul3A_276 : i32
          %add3A_278 = arith.constant 0 : i32
          %add3A_279 = arith.addi %mul3A_277, %add3A_278 : i32
          %add3A_280 = vector.broadcast %add3A_279 : i32 to vector<16xi32>
          %add3A_281 = arith.addi %iota3A, %add3A_280 : vector<16xi32>
          %and3A = arith.constant 31 : i32
          %and3A_282 = vector.broadcast %and3A : i32 to vector<16xi32>
          %and3A_283 = arith.andi %add3A_281, %and3A_282 : vector<16xi32>
          %gather3A_284 = tpu.vector_load_idx %arg26[%add3A_232, %and3A_283] : memref<80x32xf32, #tpu.memory_space<vmem>>[vector<16xi32>, vector<16xi32>], vector<16xf32>,
          %gather3A_285 = tpu.vector_load_idx %arg27[%add3A_232, %and3A_283] : memref<80x32xf32, #tpu.memory_space<vmem>>[vector<16xi32>, vector<16xi32>], vector<16xf32>,
          %gather3A_286 = tpu.vector_load_idx %arg28[%add3A_232, %and3A_283] : memref<80x32xf32, #tpu.memory_space<vmem>>[vector<16xi32>, vector<16xi32>], vector<16xf32>,
          %gather3A_287 = tpu.vector_load_idx %arg10[%and3A_283] : memref<48xf32, #tpu.memory_space<vmem>>[vector<16xi32>], vector<16xf32>,
          %add3A_288 = arith.addf %gather3A_284, %gather3A_285 : vector<16xf32>
          %max3A = arith.constant 0.000000e+00 : f32
          %max3A_289 = vector.broadcast %max3A : f32 to vector<16xf32>
          %max3A_290 = arith.maximumf %add3A_288, %max3A_289 : vector<16xf32>
          %mul3A_291 = arith.mulf %max3A_290, %gather3A_287 : vector<16xf32>
          %add3A_292 = arith.addf %scan3A_274, %mul3A_291 : vector<16xf32>
          %add3A_293 = arith.addf %gather3A_284, %gather3A_286 : vector<16xf32>
          %max3A_294 = arith.constant 0.000000e+00 : f32
          %max3A_295 = vector.broadcast %max3A_294 : f32 to vector<16xf32>
          %max3A_296 = arith.maximumf %add3A_293, %max3A_295 : vector<16xf32>
          %mul3A_297 = arith.mulf %max3A_296, %gather3A_287 : vector<16xf32>
          %add3A_298 = arith.addf %scan3A_275, %mul3A_297 : vector<16xf32>
          %mul3A_299 = arith.constant 8 : i32
          %mul3A_300 = arith.muli %scan3A_273, %mul3A_299 : i32
          %add3A_301 = arith.constant 1 : i32
          %add3A_302 = arith.addi %mul3A_300, %add3A_301 : i32
          %add3A_303 = vector.broadcast %add3A_302 : i32 to vector<16xi32>
          %add3A_304 = arith.addi %iota3A, %add3A_303 : vector<16xi32>
          %and3A_305 = arith.constant 31 : i32
          %and3A_306 = vector.broadcast %and3A_305 : i32 to vector<16xi32>
          %and3A_307 = arith.andi %add3A_304, %and3A_306 : vector<16xi32>
          %gather3A_308 = tpu.vector_load_idx %arg26[%add3A_232, %and3A_307] : memref<80x32xf32, #tpu.memory_space<vmem>>[vector<16xi32>, vector<16xi32>], vector<16xf32>,
          %gather3A_309 = tpu.vector_load_idx %arg27[%add3A_232, %and3A_307] : memref<80x32xf32, #tpu.memory_space<vmem>>[vector<16xi32>, vector<16xi32>], vector<16xf32>,
          %gather3A_310 = tpu.vector_load_idx %arg28[%add3A_232, %and3A_307] : memref<80x32xf32, #tpu.memory_space<vmem>>[vector<16xi32>, vector<16xi32>], vector<16xf32>,
          %gather3A_311 = tpu.vector_load_idx %arg10[%and3A_307] : memref<48xf32, #tpu.memory_space<vmem>>[vector<16xi32>], vector<16xf32>,
          %add3A_312 = arith.addf %gather3A_308, %gather3A_309 : vector<16xf32>
          %max3A_313 = arith.constant 0.000000e+00 : f32
          %max3A_314 = vector.broadcast %max3A_313 : f32 to vector<16xf32>
          %max3A_315 = arith.maximumf %add3A_312, %max3A_314 : vector<16xf32>
          %mul3A_316 = arith.mulf %max3A_315, %gather3A_311 : vector<16xf32>
          %add3A_317 = arith.addf %add3A_292, %mul3A_316 : vector<16xf32>
          %add3A_318 = arith.addf %gather3A_308, %gather3A_310 : vector<16xf32>
          %max3A_319 = arith.constant 0.000000e+00 : f32
          %max3A_320 = vector.broadcast %max3A_319 : f32 to vector<16xf32>
          %max3A_321 = arith.maximumf %add3A_318, %max3A_320 : vector<16xf32>
          %mul3A_322 = arith.mulf %max3A_321, %gather3A_311 : vector<16xf32>
          %add3A_323 = arith.addf %add3A_298, %mul3A_322 : vector<16xf32>
          %mul3A_324 = arith.constant 8 : i32
          %mul3A_325 = arith.muli %scan3A_273, %mul3A_324 : i32
          %add3A_326 = arith.constant 2 : i32
          %add3A_327 = arith.addi %mul3A_325, %add3A_326 : i32
          %add3A_328 = vector.broadcast %add3A_327 : i32 to vector<16xi32>
          %add3A_329 = arith.addi %iota3A, %add3A_328 : vector<16xi32>
          %and3A_330 = arith.constant 31 : i32
          %and3A_331 = vector.broadcast %and3A_330 : i32 to vector<16xi32>
          %and3A_332 = arith.andi %add3A_329, %and3A_331 : vector<16xi32>
          %gather3A_333 = tpu.vector_load_idx %arg26[%add3A_232, %and3A_332] : memref<80x32xf32, #tpu.memory_space<vmem>>[vector<16xi32>, vector<16xi32>], vector<16xf32>,
          %gather3A_334 = tpu.vector_load_idx %arg27[%add3A_232, %and3A_332] : memref<80x32xf32, #tpu.memory_space<vmem>>[vector<16xi32>, vector<16xi32>], vector<16xf32>,
          %gather3A_335 = tpu.vector_load_idx %arg28[%add3A_232, %and3A_332] : memref<80x32xf32, #tpu.memory_space<vmem>>[vector<16xi32>, vector<16xi32>], vector<16xf32>,
          %gather3A_336 = tpu.vector_load_idx %arg10[%and3A_332] : memref<48xf32, #tpu.memory_space<vmem>>[vector<16xi32>], vector<16xf32>,
          %add3A_337 = arith.addf %gather3A_333, %gather3A_334 : vector<16xf32>
          %max3A_338 = arith.constant 0.000000e+00 : f32
          %max3A_339 = vector.broadcast %max3A_338 : f32 to vector<16xf32>
          %max3A_340 = arith.maximumf %add3A_337, %max3A_339 : vector<16xf32>
          %mul3A_341 = arith.mulf %max3A_340, %gather3A_336 : vector<16xf32>
          %add3A_342 = arith.addf %add3A_317, %mul3A_341 : vector<16xf32>
          %add3A_343 = arith.addf %gather3A_333, %gather3A_335 : vector<16xf32>
          %max3A_344 = arith.constant 0.000000e+00 : f32
          %max3A_345 = vector.broadcast %max3A_344 : f32 to vector<16xf32>
          %max3A_346 = arith.maximumf %add3A_343, %max3A_345 : vector<16xf32>
          %mul3A_347 = arith.mulf %max3A_346, %gather3A_336 : vector<16xf32>
          %add3A_348 = arith.addf %add3A_323, %mul3A_347 : vector<16xf32>
          %mul3A_349 = arith.constant 8 : i32
          %mul3A_350 = arith.muli %scan3A_273, %mul3A_349 : i32
          %add3A_351 = arith.constant 3 : i32
          %add3A_352 = arith.addi %mul3A_350, %add3A_351 : i32
          %add3A_353 = vector.broadcast %add3A_352 : i32 to vector<16xi32>
          %add3A_354 = arith.addi %iota3A, %add3A_353 : vector<16xi32>
          %and3A_355 = arith.constant 31 : i32
          %and3A_356 = vector.broadcast %and3A_355 : i32 to vector<16xi32>
          %and3A_357 = arith.andi %add3A_354, %and3A_356 : vector<16xi32>
          %gather3A_358 = tpu.vector_load_idx %arg26[%add3A_232, %and3A_357] : memref<80x32xf32, #tpu.memory_space<vmem>>[vector<16xi32>, vector<16xi32>], vector<16xf32>,
          %gather3A_359 = tpu.vector_load_idx %arg27[%add3A_232, %and3A_357] : memref<80x32xf32, #tpu.memory_space<vmem>>[vector<16xi32>, vector<16xi32>], vector<16xf32>,
          %gather3A_360 = tpu.vector_load_idx %arg28[%add3A_232, %and3A_357] : memref<80x32xf32, #tpu.memory_space<vmem>>[vector<16xi32>, vector<16xi32>], vector<16xf32>,
          %gather3A_361 = tpu.vector_load_idx %arg10[%and3A_357] : memref<48xf32, #tpu.memory_space<vmem>>[vector<16xi32>], vector<16xf32>,
          %add3A_362 = arith.addf %gather3A_358, %gather3A_359 : vector<16xf32>
          %max3A_363 = arith.constant 0.000000e+00 : f32
          %max3A_364 = vector.broadcast %max3A_363 : f32 to vector<16xf32>
          %max3A_365 = arith.maximumf %add3A_362, %max3A_364 : vector<16xf32>
          %mul3A_366 = arith.mulf %max3A_365, %gather3A_361 : vector<16xf32>
          %add3A_367 = arith.addf %add3A_342, %mul3A_366 : vector<16xf32>
          %add3A_368 = arith.addf %gather3A_358, %gather3A_360 : vector<16xf32>
          %max3A_369 = arith.constant 0.000000e+00 : f32
          %max3A_370 = vector.broadcast %max3A_369 : f32 to vector<16xf32>
          %max3A_371 = arith.maximumf %add3A_368, %max3A_370 : vector<16xf32>
          %mul3A_372 = arith.mulf %max3A_371, %gather3A_361 : vector<16xf32>
          %add3A_373 = arith.addf %add3A_348, %mul3A_372 : vector<16xf32>
          %mul3A_374 = arith.constant 8 : i32
          %mul3A_375 = arith.muli %scan3A_273, %mul3A_374 : i32
          %add3A_376 = arith.constant 4 : i32
          %add3A_377 = arith.addi %mul3A_375, %add3A_376 : i32
          %add3A_378 = vector.broadcast %add3A_377 : i32 to vector<16xi32>
          %add3A_379 = arith.addi %iota3A, %add3A_378 : vector<16xi32>
          %and3A_380 = arith.constant 31 : i32
          %and3A_381 = vector.broadcast %and3A_380 : i32 to vector<16xi32>
          %and3A_382 = arith.andi %add3A_379, %and3A_381 : vector<16xi32>
          %gather3A_383 = tpu.vector_load_idx %arg26[%add3A_232, %and3A_382] : memref<80x32xf32, #tpu.memory_space<vmem>>[vector<16xi32>, vector<16xi32>], vector<16xf32>,
          %gather3A_384 = tpu.vector_load_idx %arg27[%add3A_232, %and3A_382] : memref<80x32xf32, #tpu.memory_space<vmem>>[vector<16xi32>, vector<16xi32>], vector<16xf32>,
          %gather3A_385 = tpu.vector_load_idx %arg28[%add3A_232, %and3A_382] : memref<80x32xf32, #tpu.memory_space<vmem>>[vector<16xi32>, vector<16xi32>], vector<16xf32>,
          %gather3A_386 = tpu.vector_load_idx %arg10[%and3A_382] : memref<48xf32, #tpu.memory_space<vmem>>[vector<16xi32>], vector<16xf32>,
          %add3A_387 = arith.addf %gather3A_383, %gather3A_384 : vector<16xf32>
          %max3A_388 = arith.constant 0.000000e+00 : f32
          %max3A_389 = vector.broadcast %max3A_388 : f32 to vector<16xf32>
          %max3A_390 = arith.maximumf %add3A_387, %max3A_389 : vector<16xf32>
          %mul3A_391 = arith.mulf %max3A_390, %gather3A_386 : vector<16xf32>
          %add3A_392 = arith.addf %add3A_367, %mul3A_391 : vector<16xf32>
          %add3A_393 = arith.addf %gather3A_383, %gather3A_385 : vector<16xf32>
          %max3A_394 = arith.constant 0.000000e+00 : f32
          %max3A_395 = vector.broadcast %max3A_394 : f32 to vector<16xf32>
          %max3A_396 = arith.maximumf %add3A_393, %max3A_395 : vector<16xf32>
          %mul3A_397 = arith.mulf %max3A_396, %gather3A_386 : vector<16xf32>
          %add3A_398 = arith.addf %add3A_373, %mul3A_397 : vector<16xf32>
          %mul3A_399 = arith.constant 8 : i32
          %mul3A_400 = arith.muli %scan3A_273, %mul3A_399 : i32
          %add3A_401 = arith.constant 5 : i32
          %add3A_402 = arith.addi %mul3A_400, %add3A_401 : i32
          %add3A_403 = vector.broadcast %add3A_402 : i32 to vector<16xi32>
          %add3A_404 = arith.addi %iota3A, %add3A_403 : vector<16xi32>
          %and3A_405 = arith.constant 31 : i32
          %and3A_406 = vector.broadcast %and3A_405 : i32 to vector<16xi32>
          %and3A_407 = arith.andi %add3A_404, %and3A_406 : vector<16xi32>
          %gather3A_408 = tpu.vector_load_idx %arg26[%add3A_232, %and3A_407] : memref<80x32xf32, #tpu.memory_space<vmem>>[vector<16xi32>, vector<16xi32>], vector<16xf32>,
          %gather3A_409 = tpu.vector_load_idx %arg27[%add3A_232, %and3A_407] : memref<80x32xf32, #tpu.memory_space<vmem>>[vector<16xi32>, vector<16xi32>], vector<16xf32>,
          %gather3A_410 = tpu.vector_load_idx %arg28[%add3A_232, %and3A_407] : memref<80x32xf32, #tpu.memory_space<vmem>>[vector<16xi32>, vector<16xi32>], vector<16xf32>,
          %gather3A_411 = tpu.vector_load_idx %arg10[%and3A_407] : memref<48xf32, #tpu.memory_space<vmem>>[vector<16xi32>], vector<16xf32>,
          %add3A_412 = arith.addf %gather3A_408, %gather3A_409 : vector<16xf32>
          %max3A_413 = arith.constant 0.000000e+00 : f32
          %max3A_414 = vector.broadcast %max3A_413 : f32 to vector<16xf32>
          %max3A_415 = arith.maximumf %add3A_412, %max3A_414 : vector<16xf32>
          %mul3A_416 = arith.mulf %max3A_415, %gather3A_411 : vector<16xf32>
          %add3A_417 = arith.addf %add3A_392, %mul3A_416 : vector<16xf32>
          %add3A_418 = arith.addf %gather3A_408, %gather3A_410 : vector<16xf32>
          %max3A_419 = arith.constant 0.000000e+00 : f32
          %max3A_420 = vector.broadcast %max3A_419 : f32 to vector<16xf32>
          %max3A_421 = arith.maximumf %add3A_418, %max3A_420 : vector<16xf32>
          %mul3A_422 = arith.mulf %max3A_421, %gather3A_411 : vector<16xf32>
          %add3A_423 = arith.addf %add3A_398, %mul3A_422 : vector<16xf32>
          %mul3A_424 = arith.constant 8 : i32
          %mul3A_425 = arith.muli %scan3A_273, %mul3A_424 : i32
          %add3A_426 = arith.constant 6 : i32
          %add3A_427 = arith.addi %mul3A_425, %add3A_426 : i32
          %add3A_428 = vector.broadcast %add3A_427 : i32 to vector<16xi32>
          %add3A_429 = arith.addi %iota3A, %add3A_428 : vector<16xi32>
          %and3A_430 = arith.constant 31 : i32
          %and3A_431 = vector.broadcast %and3A_430 : i32 to vector<16xi32>
          %and3A_432 = arith.andi %add3A_429, %and3A_431 : vector<16xi32>
          %gather3A_433 = tpu.vector_load_idx %arg26[%add3A_232, %and3A_432] : memref<80x32xf32, #tpu.memory_space<vmem>>[vector<16xi32>, vector<16xi32>], vector<16xf32>,
          %gather3A_434 = tpu.vector_load_idx %arg27[%add3A_232, %and3A_432] : memref<80x32xf32, #tpu.memory_space<vmem>>[vector<16xi32>, vector<16xi32>], vector<16xf32>,
          %gather3A_435 = tpu.vector_load_idx %arg28[%add3A_232, %and3A_432] : memref<80x32xf32, #tpu.memory_space<vmem>>[vector<16xi32>, vector<16xi32>], vector<16xf32>,
          %gather3A_436 = tpu.vector_load_idx %arg10[%and3A_432] : memref<48xf32, #tpu.memory_space<vmem>>[vector<16xi32>], vector<16xf32>,
          %add3A_437 = arith.addf %gather3A_433, %gather3A_434 : vector<16xf32>
          %max3A_438 = arith.constant 0.000000e+00 : f32
          %max3A_439 = vector.broadcast %max3A_438 : f32 to vector<16xf32>
          %max3A_440 = arith.maximumf %add3A_437, %max3A_439 : vector<16xf32>
          %mul3A_441 = arith.mulf %max3A_440, %gather3A_436 : vector<16xf32>
          %add3A_442 = arith.addf %add3A_417, %mul3A_441 : vector<16xf32>
          %add3A_443 = arith.addf %gather3A_433, %gather3A_435 : vector<16xf32>
          %max3A_444 = arith.constant 0.000000e+00 : f32
          %max3A_445 = vector.broadcast %max3A_444 : f32 to vector<16xf32>
          %max3A_446 = arith.maximumf %add3A_443, %max3A_445 : vector<16xf32>
          %mul3A_447 = arith.mulf %max3A_446, %gather3A_436 : vector<16xf32>
          %add3A_448 = arith.addf %add3A_423, %mul3A_447 : vector<16xf32>
          %mul3A_449 = arith.constant 8 : i32
          %mul3A_450 = arith.muli %scan3A_273, %mul3A_449 : i32
          %add3A_451 = arith.constant 7 : i32
          %add3A_452 = arith.addi %mul3A_450, %add3A_451 : i32
          %add3A_453 = vector.broadcast %add3A_452 : i32 to vector<16xi32>
          %add3A_454 = arith.addi %iota3A, %add3A_453 : vector<16xi32>
          %and3A_455 = arith.constant 31 : i32
          %and3A_456 = vector.broadcast %and3A_455 : i32 to vector<16xi32>
          %and3A_457 = arith.andi %add3A_454, %and3A_456 : vector<16xi32>
          %gather3A_458 = tpu.vector_load_idx %arg26[%add3A_232, %and3A_457] : memref<80x32xf32, #tpu.memory_space<vmem>>[vector<16xi32>, vector<16xi32>], vector<16xf32>,
          %gather3A_459 = tpu.vector_load_idx %arg27[%add3A_232, %and3A_457] : memref<80x32xf32, #tpu.memory_space<vmem>>[vector<16xi32>, vector<16xi32>], vector<16xf32>,
          %gather3A_460 = tpu.vector_load_idx %arg28[%add3A_232, %and3A_457] : memref<80x32xf32, #tpu.memory_space<vmem>>[vector<16xi32>, vector<16xi32>], vector<16xf32>,
          %gather3A_461 = tpu.vector_load_idx %arg10[%and3A_457] : memref<48xf32, #tpu.memory_space<vmem>>[vector<16xi32>], vector<16xf32>,
          %add3A_462 = arith.addf %gather3A_458, %gather3A_459 : vector<16xf32>
          %max3A_463 = arith.constant 0.000000e+00 : f32
          %max3A_464 = vector.broadcast %max3A_463 : f32 to vector<16xf32>
          %max3A_465 = arith.maximumf %add3A_462, %max3A_464 : vector<16xf32>
          %mul3A_466 = arith.mulf %max3A_465, %gather3A_461 : vector<16xf32>
          %add3A_467 = arith.addf %add3A_442, %mul3A_466 : vector<16xf32>
          %add3A_468 = arith.addf %gather3A_458, %gather3A_460 : vector<16xf32>
          %max3A_469 = arith.constant 0.000000e+00 : f32
          %max3A_470 = vector.broadcast %max3A_469 : f32 to vector<16xf32>
          %max3A_471 = arith.maximumf %add3A_468, %max3A_470 : vector<16xf32>
          %mul3A_472 = arith.mulf %max3A_471, %gather3A_461 : vector<16xf32>
          %add3A_473 = arith.addf %add3A_448, %mul3A_472 : vector<16xf32>
          scf.yield %add3A_467, %add3A_473 : vector<16xf32>, vector<16xf32>
        }
        %scan3A_241 = arith.constant 4 : i32
        %add3A_242 = arith.constant 32 : i32
        %add3A_243 = vector.broadcast %add3A_242 : i32 to vector<16xi32>
        %add3A_244 = arith.addi %add3A_243, %iota3A : vector<16xi32>
        %gather3A = tpu.vector_load_idx %arg10[%add3A_244] : memref<48xf32, #tpu.memory_space<vmem>>[vector<16xi32>], vector<16xf32>,
        %mul3A_245 = arith.constant 80 : i32
        %mul3A_246 = arith.muli %add3A_197, %mul3A_245 : i32
        %mul3A_247 = arith.constant 16 : i32
        %mul3A_248 = arith.muli %scan3A_227, %mul3A_247 : i32
        %add3A_249 = arith.addi %mul3A_246, %mul3A_248 : i32
        %add3A_250 = arith.addf %scan3A_240#0, %gather3A : vector<16xf32>
        %neg3A = arith.constant 0.000000e+00 : f32
        %neg3A_251 = vector.broadcast %neg3A : f32 to vector<16xf32>
        %neg3A_252 = arith.subf %neg3A_251, %add3A_250 : vector<16xf32>
        %exp3A = math.exp %neg3A_252 : vector<16xf32>
        %add3A_253 = arith.constant 1.000000e+00 : f32
        %add3A_254 = vector.broadcast %add3A_253 : f32 to vector<16xf32>
        %add3A_255 = arith.addf %add3A_254, %exp3A : vector<16xf32>
        %div3A = arith.constant 1.000000e+00 : f32
        %div3A_256 = vector.broadcast %div3A : f32 to vector<16xf32>
        %div3A_257 = arith.divf %div3A_256, %add3A_255 : vector<16xf32>
        %swap3A = arith.index_cast %add3A_249 : i32 to index
        %swap3A_258 = tpu.vector_load %arg29[%swap3A] {strides = array<i32>} : memref<10000xf32, #tpu.memory_space<vmem>>, vector<16xf32>,
        tpu.vector_store %arg29[%swap3A], %div3A_257 {strides = array<i32>} : memref<10000xf32, #tpu.memory_space<vmem>>, vector<16xf32>,
        %add3A_259 = arith.addf %scan3A_240#1, %gather3A : vector<16xf32>
        %neg3A_260 = arith.constant 0.000000e+00 : f32
        %neg3A_261 = vector.broadcast %neg3A_260 : f32 to vector<16xf32>
        %neg3A_262 = arith.subf %neg3A_261, %add3A_259 : vector<16xf32>
        %exp3A_263 = math.exp %neg3A_262 : vector<16xf32>
        %add3A_264 = arith.constant 1.000000e+00 : f32
        %add3A_265 = vector.broadcast %add3A_264 : f32 to vector<16xf32>
        %add3A_266 = arith.addf %add3A_265, %exp3A_263 : vector<16xf32>
        %div3A_267 = arith.constant 1.000000e+00 : f32
        %div3A_268 = vector.broadcast %div3A_267 : f32 to vector<16xf32>
        %div3A_269 = arith.divf %div3A_268, %add3A_266 : vector<16xf32>
        %swap3A_270 = arith.index_cast %add3A_249 : i32 to index
        %swap3A_271 = tpu.vector_load %arg30[%swap3A_270] {strides = array<i32>} : memref<10000xf32, #tpu.memory_space<vmem>>, vector<16xf32>,
        tpu.vector_store %arg30[%swap3A_270], %div3A_269 {strides = array<i32>} : memref<10000xf32, #tpu.memory_space<vmem>>, vector<16xf32>,
        %scan3A_272 = arith.constant 0 : i32
        scf.yield %scan3A_272 : i32
      }
      %scan3A_225 = arith.constant 5 : i32
      %scan3A_226 = arith.constant 0 : i32
      scf.yield %scan3A_226 : i32
    }
    %scan3A_67 = arith.constant 25 : i32
    "tpu.region"() ({
      %run_scoped3A = tpu.sem_alloc : memref<!tpu.dma_semaphore, #tpu.memory_space<semaphore_mem>>
      %dma_start3A_68 = tpu.memref_slice %arg8[%mul3A_2] : memref<320000xf32, #tpu.memory_space<hbm>> -> memref<10000xf32, #tpu.memory_space<hbm>>
      %dma_start3A_69 = tpu.memref_slice %arg8[%mul3A_2] : memref<320000xf32, #tpu.memory_space<hbm>> -> memref<10000xf32, #tpu.memory_space<hbm>>
      tpu.enqueue_dma source(%arg29 : memref<10000xf32, #tpu.memory_space<vmem>>) target(%dma_start3A_69 : memref<10000xf32, #tpu.memory_space<hbm>>) target_semaphore(%run_scoped3A : memref<!tpu.dma_semaphore, #tpu.memory_space<semaphore_mem>>)
      %dma_wait3A = tpu.memref_slice %arg8[%mul3A_2] : memref<320000xf32, #tpu.memory_space<hbm>> -> memref<10000xf32, #tpu.memory_space<hbm>>
      %dma_wait3A_70 = tpu.memref_slice %arg8[%mul3A_2] : memref<320000xf32, #tpu.memory_space<hbm>> -> memref<10000xf32, #tpu.memory_space<hbm>>
      tpu.wait_dma2 semaphore(%run_scoped3A : memref<!tpu.dma_semaphore, #tpu.memory_space<semaphore_mem>>) src(%arg29 : memref<10000xf32, #tpu.memory_space<vmem>>) dst(%dma_wait3A_70 : memref<10000xf32, #tpu.memory_space<hbm>>)
      tpu.yield
    }) : () -> ()
    "tpu.region"() ({
      %run_scoped3A = tpu.sem_alloc : memref<!tpu.dma_semaphore, #tpu.memory_space<semaphore_mem>>
      %dma_start3A_68 = tpu.memref_slice %arg9[%mul3A_2] : memref<320000xf32, #tpu.memory_space<hbm>> -> memref<10000xf32, #tpu.memory_space<hbm>>
      %dma_start3A_69 = tpu.memref_slice %arg9[%mul3A_2] : memref<320000xf32, #tpu.memory_space<hbm>> -> memref<10000xf32, #tpu.memory_space<hbm>>
      tpu.enqueue_dma source(%arg30 : memref<10000xf32, #tpu.memory_space<vmem>>) target(%dma_start3A_69 : memref<10000xf32, #tpu.memory_space<hbm>>) target_semaphore(%run_scoped3A : memref<!tpu.dma_semaphore, #tpu.memory_space<semaphore_mem>>)
      %dma_wait3A = tpu.memref_slice %arg9[%mul3A_2] : memref<320000xf32, #tpu.memory_space<hbm>> -> memref<10000xf32, #tpu.memory_space<hbm>>
      %dma_wait3A_70 = tpu.memref_slice %arg9[%mul3A_2] : memref<320000xf32, #tpu.memory_space<hbm>> -> memref<10000xf32, #tpu.memory_space<hbm>>
      tpu.wait_dma2 semaphore(%run_scoped3A : memref<!tpu.dma_semaphore, #tpu.memory_space<semaphore_mem>>) src(%arg30 : memref<10000xf32, #tpu.memory_space<vmem>>) dst(%dma_wait3A_70 : memref<10000xf32, #tpu.memory_space<hbm>>)
      tpu.yield
    }) : () -> ()
    return
  }
}

module attributes {stable_mosaic.version = 14 : i64} {
  func.func @_dense_body(%arg0: i32, %arg1: memref<1000x128xf32, #tpu.memory_space<vmem>>, %arg2: memref<1000x32xf32, #tpu.memory_space<vmem>>, %arg3: memref<1000x32xf32, #tpu.memory_space<vmem>>, %arg4: memref<128x32xf32, #tpu.memory_space<vmem>>, %arg5: memref<128x32xf32, #tpu.memory_space<vmem>>, %arg6: memref<128x32xf32, #tpu.memory_space<vmem>>, %arg7: memref<128x32xf32, #tpu.memory_space<vmem>>, %arg8: memref<32x32xf32, #tpu.memory_space<vmem>>, %arg9: memref<32x32xf32, #tpu.memory_space<vmem>>, %arg10: memref<32x32xf32, #tpu.memory_space<vmem>>, %arg11: memref<32x32xf32, #tpu.memory_space<vmem>>, %arg12: memref<1x32xf32, #tpu.memory_space<vmem>>, %arg13: memref<1x32xf32, #tpu.memory_space<vmem>>, %arg14: memref<1x32xf32, #tpu.memory_space<vmem>>, %arg15: memref<1x32xf32, #tpu.memory_space<vmem>>, %arg16: memref<1x32xf32, #tpu.memory_space<vmem>>, %arg17: memref<1x32xf32, #tpu.memory_space<vmem>>, %arg18: memref<1x32xf32, #tpu.memory_space<vmem>>, %arg19: memref<1x32xf32, #tpu.memory_space<vmem>>, %arg20: memref<32x32xf32, #tpu.memory_space<vmem>>, %arg21: memref<1x32xf32, #tpu.memory_space<vmem>>, %arg22: memref<32x32xf32, #tpu.memory_space<vmem>>, %arg23: memref<1x32xf32, #tpu.memory_space<vmem>>, %arg24: memref<32x32xf32, #tpu.memory_space<vmem>>, %arg25: memref<1x32xf32, #tpu.memory_space<vmem>>, %arg26: memref<1000x32xf32, #tpu.memory_space<vmem>>, %arg27: memref<1000x32xf32, #tpu.memory_space<vmem>>, %arg28: memref<1000x32xf32, #tpu.memory_space<vmem>>, %arg29: memref<1000x32xf32, #tpu.memory_space<vmem>>) attributes {dimension_semantics = [#tpu.dimension_semantics<arbitrary>], iteration_bounds = array<i64: 10>, scalar_prefetch = 0 : i64, scratch_operands = 0 : i64, tpu.core_type = #tpu.core_type<tc>, window_params = [{transform_indices = @transform_0, window_bounds = array<i64: 1000, 128>}, {transform_indices = @transform_1, window_bounds = array<i64: 1000, 32>}, {transform_indices = @transform_2, window_bounds = array<i64: 1000, 32>}, {pipeline_mode = #tpu.pipeline_mode<synchronous>, transform_indices = @transform_3, window_bounds = array<i64: 128, 32>}, {pipeline_mode = #tpu.pipeline_mode<synchronous>, transform_indices = @transform_4, window_bounds = array<i64: 128, 32>}, {pipeline_mode = #tpu.pipeline_mode<synchronous>, transform_indices = @transform_5, window_bounds = array<i64: 128, 32>}, {pipeline_mode = #tpu.pipeline_mode<synchronous>, transform_indices = @transform_6, window_bounds = array<i64: 128, 32>}, {pipeline_mode = #tpu.pipeline_mode<synchronous>, transform_indices = @transform_7, window_bounds = array<i64: 32, 32>}, {pipeline_mode = #tpu.pipeline_mode<synchronous>, transform_indices = @transform_8, window_bounds = array<i64: 32, 32>}, {pipeline_mode = #tpu.pipeline_mode<synchronous>, transform_indices = @transform_9, window_bounds = array<i64: 32, 32>}, {pipeline_mode = #tpu.pipeline_mode<synchronous>, transform_indices = @transform_10, window_bounds = array<i64: 32, 32>}, {pipeline_mode = #tpu.pipeline_mode<synchronous>, transform_indices = @transform_11, window_bounds = array<i64: 1, 32>}, {pipeline_mode = #tpu.pipeline_mode<synchronous>, transform_indices = @transform_12, window_bounds = array<i64: 1, 32>}, {pipeline_mode = #tpu.pipeline_mode<synchronous>, transform_indices = @transform_13, window_bounds = array<i64: 1, 32>}, {pipeline_mode = #tpu.pipeline_mode<synchronous>, transform_indices = @transform_14, window_bounds = array<i64: 1, 32>}, {pipeline_mode = #tpu.pipeline_mode<synchronous>, transform_indices = @transform_15, window_bounds = array<i64: 1, 32>}, {pipeline_mode = #tpu.pipeline_mode<synchronous>, transform_indices = @transform_16, window_bounds = array<i64: 1, 32>}, {pipeline_mode = #tpu.pipeline_mode<synchronous>, transform_indices = @transform_17, window_bounds = array<i64: 1, 32>}, {pipeline_mode = #tpu.pipeline_mode<synchronous>, transform_indices = @transform_18, window_bounds = array<i64: 1, 32>}, {pipeline_mode = #tpu.pipeline_mode<synchronous>, transform_indices = @transform_19, window_bounds = array<i64: 32, 32>}, {pipeline_mode = #tpu.pipeline_mode<synchronous>, transform_indices = @transform_20, window_bounds = array<i64: 1, 32>}, {pipeline_mode = #tpu.pipeline_mode<synchronous>, transform_indices = @transform_21, window_bounds = array<i64: 32, 32>}, {pipeline_mode = #tpu.pipeline_mode<synchronous>, transform_indices = @transform_22, window_bounds = array<i64: 1, 32>}, {pipeline_mode = #tpu.pipeline_mode<synchronous>, transform_indices = @transform_23, window_bounds = array<i64: 32, 32>}, {pipeline_mode = #tpu.pipeline_mode<synchronous>, transform_indices = @transform_24, window_bounds = array<i64: 1, 32>}, {transform_indices = @transform_25, window_bounds = array<i64: 1000, 32>}, {transform_indices = @transform_26, window_bounds = array<i64: 1000, 32>}, {transform_indices = @transform_27, window_bounds = array<i64: 1000, 32>}, {transform_indices = @transform_28, window_bounds = array<i64: 1000, 32>}]} {
    %get3A = arith.constant 0 : index
    %get3A_0 = arith.constant 0 : index
    %get3A_1 = vector.load %arg1[%get3A, %get3A_0] : memref<1000x128xf32, #tpu.memory_space<vmem>>, vector<1000x128xf32>
    %get3A_2 = arith.constant 0 : index
    %get3A_3 = arith.constant 0 : index
    %get3A_4 = vector.load %arg2[%get3A_2, %get3A_3] : memref<1000x32xf32, #tpu.memory_space<vmem>>, vector<1000x32xf32>
    %get3A_5 = arith.constant 0 : index
    %get3A_6 = arith.constant 0 : index
    %get3A_7 = vector.load %arg3[%get3A_5, %get3A_6] : memref<1000x32xf32, #tpu.memory_space<vmem>>, vector<1000x32xf32>
    %get3A_8 = arith.constant 0 : index
    %get3A_9 = arith.constant 0 : index
    %get3A_10 = vector.load %arg4[%get3A_8, %get3A_9] : memref<128x32xf32, #tpu.memory_space<vmem>>, vector<128x32xf32>
    %get3A_11 = arith.constant 0 : index
    %get3A_12 = arith.constant 0 : index
    %get3A_13 = vector.load %arg5[%get3A_11, %get3A_12] : memref<128x32xf32, #tpu.memory_space<vmem>>, vector<128x32xf32>
    %get3A_14 = arith.constant 0 : index
    %get3A_15 = arith.constant 0 : index
    %get3A_16 = vector.load %arg6[%get3A_14, %get3A_15] : memref<128x32xf32, #tpu.memory_space<vmem>>, vector<128x32xf32>
    %get3A_17 = arith.constant 0 : index
    %get3A_18 = arith.constant 0 : index
    %get3A_19 = vector.load %arg7[%get3A_17, %get3A_18] : memref<128x32xf32, #tpu.memory_space<vmem>>, vector<128x32xf32>
    %concatenate3A = tpu.concatenate %get3A_10, %get3A_13, %get3A_16, %get3A_19 in 1 : vector<128x32xf32>, vector<128x32xf32>, vector<128x32xf32>, vector<128x32xf32> -> vector<128x128xf32>
    %get3A_20 = arith.constant 0 : index
    %get3A_21 = arith.constant 0 : index
    %get3A_22 = vector.load %arg8[%get3A_20, %get3A_21] : memref<32x32xf32, #tpu.memory_space<vmem>>, vector<32x32xf32>
    %get3A_23 = arith.constant 0 : index
    %get3A_24 = arith.constant 0 : index
    %get3A_25 = vector.load %arg9[%get3A_23, %get3A_24] : memref<32x32xf32, #tpu.memory_space<vmem>>, vector<32x32xf32>
    %get3A_26 = arith.constant 0 : index
    %get3A_27 = arith.constant 0 : index
    %get3A_28 = vector.load %arg10[%get3A_26, %get3A_27] : memref<32x32xf32, #tpu.memory_space<vmem>>, vector<32x32xf32>
    %get3A_29 = arith.constant 0 : index
    %get3A_30 = arith.constant 0 : index
    %get3A_31 = vector.load %arg11[%get3A_29, %get3A_30] : memref<32x32xf32, #tpu.memory_space<vmem>>, vector<32x32xf32>
    %concatenate3A_32 = tpu.concatenate %get3A_22, %get3A_25, %get3A_28, %get3A_31 in 1 : vector<32x32xf32>, vector<32x32xf32>, vector<32x32xf32>, vector<32x32xf32> -> vector<32x128xf32>
    %get3A_33 = arith.constant 0 : index
    %get3A_34 = arith.constant 0 : index
    %get3A_35 = vector.load %arg12[%get3A_33, %get3A_34] : memref<1x32xf32, #tpu.memory_space<vmem>>, vector<1x32xf32>
    %get3A_36 = arith.constant 0 : index
    %get3A_37 = arith.constant 0 : index
    %get3A_38 = vector.load %arg16[%get3A_36, %get3A_37] : memref<1x32xf32, #tpu.memory_space<vmem>>, vector<1x32xf32>
    %add3A = arith.addf %get3A_35, %get3A_38 : vector<1x32xf32>
    %get3A_39 = arith.constant 0 : index
    %get3A_40 = arith.constant 0 : index
    %get3A_41 = vector.load %arg13[%get3A_39, %get3A_40] : memref<1x32xf32, #tpu.memory_space<vmem>>, vector<1x32xf32>
    %get3A_42 = arith.constant 0 : index
    %get3A_43 = arith.constant 0 : index
    %get3A_44 = vector.load %arg17[%get3A_42, %get3A_43] : memref<1x32xf32, #tpu.memory_space<vmem>>, vector<1x32xf32>
    %add3A_45 = arith.addf %get3A_41, %get3A_44 : vector<1x32xf32>
    %get3A_46 = arith.constant 0 : index
    %get3A_47 = arith.constant 0 : index
    %get3A_48 = vector.load %arg14[%get3A_46, %get3A_47] : memref<1x32xf32, #tpu.memory_space<vmem>>, vector<1x32xf32>
    %get3A_49 = arith.constant 0 : index
    %get3A_50 = arith.constant 0 : index
    %get3A_51 = vector.load %arg18[%get3A_49, %get3A_50] : memref<1x32xf32, #tpu.memory_space<vmem>>, vector<1x32xf32>
    %add3A_52 = arith.addf %get3A_48, %get3A_51 : vector<1x32xf32>
    %get3A_53 = arith.constant 0 : index
    %get3A_54 = arith.constant 0 : index
    %get3A_55 = vector.load %arg15[%get3A_53, %get3A_54] : memref<1x32xf32, #tpu.memory_space<vmem>>, vector<1x32xf32>
    %get3A_56 = arith.constant 0 : index
    %get3A_57 = arith.constant 0 : index
    %get3A_58 = vector.load %arg19[%get3A_56, %get3A_57] : memref<1x32xf32, #tpu.memory_space<vmem>>, vector<1x32xf32>
    %add3A_59 = arith.addf %get3A_55, %get3A_58 : vector<1x32xf32>
    %concatenate3A_60 = tpu.concatenate %add3A, %add3A_45, %add3A_52, %add3A_59 in 1 : vector<1x32xf32>, vector<1x32xf32>, vector<1x32xf32>, vector<1x32xf32> -> vector<1x128xf32>
    %dot_general3A = arith.constant dense<0.000000e+00> : vector<1000x128xf32>
    %dot_general3A_61 = tpu.matmul %get3A_1, %concatenate3A, %dot_general3A {dimension_numbers = #tpu.dot_dimension_numbers<[1], [0], [0], [1], [0, 0, 1, 1], [], []>, transpose_lhs_hint = false} : vector<1000x128xf32>, vector<128x128xf32>, vector<1000x128xf32> -> vector<1000x128xf32>
    %dot_general3A_62 = arith.constant dense<0.000000e+00> : vector<1000x128xf32>
    %dot_general3A_63 = tpu.matmul %get3A_4, %concatenate3A_32, %dot_general3A_62 {dimension_numbers = #tpu.dot_dimension_numbers<[1], [0], [0], [1], [0, 0, 1, 1], [], []>, transpose_lhs_hint = false} : vector<1000x32xf32>, vector<32x128xf32>, vector<1000x128xf32> -> vector<1000x128xf32>
    %add3A_64 = arith.addf %dot_general3A_61, %dot_general3A_63 : vector<1000x128xf32>
    %add3A_65 = vector.broadcast %concatenate3A_60 : vector<1x128xf32> to vector<1000x128xf32>
    %add3A_66 = arith.addf %add3A_64, %add3A_65 : vector<1000x128xf32>
    %slice3A = vector.extract_strided_slice %add3A_66 {offsets = [0, 0], sizes = [1000, 32], strides = [1, 1]} : vector<1000x128xf32> to vector<1000x32xf32>
    %logistic3A = arith.negf %slice3A : vector<1000x32xf32>
    %logistic3A_67 = math.exp %logistic3A : vector<1000x32xf32>
    %logistic3A_68 = arith.constant 1.000000e+00 : f32
    %logistic3A_69 = vector.broadcast %logistic3A_68 : f32 to vector<1000x32xf32>
    %logistic3A_70 = arith.addf %logistic3A_69, %logistic3A_67 : vector<1000x32xf32>
    %logistic3A_71 = arith.divf %logistic3A_69, %logistic3A_70 : vector<1000x32xf32>
    %slice3A_72 = vector.extract_strided_slice %add3A_66 {offsets = [0, 32], sizes = [1000, 32], strides = [1, 1]} : vector<1000x128xf32> to vector<1000x32xf32>
    %logistic3A_73 = arith.negf %slice3A_72 : vector<1000x32xf32>
    %logistic3A_74 = math.exp %logistic3A_73 : vector<1000x32xf32>
    %logistic3A_75 = arith.constant 1.000000e+00 : f32
    %logistic3A_76 = vector.broadcast %logistic3A_75 : f32 to vector<1000x32xf32>
    %logistic3A_77 = arith.addf %logistic3A_76, %logistic3A_74 : vector<1000x32xf32>
    %logistic3A_78 = arith.divf %logistic3A_76, %logistic3A_77 : vector<1000x32xf32>
    %slice3A_79 = vector.extract_strided_slice %add3A_66 {offsets = [0, 64], sizes = [1000, 32], strides = [1, 1]} : vector<1000x128xf32> to vector<1000x32xf32>
    %tanh3A = math.tanh %slice3A_79 : vector<1000x32xf32>
    %slice3A_80 = vector.extract_strided_slice %add3A_66 {offsets = [0, 96], sizes = [1000, 32], strides = [1, 1]} : vector<1000x128xf32> to vector<1000x32xf32>
    %logistic3A_81 = arith.negf %slice3A_80 : vector<1000x32xf32>
    %logistic3A_82 = math.exp %logistic3A_81 : vector<1000x32xf32>
    %logistic3A_83 = arith.constant 1.000000e+00 : f32
    %logistic3A_84 = vector.broadcast %logistic3A_83 : f32 to vector<1000x32xf32>
    %logistic3A_85 = arith.addf %logistic3A_84, %logistic3A_82 : vector<1000x32xf32>
    %logistic3A_86 = arith.divf %logistic3A_84, %logistic3A_85 : vector<1000x32xf32>
    %mul3A = arith.mulf %logistic3A_78, %get3A_7 : vector<1000x32xf32>
    %mul3A_87 = arith.mulf %logistic3A_71, %tanh3A : vector<1000x32xf32>
    %add3A_88 = arith.addf %mul3A, %mul3A_87 : vector<1000x32xf32>
    %tanh3A_89 = math.tanh %add3A_88 : vector<1000x32xf32>
    %mul3A_90 = arith.mulf %logistic3A_86, %tanh3A_89 : vector<1000x32xf32>
    %max3A = arith.constant 0.000000e+00 : f32
    %max3A_91 = vector.broadcast %max3A : f32 to vector<1000x32xf32>
    %max3A_92 = arith.maximumf %mul3A_90, %max3A_91 : vector<1000x32xf32>
    %get3A_93 = arith.constant 0 : index
    %get3A_94 = arith.constant 0 : index
    %get3A_95 = vector.load %arg20[%get3A_93, %get3A_94] : memref<32x32xf32, #tpu.memory_space<vmem>>, vector<32x32xf32>
    %dot_general3A_96 = arith.constant dense<0.000000e+00> : vector<1000x32xf32>
    %dot_general3A_97 = tpu.matmul %max3A_92, %get3A_95, %dot_general3A_96 {dimension_numbers = #tpu.dot_dimension_numbers<[1], [0], [0], [1], [0, 0, 1, 1], [], []>, transpose_lhs_hint = false} : vector<1000x32xf32>, vector<32x32xf32>, vector<1000x32xf32> -> vector<1000x32xf32>
    %get3A_98 = arith.constant 0 : index
    %get3A_99 = arith.constant 0 : index
    %get3A_100 = vector.load %arg21[%get3A_98, %get3A_99] : memref<1x32xf32, #tpu.memory_space<vmem>>, vector<1x32xf32>
    %add3A_101 = vector.broadcast %get3A_100 : vector<1x32xf32> to vector<1000x32xf32>
    %add3A_102 = arith.addf %dot_general3A_97, %add3A_101 : vector<1000x32xf32>
    %get3A_103 = arith.constant 0 : index
    %get3A_104 = arith.constant 0 : index
    %get3A_105 = vector.load %arg22[%get3A_103, %get3A_104] : memref<32x32xf32, #tpu.memory_space<vmem>>, vector<32x32xf32>
    %get3A_106 = arith.constant 0 : index
    %get3A_107 = arith.constant 0 : index
    %get3A_108 = vector.load %arg24[%get3A_106, %get3A_107] : memref<32x32xf32, #tpu.memory_space<vmem>>, vector<32x32xf32>
    %concatenate3A_109 = tpu.concatenate %get3A_105, %get3A_108 in 1 : vector<32x32xf32>, vector<32x32xf32> -> vector<32x64xf32>
    %get3A_110 = arith.constant 0 : index
    %get3A_111 = arith.constant 0 : index
    %get3A_112 = vector.load %arg23[%get3A_110, %get3A_111] : memref<1x32xf32, #tpu.memory_space<vmem>>, vector<1x32xf32>
    %get3A_113 = arith.constant 0 : index
    %get3A_114 = arith.constant 0 : index
    %get3A_115 = vector.load %arg25[%get3A_113, %get3A_114] : memref<1x32xf32, #tpu.memory_space<vmem>>, vector<1x32xf32>
    %concatenate3A_116 = tpu.concatenate %get3A_112, %get3A_115 in 1 : vector<1x32xf32>, vector<1x32xf32> -> vector<1x64xf32>
    %dot_general3A_117 = arith.constant dense<0.000000e+00> : vector<1000x64xf32>
    %dot_general3A_118 = tpu.matmul %add3A_102, %concatenate3A_109, %dot_general3A_117 {dimension_numbers = #tpu.dot_dimension_numbers<[1], [0], [0], [1], [0, 0, 1, 1], [], []>, transpose_lhs_hint = false} : vector<1000x32xf32>, vector<32x64xf32>, vector<1000x64xf32> -> vector<1000x64xf32>
    %add3A_119 = vector.broadcast %concatenate3A_116 : vector<1x64xf32> to vector<1000x64xf32>
    %add3A_120 = arith.addf %dot_general3A_118, %add3A_119 : vector<1000x64xf32>
    %swap3A = arith.constant 0 : index
    %swap3A_121 = arith.constant 0 : index
    %swap3A_122 = vector.load %arg26[%swap3A, %swap3A_121] : memref<1000x32xf32, #tpu.memory_space<vmem>>, vector<1000x32xf32>
    tpu.vector_store %arg26[%swap3A, %swap3A_121], %mul3A_90 {strides = array<i32>} : memref<1000x32xf32, #tpu.memory_space<vmem>>, vector<1000x32xf32>,
    %swap3A_123 = arith.constant 0 : index
    %swap3A_124 = arith.constant 0 : index
    %swap3A_125 = vector.load %arg27[%swap3A_123, %swap3A_124] : memref<1000x32xf32, #tpu.memory_space<vmem>>, vector<1000x32xf32>
    tpu.vector_store %arg27[%swap3A_123, %swap3A_124], %add3A_88 {strides = array<i32>} : memref<1000x32xf32, #tpu.memory_space<vmem>>, vector<1000x32xf32>,
    %slice3A_126 = vector.extract_strided_slice %add3A_120 {offsets = [0, 0], sizes = [1000, 32], strides = [1, 1]} : vector<1000x64xf32> to vector<1000x32xf32>
    %swap3A_127 = arith.constant 0 : index
    %swap3A_128 = arith.constant 0 : index
    %swap3A_129 = vector.load %arg28[%swap3A_127, %swap3A_128] : memref<1000x32xf32, #tpu.memory_space<vmem>>, vector<1000x32xf32>
    tpu.vector_store %arg28[%swap3A_127, %swap3A_128], %slice3A_126 {strides = array<i32>} : memref<1000x32xf32, #tpu.memory_space<vmem>>, vector<1000x32xf32>,
    %slice3A_130 = vector.extract_strided_slice %add3A_120 {offsets = [0, 32], sizes = [1000, 32], strides = [1, 1]} : vector<1000x64xf32> to vector<1000x32xf32>
    %swap3A_131 = arith.constant 0 : index
    %swap3A_132 = arith.constant 0 : index
    %swap3A_133 = vector.load %arg29[%swap3A_131, %swap3A_132] : memref<1000x32xf32, #tpu.memory_space<vmem>>, vector<1000x32xf32>
    tpu.vector_store %arg29[%swap3A_131, %swap3A_132], %slice3A_130 {strides = array<i32>} : memref<1000x32xf32, #tpu.memory_space<vmem>>, vector<1000x32xf32>,
    return
  }
  func.func @transform_0(%arg0: i32) -> (i32, i32) {
    %c0_i32 = arith.constant 0 : i32
    %c0_i32_0 = arith.constant 0 : i32
    return %arg0, %c0_i32 : i32, i32
  }
  func.func @transform_1(%arg0: i32) -> (i32, i32) {
    %c0_i32 = arith.constant 0 : i32
    %c0_i32_0 = arith.constant 0 : i32
    return %arg0, %c0_i32 : i32, i32
  }
  func.func @transform_2(%arg0: i32) -> (i32, i32) {
    %c0_i32 = arith.constant 0 : i32
    %c0_i32_0 = arith.constant 0 : i32
    return %arg0, %c0_i32 : i32, i32
  }
  func.func @transform_3(%arg0: i32) -> (i32, i32) {
    %c0_i32 = arith.constant 0 : i32
    %c0_i32_0 = arith.constant 0 : i32
    %c0_i32_1 = arith.constant 0 : i32
    return %c0_i32, %c0_i32_0 : i32, i32
  }
  func.func @transform_4(%arg0: i32) -> (i32, i32) {
    %c0_i32 = arith.constant 0 : i32
    %c0_i32_0 = arith.constant 0 : i32
    %c0_i32_1 = arith.constant 0 : i32
    return %c0_i32, %c0_i32_0 : i32, i32
  }
  func.func @transform_5(%arg0: i32) -> (i32, i32) {
    %c0_i32 = arith.constant 0 : i32
    %c0_i32_0 = arith.constant 0 : i32
    %c0_i32_1 = arith.constant 0 : i32
    return %c0_i32, %c0_i32_0 : i32, i32
  }
  func.func @transform_6(%arg0: i32) -> (i32, i32) {
    %c0_i32 = arith.constant 0 : i32
    %c0_i32_0 = arith.constant 0 : i32
    %c0_i32_1 = arith.constant 0 : i32
    return %c0_i32, %c0_i32_0 : i32, i32
  }
  func.func @transform_7(%arg0: i32) -> (i32, i32) {
    %c0_i32 = arith.constant 0 : i32
    %c0_i32_0 = arith.constant 0 : i32
    %c0_i32_1 = arith.constant 0 : i32
    return %c0_i32, %c0_i32_0 : i32, i32
  }
  func.func @transform_8(%arg0: i32) -> (i32, i32) {
    %c0_i32 = arith.constant 0 : i32
    %c0_i32_0 = arith.constant 0 : i32
    %c0_i32_1 = arith.constant 0 : i32
    return %c0_i32, %c0_i32_0 : i32, i32
  }
  func.func @transform_9(%arg0: i32) -> (i32, i32) {
    %c0_i32 = arith.constant 0 : i32
    %c0_i32_0 = arith.constant 0 : i32
    %c0_i32_1 = arith.constant 0 : i32
    return %c0_i32, %c0_i32_0 : i32, i32
  }
  func.func @transform_10(%arg0: i32) -> (i32, i32) {
    %c0_i32 = arith.constant 0 : i32
    %c0_i32_0 = arith.constant 0 : i32
    %c0_i32_1 = arith.constant 0 : i32
    return %c0_i32, %c0_i32_0 : i32, i32
  }
  func.func @transform_11(%arg0: i32) -> (i32, i32) {
    %c0_i32 = arith.constant 0 : i32
    %c0_i32_0 = arith.constant 0 : i32
    %c0_i32_1 = arith.constant 0 : i32
    return %c0_i32, %c0_i32_0 : i32, i32
  }
  func.func @transform_12(%arg0: i32) -> (i32, i32) {
    %c0_i32 = arith.constant 0 : i32
    %c0_i32_0 = arith.constant 0 : i32
    %c0_i32_1 = arith.constant 0 : i32
    return %c0_i32, %c0_i32_0 : i32, i32
  }
  func.func @transform_13(%arg0: i32) -> (i32, i32) {
    %c0_i32 = arith.constant 0 : i32
    %c0_i32_0 = arith.constant 0 : i32
    %c0_i32_1 = arith.constant 0 : i32
    return %c0_i32, %c0_i32_0 : i32, i32
  }
  func.func @transform_14(%arg0: i32) -> (i32, i32) {
    %c0_i32 = arith.constant 0 : i32
    %c0_i32_0 = arith.constant 0 : i32
    %c0_i32_1 = arith.constant 0 : i32
    return %c0_i32, %c0_i32_0 : i32, i32
  }
  func.func @transform_15(%arg0: i32) -> (i32, i32) {
    %c0_i32 = arith.constant 0 : i32
    %c0_i32_0 = arith.constant 0 : i32
    %c0_i32_1 = arith.constant 0 : i32
    return %c0_i32, %c0_i32_0 : i32, i32
  }
  func.func @transform_16(%arg0: i32) -> (i32, i32) {
    %c0_i32 = arith.constant 0 : i32
    %c0_i32_0 = arith.constant 0 : i32
    %c0_i32_1 = arith.constant 0 : i32
    return %c0_i32, %c0_i32_0 : i32, i32
  }
  func.func @transform_17(%arg0: i32) -> (i32, i32) {
    %c0_i32 = arith.constant 0 : i32
    %c0_i32_0 = arith.constant 0 : i32
    %c0_i32_1 = arith.constant 0 : i32
    return %c0_i32, %c0_i32_0 : i32, i32
  }
  func.func @transform_18(%arg0: i32) -> (i32, i32) {
    %c0_i32 = arith.constant 0 : i32
    %c0_i32_0 = arith.constant 0 : i32
    %c0_i32_1 = arith.constant 0 : i32
    return %c0_i32, %c0_i32_0 : i32, i32
  }
  func.func @transform_19(%arg0: i32) -> (i32, i32) {
    %c0_i32 = arith.constant 0 : i32
    %c0_i32_0 = arith.constant 0 : i32
    %c0_i32_1 = arith.constant 0 : i32
    return %c0_i32, %c0_i32_0 : i32, i32
  }
  func.func @transform_20(%arg0: i32) -> (i32, i32) {
    %c0_i32 = arith.constant 0 : i32
    %c0_i32_0 = arith.constant 0 : i32
    %c0_i32_1 = arith.constant 0 : i32
    return %c0_i32, %c0_i32_0 : i32, i32
  }
  func.func @transform_21(%arg0: i32) -> (i32, i32) {
    %c0_i32 = arith.constant 0 : i32
    %c0_i32_0 = arith.constant 0 : i32
    %c0_i32_1 = arith.constant 0 : i32
    return %c0_i32, %c0_i32_0 : i32, i32
  }
  func.func @transform_22(%arg0: i32) -> (i32, i32) {
    %c0_i32 = arith.constant 0 : i32
    %c0_i32_0 = arith.constant 0 : i32
    %c0_i32_1 = arith.constant 0 : i32
    return %c0_i32, %c0_i32_0 : i32, i32
  }
  func.func @transform_23(%arg0: i32) -> (i32, i32) {
    %c0_i32 = arith.constant 0 : i32
    %c0_i32_0 = arith.constant 0 : i32
    %c0_i32_1 = arith.constant 0 : i32
    return %c0_i32, %c0_i32_0 : i32, i32
  }
  func.func @transform_24(%arg0: i32) -> (i32, i32) {
    %c0_i32 = arith.constant 0 : i32
    %c0_i32_0 = arith.constant 0 : i32
    %c0_i32_1 = arith.constant 0 : i32
    return %c0_i32, %c0_i32_0 : i32, i32
  }
  func.func @transform_25(%arg0: i32) -> (i32, i32) {
    %c0_i32 = arith.constant 0 : i32
    %c0_i32_0 = arith.constant 0 : i32
    return %arg0, %c0_i32 : i32, i32
  }
  func.func @transform_26(%arg0: i32) -> (i32, i32) {
    %c0_i32 = arith.constant 0 : i32
    %c0_i32_0 = arith.constant 0 : i32
    return %arg0, %c0_i32 : i32, i32
  }
  func.func @transform_27(%arg0: i32) -> (i32, i32) {
    %c0_i32 = arith.constant 0 : i32
    %c0_i32_0 = arith.constant 0 : i32
    return %arg0, %c0_i32 : i32, i32
  }
  func.func @transform_28(%arg0: i32) -> (i32, i32) {
    %c0_i32 = arith.constant 0 : i32
    %c0_i32_0 = arith.constant 0 : i32
    return %arg0, %c0_i32 : i32, i32
  }
}

</mosaic_0001>

<sc_bundles>
// kernel: kernel.4.cloned.1.call-start
scs
__scs_entry_jumppad:
0x0: {  	(pc) =	sbr.rel $0x88, $3  }
0x1: {  	(tag) =	ssettag $0x0;
	lr =	simm.s32 $0x1  }
0x2: {  	[smem:$0x3F83] =	sst lr;
	_ =	strace $0xD0000000  }
0x3: {  	_ = 	snop  }
0x4: {  	_ = 	snop  }
0x5: {  	_ = 	snop  }
0x6: {  	_ = 	snop  }
0x7: {  	_ = 	snop  }
__scs_overlays_trampoline_lowered:
0x8: {  	[smem:$0x3F92] =	sst s0  }
0x9: {  	[smem:$0x3F93] =	sst s1  }
0xa: {  	[smem:$0x3F94] =	sst s2  }
0xb: {  	[smem:$0x3F95] =	sst s3  }
0xc: {  	[smem:$0x3F96] =	sst s4  }
0xd: {  	[smem:$0x3F97] =	sst s5  }
0xe: {  	[smem:$0x3F98] =	sst s6  }
0xf: {  	[smem:$0x3F99] =	sst s7  }
0x10: {  	[smem:$0x3F9A] =	sst s8  }
0x11: {  	[smem:$0x3F9B] =	sst s9;
	s0 =	simm.s32 @!p0 $0x0  }
0x12: {  	s1 =	sld [smem:$0x3F81];
	s0 =	simm.s32 @p0 $0x1  }
0x13: {  	[smem:$0x3F9C] =	sst s0;
	s0 =	simm.s32 @!p1 $0x0  }
0x14: {  	s2 =	sld [smem:$0x3F80];
	s0 =	simm.s32 @p1 $0x1  }
0x15: {  	[smem:$0x3F9D] =	sst s0;
	s0 =	simm.s32 @!p2 $0x0  }
0x16: {  	s3 =	sld [smem:$0x3FDB];
	s0 =	simm.s32 @p2 $0x1  }
0x17: {  	s4 =	simm.s32 $0x1BF5;
	[smem:$0x3F9F] =	sst s0  }
0x18: {  	s0 =	sld [smem:$0x3F82];
	_ =	swait.ge [sflag:s4], $0x0  }
0x19: {  	s7 =	sld [smem:$0x3F83]  }
0x1a: {  	s8 =	sadd.s32 $0xFFFFE003, lr  }
0x1b: {  	s9 =	sadd.s32 $0xFFFFFEF7, lr;
	s5 =	simm.s32 $0xFFFFFFFF;
	p2 =	slt.u32 s8, $0xFFFFF086  }
0x1c: {  	p1 =	slt.u32 s9, $0xF7A;
	s5 =	simm.s32 @!p2 $0x0  }
0x1d: {  	s5 =	simm.s32 @p1 $0x1;
	p0 =	seq.s32 s7, s2  }
0x1e: {  	s7 =	smul.u32 @!p0 $0xF7A, s2;
	p2 =	seq.s32 @!p0 s5, $0x0  }
0x1f: {  	s9 =	smul.u32 $0xF7A, s1;
	s8 =	simm.s32 @!p0 $0x1BF5;
	p2 =	por !p2, p0  }
0x20: {  	[sflag:s8] =	ssyncset.s32 @!p0 $0xFFFFF086;
	s6 =	sadd.s32 @!p0 s3, s7;
	s7 =	simm.s32 @!p0 $0x108  }
0x21: {  	s3 =	sadd.s32 s3, s9;
	s6 =	sadd.s32 @!p0 $0x88, s6;
	s7 =	simm.s32 @p2 $0x1082  }
0x22: {  	[simem:s7], [sflag:s8] =	dma.local @!p0 [hbm:s6], $0xF7A  }
0x23: {  	s9 =	sor.u32 $0xD0000000, s2;
	s6 =	simm.s32 $0x108;
	_ =	swait.ge @!p0 [sflag:s8], $0x0  }
0x24: {  	s3 =	sadd.s32 $0x88, s3;
	s6 =	simm.s32 @!p1 $0x1082;
	[sflag:s4] =	ssyncset.s32 $0xFFFFF086  }
0x25: {  	[simem:s6], [sflag:s4] =	dma.local [hbm:s3], $0xF7A  }
0x26: {  	[smem:$0x3F83] =	sst s1;
	(tag) =	ssettag s2;
	_ =	strace s9  }
0x27: {  	s1 =	sld [smem:$0x3F93]  }
0x28: {  	s2 =	sld [smem:$0x3F94]  }
0x29: {  	s4 =	sld [smem:$0x3F96]  }
0x2a: {  	p0 =	seq.s32 s5, $0x0;
	s5 =	sld [smem:$0x3F97]  }
0x2b: {  	s6 =	sld [smem:$0x3F98]  }
0x2c: {  	s7 =	sld [smem:$0x3F99]  }
0x2d: {  	s3 =	simm.s32 $0x108;
	s8 =	sld [smem:$0x3F9A]  }
0x2e: {  	s3 =	simm.s32 @!p0 $0x1082;
	s9 =	sld [smem:$0x3F9B]  }
0x2f: {  	lr =	sadd.s32 s0, s3;
	s0 =	sld [smem:$0x3F92]  }
0x30: {  	s3 =	sld [smem:$0x3F95]  }
0x31: {  	[smem:$0x3F9E] =	sst s10  }
0x32: {  	s10 =	sld [smem:$0x3F9C];
	_ =	sdelay $0x3  }
0x33: {  	p0 =	seq.s32 s10, $0x1;
	s10 =	sld [smem:$0x3F9E];
	_ =	sdelay $0x3  }
0x34: {  	[smem:$0x3F9E] =	sst s10  }
0x35: {  	s10 =	sld [smem:$0x3F9D];
	_ =	sdelay $0x3  }
0x36: {  	p1 =	seq.s32 s10, $0x1;
	s10 =	sld [smem:$0x3F9E];
	_ =	sdelay $0x3  }
0x37: {  	[smem:$0x3F9E] =	sst s10  }
0x38: {  	s10 =	sld [smem:$0x3F9F]  }
0x39: {  	_ = 	snop;
	(pc) =	sbr.ind lr, $3  }
0x3a: {  	_ = 	snop  }
0x3b: {  	_ = 	snop  }
0x3c: {  	p2 =	seq.s32 s10, $0x1;
	s10 =	sld [smem:$0x3F9E]  }
0x3d: {  	_ =	shalt  }
0x3e: {  	_ =	shalt  }
0x3f: {  	_ =	shalt  }
0x40: {  	_ =	shalt  }
0x41: {  	_ =	shalt  }
0x42: {  	_ =	shalt  }
0x43: {  	_ =	shalt  }
0x44: {  	_ =	shalt  }
0x45: {  	_ =	shalt  }
0x46: {  	_ =	shalt  }
0x47: {  	_ =	shalt  }
0x48: {  	_ =	shalt  }
0x49: {  	_ =	shalt  }
0x4a: {  	_ =	shalt  }
0x4b: {  	_ =	shalt  }
0x4c: {  	_ =	shalt  }
0x4d: {  	_ =	shalt  }
0x4e: {  	_ =	shalt  }
0x4f: {  	_ =	shalt  }
0x50: {  	_ =	shalt  }
0x51: {  	_ =	shalt  }
0x52: {  	_ =	shalt  }
0x53: {  	_ =	shalt  }
0x54: {  	_ =	shalt  }
0x55: {  	_ =	shalt  }
0x56: {  	_ =	shalt  }
0x57: {  	_ =	shalt  }
0x58: {  	_ =	shalt  }
0x59: {  	_ =	shalt  }
0x5a: {  	_ =	shalt  }
0x5b: {  	_ =	shalt  }
0x5c: {  	_ =	shalt  }
0x5d: {  	_ =	shalt  }
0x5e: {  	_ =	shalt  }
0x5f: {  	_ =	shalt  }
0x60: {  	_ =	shalt  }
0x61: {  	_ =	shalt  }
0x62: {  	_ =	shalt  }
0x63: {  	_ =	shalt  }
0x64: {  	_ =	shalt  }
0x65: {  	_ =	shalt  }
0x66: {  	_ =	shalt  }
0x67: {  	_ =	shalt  }
0x68: {  	_ =	shalt  }
0x69: {  	_ =	shalt  }
0x6a: {  	_ =	shalt  }
0x6b: {  	_ =	shalt  }
0x6c: {  	_ =	shalt  }
0x6d: {  	_ =	shalt  }
0x6e: {  	_ =	shalt  }
0x6f: {  	_ =	shalt  }
0x70: {  	_ =	shalt  }
0x71: {  	_ =	shalt  }
0x72: {  	_ =	shalt  }
0x73: {  	_ =	shalt  }
0x74: {  	_ =	shalt  }
0x75: {  	_ =	shalt  }
0x76: {  	_ =	shalt  }
0x77: {  	_ =	shalt  }
0x78: {  	_ =	shalt  }
0x79: {  	_ =	shalt  }
0x7a: {  	_ =	shalt  }
0x7b: {  	_ =	shalt  }
0x7c: {  	_ =	shalt  }
0x7d: {  	_ =	shalt  }
0x7e: {  	_ =	shalt  }
0x7f: {  	_ =	shalt  }
0x80: {  	_ =	shalt  }
0x81: {  	_ =	shalt  }
0x82: {  	_ =	shalt  }
0x83: {  	_ =	shalt  }
0x84: {  	_ =	shalt  }
0x85: {  	_ =	shalt  }
0x86: {  	_ =	shalt  }
0x87: {  	_ =	shalt  }
.Lfunc_end0:
.L_simem_size_0:
called_computation_lowered:
.L_overlay_start_0:
0x88: {  	s2 =	sld [smem:$0x3FD9]  }
0x89: {  	s3 =	sld [smem:$0x3FFE];
	_ =	sdelay $0x1  }
0x8a: {  	s1 =	srdreg.scid  }
0x8b: {  	s0 =	sand.u32 $0x1, s1  }
0x8c: {  	s14 =	sshll.u32 s0, $0xA;
	s2 =	sadd.s32 s3, s2  }
0x8d: {  	s2 =	sadd.s32 s2, s14  }
0x8e: {  	[smem:$0x3FAA] =	sst s2  }
0x8f: {  	_ = 	snop  }
0x90: {  	s2 =	sld [smem:$0x3FD0]  }
0x91: {  	s15 =	sld [smem:$0x3FC8]  }
0x92: {  	s4 =	sld [smem:$0x3FC7]  }
0x93: {  	s6 =	simm.s32 $0xA;
	s7 =	simm.s32 $0x10;
	s5 =	sld [smem:$0x3FC6]  }
0x94: {  	[smem:s7], [sflag:s6] =	dma.local [hbm:s2], $0x1  }
0x95: {  	_ =	swait.eq [sflag:s6], $0x1  }
0x96: {  	[sflag:s6] =	ssyncset.done $0x0  }
0x97: {  	s16 =	sld [smem:$0x10];
	[sflag:s6] =	ssyncadd.s32 $0xFFFFFFFF  }
0x98: {  	s17 =	sld [smem:$0x11];
	(tm) =	ssettm $0x1  }
0x99: {  	s18 =	sld [smem:$0x3FFB];
	_ =	sdelay $0x3  }
0x9a: {  	_ =	strace s18  }
0x9b: {  	s7 =	sld [smem:$0x3FFC];
	_ =	sdelay $0x3  }
0x9c: {  	_ =	strace s7  }
0x9d: {  	s7 =	sld [smem:$0x3FFD];
	_ =	sdelay $0x3  }
0x9e: {  	_ =	strace s7  }
0x9f: {  	_ =	strace $0x8FFFFFFF  }
0xa0: {  	s19 =	sld [smem:$0x3FDB];
	_ =	sdelay $0x1  }
0xa1: {  	s8 =	simm.s32 $_scs_section_size  }
0xa2: {  	s9 =	simm.s32 $_size__tile_overlayer_lowered;
	s10 =	simm.s32 $_tile_overlayer_lowered  }
0xa3: {  	s22 =	simm.s32 $0x1BFF;
	s21 =	sshll.u32 s10, $0x1;
	s7 =	sadd.s32 s8, s19  }
0xa4: {  	s11 =	simm.s32 $0x0;
	s20 =	sshll.u32 s9, $0x1;
	s9 =	sadd.s32 s21, s7  }
0xa5: {  	[timem:s11], [sflag:s22] =	dma.local [hbm:s9], s20  }
0xa6: {  	_ =	swait.ge [sflag:s22], s20  }
0xa7: {  	s8 =	ssub.s32 $0x0, s20;
	[sflag:s22] =	ssyncset.done $0x0  }
0xa8: {  	[sflag:s22] =	ssyncadd.s32 s8;
	_ =	sdelay $0x1  }
0xa9: {  	s23 =	simm.s32 $0x1B8B  }
0xaa: {  	_ =	swait.ge [sflag:s23], $0x1  }
0xab: {  	[sflag:s23] =	ssyncset.done $0x0  }
0xac: {  	s25 =	simm.s32 $0x1B8E;
	s24 =	sld [smem:$0x3FFE];
	[sflag:s23] =	ssyncadd.s32 $0xFFFFFFFF  }
0xad: {  	s26 =	simm.s32 $execute0_lowered;
	[smem:$0x3FD2] =	sst s25  }
0xae: {  	s9 =	sshll.u32 s26, $0x1;
	_ =	strace $0x80000046;
	[dreg:$0x1] =	wrdreg $0xFFFFFFFF  }
0xaf: {  	s28 =	simm.s32 $_size_execute0_lowered;
	s7 =	sadd.s32 s7, s9;
	[dreg:$0x0] =	wrdreg $0x0  }
0xb0: {  	s9 =	sshll.u32 s28, $0x1;
	[dreg:$0x2] =	wrdreg s7  }
0xb1: {  	[dreg:$0x3] =	wrdreg s9  }
0xb2: {  	[dreg:$0x4] =	wrdreg $0xC0  }
0xb3: {  	_ =	task [dreg:s11], $0x5FFFF  }
0xb4: {  	[dreg:$0x1] =	wrdreg $0xFFFFFFFF  }
0xb5: {  	[dreg:$0x0] =	wrdreg $0x60  }
0xb6: {  	[dreg:$0x2] =	wrdreg s24  }
0xb7: {  	[dreg:$0x3] =	wrdreg s15  }
0xb8: {  	[dreg:$0x4] =	wrdreg s4  }
0xb9: {  	[dreg:$0x5] =	wrdreg s5  }
0xba: {  	[dreg:$0x6] =	wrdreg s16  }
0xbb: {  	[dreg:$0x7] =	wrdreg s17  }
0xbc: {  	[dreg:$0x8] =	wrdreg $0x9  }
0xbd: {  	_ =	task.clear_ibuf [dreg:s11], $0x9FFFF;
	_ =	strace $0x90000046  }
0xbe: {  	s29 =	simm.s32 $0x9;
	_ =	strace $0x80000048  }
0xbf: {  	_ =	swait.ge [sflag:s29], $0x1  }
0xc0: {  	[sflag:s29] =	ssyncadd.s32 $0xFFFFFFFF  }
0xc1: {  	_ =	strace $0x90000048  }
0xc2: {  	_ =	sfence  }
0xc3: {  	s30 =	sld [smem:$0x0];
	_ =	sdelay $0x2  }
0xc4: {  	s31 =	sshll.u32 s1, $0xD;
	s1 =	sshrl.u32 s1, $0x2  }
0xc5: {  	s3 =	sand.u32 $0x4000, s31;
	s1 =	sadd.s32 s1, s30  }
0xc6: {  	s0 =	sor.u32 s3, s0;
	s1 =	sshll.u32 s1, $0x11  }
0xc7: {  	s0 =	sor.u32 s1, s0  }
0xc8: {  	s0 =	sadd.s32 $0x8F2B, s0  }
0xc9: {  	[sflag:s0] =	ssyncadd.remote.s32 $0x1  }
0xca: {  	_ =	sfence.sel $0xFFFF  }
0xcb: {  	[dreg:$0x0] =	wrdreg $0xFFFFFFFF;
	(pc) =	sbr.abs _section_cstart, $3  }
0xcc: {  	[dreg:$0x1] =	wrdreg $0xFFFFFFFF  }
0xcd: {  	_ =	task.clear_ibuf [dreg:s11], $0x2FFFF;
	_ =	strace $0x9FFFFFFF  }
0xce: {  	(tm) =	ssettm $0x7FFFFFFF  }
0xcf: {  	_ =	shalt  }
tec
execute0_lowered:
.L_overlay_start_1:
0x0: {  	(tag) =	ssettag $0x1  }
0x1: {  	s0 =	rddreg [dreg:$0x0]  }
0x2: {  	s1 =	rddreg [dreg:$0x1]  }
0x3: {  	s5 =	rddreg [dreg:$0x2]  }
0x4: {  	s6 =	rddreg [dreg:$0x3]  }
0x5: {  	s7 =	rddreg [dreg:$0x4]  }
0x6: {  	s8 =	rddreg [dreg:$0x5]  }
0x7: {  	s3 =	srdreg.scid;
	s4 =	stileid.u32;
	s2 =	simm.s32 $0x0  }
0x8: {  	s17 =	simm.s32 $0x7560;
	s18 =	simm.s32 $0x7F60;
	s19 =	simm.s32 $0x8960  }
0x9: {  	s21 =	simm.s32 $0x9360;
	s28 =	simm.s32 $0xB160;
	s30 =	simm.s32 $0xBB60  }
0xa: {  	s20 =	simm.s32 $0xCF60;
	s29 =	simm.s32 $0xE360;
	s22 =	simm.s32 $0xF760  }
0xb: {  	s14 =	simm.s32 $0x3;
	s3 =	sand.u32 $0x1, s3;
	s4 =	sshll.u32 s4, $0x1  }
0xc: {  	s15 =	simm.s32 $0x4;
	[smem:$0x7FF] =	sst s2;
	s4 =	sor.u32 s3, s4  }
0xd: {  	_ =	strace $0x80000047;
	s9 =	ssub.s32 $0x2, s3;
	s10 =	smul.u32 $0x4E2, s4  }
0xe: {  	s3 =	sadd.s32 $0xD800, s0;
	s4 =	sadd.s32 $0x3A00, s0;
	s0 =	sadd.s32 $0x17600, s0  }
0xf: {  	s11 =	sshrl.u32 s9, $0x1;
	[dreg:$0x7] =	wrdreg s0;
	s1 =	sadd.s32 s1, s10  }
0x10: {  	s23 =	ssub.s32 s9, s11;
	s24 =	sadd.s32 s5, s10;
	[dreg:$0x8] =	wrdreg s1  }
0x11: {  	s25 =	sadd.s32 s6, s10;
	s26 =	sadd.s32 s7, s10;
	[dreg:$0x9] =	wrdreg s24  }
0x12: {  	s31 =	sadd.s32 s8, s10;
	s0 =	smax.u32 s23, $0x1;
	[dreg:$0xa] =	wrdreg s25  }
0x13: {  	s7 =	simm.s32 $0x6;
	s23 =	simm.s32 $0x9D60;
	[dreg:$0xb] =	wrdreg s26  }
0x14: {  	s5 =	simm.s32 $0x5;
	s8 =	simm.s32 $0x0;
	[dreg:$0xc] =	wrdreg s31  }
0x15: {  	v0 =	vlaneseq.u32;
	[dreg:$0xd] =	wrdreg s0;
	s25 =	simm.s32 $0xA760;
	s0 =	simm.s32 $0xC560  }
0x16: {  	v1 =	vmul.u32 $0x20, v0;
	v2 =	vand.u32 $0x7, v0;
	v3 =	vor.u32 $0x20, v0;
	s24 =	simm.s32 $0xD960;
	s1 =	simm.s32 $0xED60;
	s26 =	simm.s32 $0x10160  }
.LBB2_1:
0x17: {  	[dreg:$0xe] =	wrdreg s8  }
0x18: {  	s6 =	rddreg [dreg:$0x7]  }
0x19: {  	[tilespmem:s2], [sflag:$0x6] =	stream.linear.gather [hbm4b:s6+s2], $0x30, $0x38;
	[tilespmem:$0x15980] =	vst v63  }
0x1a: {  	_ =	swait.ge [sflag:s7], $0x30  }
0x1b: {  	[sflag:s7] =	ssyncset.done $0x0  }
0x1c: {  	s12 =	simm.s32 $0x30;
	s11 =	rddreg [dreg:$0x8];
	[sflag:s7] =	ssyncadd.s32 $0xFFFFFFD0  }
0x1d: {  	[tilespmem:s12], [sflag:$0x6] =	stream.linear.gather [hbm4b:s11+s2], $0x2710, $0x38;
	[tilespmem:$0x15980] =	vst v63  }
0x1e: {  	_ =	swait.ge [sflag:s7], $0x2710  }
0x1f: {  	[sflag:s7] =	ssyncset.done $0x0  }
0x20: {  	s9 =	simm.s32 $0x2740;
	s13 =	rddreg [dreg:$0x9];
	[sflag:s7] =	ssyncadd.s32 $0xFFFFD8F0  }
0x21: {  	[tilespmem:s9], [sflag:$0x6] =	stream.linear.gather [hbm4b:s13+s2], $0x2710, $0x38;
	[tilespmem:$0x15980] =	vst v63  }
0x22: {  	_ =	swait.ge [sflag:s7], $0x2710  }
0x23: {  	[sflag:s7] =	ssyncset.done $0x0  }
0x24: {  	s10 =	simm.s32 $0x4E50;
	s16 =	rddreg [dreg:$0xa];
	[sflag:s7] =	ssyncadd.s32 $0xFFFFD8F0  }
0x25: {  	[tilespmem:s10], [sflag:$0x6] =	stream.linear.gather [hbm4b:s16+s2], $0x2710, $0x38;
	[tilespmem:$0x15980] =	vst v63  }
0x26: {  	_ =	swait.ge [sflag:s7], $0x2710  }
0x27: {  	[sflag:s7] =	ssyncset.done $0x0  }
0x28: {  	s6 =	simm.s32 $0x50;
	[sflag:s7] =	ssyncadd.s32 $0xFFFFD8F0  }
0x29: {  	[tilespmem:s17], [sflag:$0x1] =	stream.indirect.gather [hbm4b:s3+s6], $0x20, s12, s6, $0xb8;
	[tilespmem:$0x15980] =	vst v63  }
0x2a: {  	_ = 	snop  }
0x2b: {  	[tilespmem:s18], [sflag:$0x1] =	stream.indirect.gather [hbm4b:s4+s6], $0x20, s9, s6, $0xb8;
	[tilespmem:$0x15980] =	vst v63  }
0x2c: {  	_ = 	snop  }
0x2d: {  	[tilespmem:s19], [sflag:$0x1] =	stream.indirect.gather [hbm4b:s4+s6], $0x20, s10, s6, $0xb8;
	[tilespmem:$0x15980] =	vst v63  }
0x2e: {  	s31 =	simm.s32 $0x80  }
0x2f: {  	[tilespmem:s21], [sflag:$0x2] =	stream.indirect.gather [hbm4b:s3+s6], $0x20, s31, s6, $0xb8;
	[tilespmem:$0x15980] =	vst v63  }
0x30: {  	s8 =	simm.s32 $0x2790  }
0x31: {  	[tilespmem:s23], [sflag:$0x2] =	stream.indirect.gather [hbm4b:s4+s6], $0x20, s8, s6, $0xb8;
	[tilespmem:$0x15980] =	vst v63  }
0x32: {  	s9 =	simm.s32 $0x4EA0  }
0x33: {  	[tilespmem:s25], [sflag:$0x2] =	stream.indirect.gather [hbm4b:s4+s6], $0x20, s9, s6, $0xb8;
	[tilespmem:$0x15980] =	vst v63  }
0x34: {  	s10 =	simm.s32 $0xD0  }
0x35: {  	[tilespmem:s28], [sflag:$0x3] =	stream.indirect.gather [hbm4b:s3+s6], $0x20, s10, s6, $0xb8;
	[tilespmem:$0x15980] =	vst v63  }
0x36: {  	s11 =	simm.s32 $0x27E0  }
0x37: {  	[tilespmem:s30], [sflag:$0x3] =	stream.indirect.gather [hbm4b:s4+s6], $0x20, s11, s6, $0xb8;
	[tilespmem:$0x15980] =	vst v63  }
0x38: {  	s12 =	simm.s32 $0x4EF0  }
0x39: {  	[tilespmem:s0], [sflag:$0x3] =	stream.indirect.gather [hbm4b:s4+s6], $0x20, s12, s6, $0xb8;
	[tilespmem:$0x15980] =	vst v63  }
0x3a: {  	s13 =	simm.s32 $0x120  }
0x3b: {  	[tilespmem:s20], [sflag:$0x4] =	stream.indirect.gather [hbm4b:s3+s6], $0x20, s13, s6, $0xb8;
	[tilespmem:$0x15980] =	vst v63  }
0x3c: {  	s16 =	simm.s32 $0x2830  }
0x3d: {  	[tilespmem:s24], [sflag:$0x4] =	stream.indirect.gather [hbm4b:s4+s6], $0x20, s16, s6, $0xb8;
	[tilespmem:$0x15980] =	vst v63  }
0x3e: {  	s7 =	simm.s32 $0x0;
	s31 =	simm.s32 $0x4F40  }
0x3f: {  	[tilespmem:s29], [sflag:$0x4] =	stream.indirect.gather [hbm4b:s4+s6], $0x20, s31, s6, $0xb8;
	[tilespmem:$0x15980] =	vst v63  }
.LBB2_2:
0x40: {  	s6 =	simm.s32 $0x1  }
0x41: {  	_ =	swait.ge [sflag:s6], $0xA00  }
0x42: {  	[sflag:s6] =	ssyncset.done $0x0  }
0x43: {  	[sflag:s6] =	ssyncadd.s32 $0xFFFFF600  }
0x44: {  	_ =	swait.ge [sflag:s6], $0xA00  }
0x45: {  	[sflag:s6] =	ssyncset.done $0x0  }
0x46: {  	[sflag:s6] =	ssyncadd.s32 $0xFFFFF600  }
0x47: {  	s8 =	smul.u32 $0x190, s7;
	_ =	swait.ge [sflag:s6], $0xA00  }
0x48: {  	[sflag:s6] =	ssyncset.done $0x0  }
0x49: {  	s9 =	simm.s32 $0x50;
	s12 =	sadd.s32 $0x170, s8;
	[sflag:s6] =	ssyncadd.s32 $0xFFFFF600  }
0x4a: {  	[tilespmem:s1], [sflag:$0x5] =	stream.indirect.gather [hbm4b:s3+s9], $0x20, s12, s9, $0xb8;
	[tilespmem:$0x15980] =	vst v63  }
0x4b: {  	s13 =	sadd.s32 $0x2880, s8;
	s31 =	sadd.s32 $0x140, s8  }
0x4c: {  	[tilespmem:s22], [sflag:$0x5] =	stream.indirect.gather [hbm4b:s4+s9], $0x20, s13, s9, $0xb8;
	[tilespmem:$0x15980] =	vst v63  }
0x4d: {  	s10 =	simm.s32 $0x0;
	s16 =	sadd.s32 $0x4F90, s8;
	[dreg:$0xf] =	wrdreg s31  }
0x4e: {  	v4 =	vmov s8;
	[tilespmem:s26], [sflag:$0x5] =	stream.indirect.gather [hbm4b:s4+s9], $0x20, s16, s9, $0xb8;
	[tilespmem:$0x15980] =	vst v63  }
.LBB2_3:
0x4f: {  	s11 =	sshll.u32 s10, $0x4  }
0x50: {  	s6 =	simm.s32 $0x7;
	v5 =	vmov s11  }
0x51: {  	v6 =	vadd.s32 s6, v0;
	v5 =	vshll.u32 v5, $0x5  }
0x52: {  	v11 =	vand.u32 $0x1F, v6;
	v5 =	vor.u32 v1, v5  }
0x53: {  	s9 =	simm.s32 $0x6;
	v6 =	vor.u32 v5, v11  }
0x54: {  	v7 =	vadd.s32 s9, v0  }
0x55: {  	v14 =	vand.u32 $0x1F, v7  }
0x56: {  	s12 =	simm.s32 $0x5;
	v7 =	vor.u32 v5, v14  }
0x57: {  	v8 =	vadd.s32 s12, v0  }
0x58: {  	s13 =	simm.s32 $0x4;
	v15 =	vand.u32 $0x1F, v8;
	v12 =	vld.idx.msk [tilespmem:v6+s17+$0x0], $0xffff  }
0x59: {  	s16 =	simm.s32 $0x3;
	v10 =	vadd.s32 s13, v0;
	v8 =	vor.u32 v5, v15;
	v9 =	vld.idx.msk [tilespmem:v6+s18+$0x0], $0xffff  }
0x5a: {  	v17 =	vand.u32 $0x1F, v10;
	v10 =	vadd.s32 s16, v0;
	v13 =	vld.idx.msk [tilespmem:v6+s19+$0x0], $0xffff  }
0x5b: {  	v20 =	vand.u32 $0x1F, v10;
	v16 =	vld.idx.msk [tilespmem:v7+s17+$0x0], $0xffff  }
0x5c: {  	v10 =	vor.u32 v5, v20;
	v18 =	vld.idx.msk [tilespmem:v7+s18+$0x0], $0xffff  }
0x5d: {  	v19 =	vld.idx.msk [tilespmem:v7+s19+$0x0], $0xffff  }
0x5e: {  	v6 =	vor.u32 v5, v17;
	v21 =	vld.idx.msk [tilespmem:v8+s17+$0x0], $0xffff  }
0x5f: {  	s31 =	simm.s32 $0x2;
	v22 =	vld.idx.msk [tilespmem:v8+s18+$0x0], $0xffff  }
0x60: {  	v7 =	vadd.s32 s31, v0;
	v23 =	vld.idx.msk [tilespmem:v8+s19+$0x0], $0xffff  }
0x61: {  	v29 =	vld.idx.msk [tilespmem:v10+s17+$0x0], $0xffff;
	v24 =	vand.u32 $0x1F, v7  }
0x62: {  	v32 =	vld.idx.msk [tilespmem:v10+s18+$0x0], $0xffff;
	v8 =	vor.u32 v5, v24  }
0x63: {  	s9 =	simm.s32 $0x1;
	v25 =	vld.idx.msk [tilespmem:v6+s17+$0x0], $0xffff  }
0x64: {  	s12 =	simm.s32 $0x0;
	v7 =	vadd.s32 s9, v0;
	v26 =	vld.idx.msk [tilespmem:v6+s18+$0x0], $0xffff  }
0x65: {  	v28 =	vand.u32 $0x1F, v7;
	v27 =	vld.idx.msk [tilespmem:v6+s19+$0x0], $0xffff;
	v6 =	vadd.s32 s12, v0  }
0x66: {  	v34 =	vld.idx.msk [tilespmem:v10+s19+$0x0], $0xffff;
	v7 =	vor.u32 v2, v5;
	v31 =	vor.u32 v5, v28;
	v30 =	vand.u32 $0x18, v6  }
0x67: {  	v33 =	vor.u32 v7, v30;
	v35 =	vld.idx.msk [tilespmem:v8+s17+$0x0], $0xffff  }
0x68: {  	s16 =	simm.s32 $0xC;
	v36 =	vld.idx.msk [tilespmem:v8+s18+$0x0], $0xffff  }
0x69: {  	v37 =	vimm.f32 $0.0e+00;
	s13 =	simm.s32 $0xE;
	v40 =	vadd.s32 s16, v0;
	v38 =	vld.idx.msk [tilespmem:v8+s19+$0x0], $0xffff  }
0x6a: {  	s16 =	simm.s32 $0xA;
	s31 =	simm.s32 $0xB;
	v10 =	vadd.s32 s13, v0;
	s13 =	simm.s32 $0xD;
	v22 =	vadd.f32 v22, v21;
	v23 =	vadd.f32 v23, v21;
	v21 =	vld.idx.msk [tilespmem:v28+s2+$0x0], $0xffff  }
0x6b: {  	v45 =	vadd.s32 s16, v0;
	v39 =	vadd.s32 s31, v0;
	v42 =	vadd.s32 s13, v0;
	s12 =	simm.s32 $0xF;
	v41 =	vld.idx.msk [tilespmem:v31+s17+$0x0], $0xffff  }
0x6c: {  	v49 =	vadd.f32 v18, v16;
	v6 =	vadd.s32 s12, v0;
	v30 =	vor.u32 v2, v30;
	v44 =	vld.idx.msk [tilespmem:v33+s17+$0x0], $0xffff  }
0x6d: {  	v50 =	vadd.f32 v13, v12;
	v13 =	vand.u32 $0x1F, v45;
	v6 =	vand.u32 $0x1F, v6;
	v47 =	vld.idx.msk [tilespmem:v33+s18+$0x0], $0xffff  }
0x6e: {  	v8 =	vand.u32 $0x1F, v10;
	v10 =	vand.u32 $0x1F, v40;
	v40 =	vadd.f32 v9, v12;
	v33 =	vld.idx.msk [tilespmem:v33+s19+$0x0], $0xffff  }
0x6f: {  	v9 =	vand.u32 $0x1F, v42;
	v12 =	vand.u32 $0x1F, v39;
	v28 =	vadd.f32 v32, v29;
	v18 =	vld.idx.msk [tilespmem:v31+s19+$0x0], $0xffff  }
0x70: {  	v29 =	vadd.f32 v34, v29;
	v22 =	vmax.f32 v22, $0.0e+00;
	v48 =	vor.u32 v5, v6;
	v63 =	vld.idx.msk [tilespmem:v31+s18+$0x0], $0xffff  }
0x71: {  	v31 =	vadd.f32 v19, v16;
	v54 =	vor.u32 v5, v10;
	v26 =	vadd.f32 v26, v25;
	v19 =	vld.idx.msk [tilespmem:v30+s2+$0x0], $0xffff  }
0x72: {  	v16 =	vor.u32 v5, v12;
	v25 =	vadd.f32 v27, v25;
	v52 =	vadd.f32 v36, v35  }
0x73: {  	v53 =	vld.idx.msk [tilespmem:v11+s2+$0x0], $0xffff;
	v28 =	vmax.f32 v28, $0.0e+00;
	v11 =	vadd.f32 v47, v44;
	v33 =	vadd.f32 v33, v44  }
0x74: {  	v24 =	vld.idx.msk [tilespmem:v24+s2+$0x0], $0xffff;
	v30 =	vor.u32 v5, v8;
	v35 =	vadd.f32 v38, v35;
	v18 =	vadd.f32 v18, v41  }
0x75: {  	v56 =	vld.idx.msk [tilespmem:v14+s2+$0x0], $0xffff;
	v55 =	vadd.f32 v63, v41;
	v14 =	vmax.f32 v11, $0.0e+00;
	v33 =	vmax.f32 v33, $0.0e+00  }
0x76: {  	v20 =	vld.idx.msk [tilespmem:v20+s2+$0x0], $0xffff;
	v18 =	vmax.f32 v18, $0.0e+00;
	v14 =	vmul.f32 v19, v14;
	v19 =	vmul.f32 v33, v19  }
0x77: {  	v58 =	vld.idx.msk [tilespmem:v17+s2+$0x0], $0xffff;
	v32 =	vmax.f32 v52, $0.0e+00;
	v57 =	vmax.f32 v55, $0.0e+00;
	v18 =	vmul.f32 v18, v21  }
0x78: {  	v60 =	vld.idx.msk [tilespmem:v15+s2+$0x0], $0xffff;
	v33 =	vmul.f32 v21, v57;
	v59 =	vadd.f32 v14, v37;
	v19 =	vadd.f32 v19, v37  }
0x79: {  	v27 =	vor.u32 v5, v9;
	v17 =	vld.idx.msk [tilespmem:v48+s18+$0x0], $0xffff;
	v32 =	vmul.f32 v24, v32;
	v21 =	vmax.f32 v35, $0.0e+00  }
0x7a: {  	v15 =	vld.idx.msk [tilespmem:v30+s17+$0x0], $0xffff;
	v33 =	vadd.f32 v33, v59;
	v18 =	vadd.f32 v18, v19;
	v19 =	vmul.f32 v21, v24  }
0x7b: {  	v26 =	vmax.f32 v26, $0.0e+00;
	v11 =	vld.idx.msk [tilespmem:v48+s17+$0x0], $0xffff;
	v24 =	vmul.f32 v20, v28;
	v28 =	vmax.f32 v29, $0.0e+00  }
0x7c: {  	v21 =	vld.idx.msk [tilespmem:v30+s18+$0x0], $0xffff;
	v20 =	vmul.f32 v28, v20;
	v29 =	vadd.f32 v32, v33;
	v61 =	vadd.f32 v19, v18  }
0x7d: {  	v18 =	vld.idx.msk [tilespmem:v30+s19+$0x0], $0xffff;
	v30 =	vmul.f32 v60, v22;
	v22 =	vmax.f32 v23, $0.0e+00;
	v23 =	vmax.f32 v49, $0.0e+00  }
0x7e: {  	v25 =	vmax.f32 v25, $0.0e+00;
	v26 =	vmul.f32 v58, v26;
	v19 =	vld.idx.msk [tilespmem:v27+s17+$0x0], $0xffff;
	v62 =	vmul.f32 v56, v23  }
0x7f: {  	v24 =	vadd.f32 v24, v29;
	v28 =	vadd.f32 v20, v61;
	v29 =	vmul.f32 v25, v58;
	v25 =	vld.idx.msk [tilespmem:v27+s18+$0x0], $0xffff  }
0x80: {  	v23 =	vmax.f32 v31, $0.0e+00;
	v31 =	vmax.f32 v40, $0.0e+00;
	v20 =	vld.idx.msk [tilespmem:v27+s19+$0x0], $0xffff;
	v27 =	vmul.f32 v22, v60  }
0x81: {  	v14 =	vld.idx.msk [tilespmem:v48+s19+$0x0], $0xffff;
	v63 =	vmul.f32 v23, v56;
	v24 =	vadd.f32 v26, v24;
	v26 =	vadd.f32 v29, v28  }
0x82: {  	v22 =	vld.idx.msk [tilespmem:v54+s17+$0x0], $0xffff;
	v23 =	vor.u32 v5, v13;
	v34 =	vmul.f32 v53, v31;
	v31 =	vmax.f32 v50, $0.0e+00  }
0x83: {  	s9 =	simm.s32 $0x9;
	s31 =	simm.s32 $0x8;
	v33 =	vmul.f32 v31, v53;
	v31 =	vld.idx.msk [tilespmem:v16+s18+$0x0], $0xffff;
	v30 =	vadd.f32 v30, v24;
	v27 =	vadd.f32 v27, v26  }
0x84: {  	v43 =	vadd.s32 s9, v0;
	v46 =	vadd.s32 s31, v0;
	v28 =	vld.idx.msk [tilespmem:v54+s18+$0x0], $0xffff  }
0x85: {  	v29 =	vand.u32 $0x1F, v43;
	v24 =	vld.idx.msk [tilespmem:v54+s19+$0x0], $0xffff;
	v35 =	vadd.f32 v62, v30;
	v32 =	vadd.f32 v63, v27  }
0x86: {  	s6 =	simm.s32 $0x17;
	v26 =	vld.idx.msk [tilespmem:v16+s17+$0x0], $0xffff;
	v27 =	vand.u32 $0x18, v46;
	v30 =	vor.u32 v5, v29  }
.LBB2_4:
0x87: {  	p0 =	sne.s32 s6, $0x1F;
	v36 =	vor.u32 v7, v27;
	v16 =	vld.idx.msk [tilespmem:v16+s19+$0x0], $0xffff;
	v34 =	vadd.f32 v34, v35;
	v32 =	vadd.f32 v33, v32  }
0x88: {  	v33 =	vld.idx.msk [tilespmem:v23+s17+$0x0], $0xffff  }
0x89: {  	s9 =	sadd.s32 $0xFFFFFFFF, s6;
	v35 =	vadd.s32 s6, v0;
	v37 =	vld.idx.msk [tilespmem:v23+s18+$0x0], $0xffff  }
0x8a: {  	s12 =	sadd.s32 $0xFFFFFFFC, s6;
	s16 =	sadd.s32 $0xFFFFFFFD, s6;
	s31 =	sadd.s32 $0xFFFFFFFE, s6;
	v38 =	vadd.s32 s9, v0;
	v35 =	vand.u32 $0x1F, v35;
	v39 =	vld.idx.msk [tilespmem:v23+s19+$0x0], $0xffff  }
0x8b: {  	s13 =	sadd.s32 $0xFFFFFFFB, s6;
	s9 =	sadd.s32 $0xFFFFFFFA, s6;
	v40 =	vadd.s32 s16, v0;
	v41 =	vadd.s32 s31, v0;
	v23 =	vadd.s32 s12, v0;
	v42 =	vld.idx.msk [tilespmem:v30+s17+$0x0], $0xffff  }
0x8c: {  	v46 =	vor.u32 v2, v27;
	v44 =	vadd.s32 s13, v0;
	v43 =	vadd.s32 s9, v0;
	s12 =	sadd.s32 $0xFFFFFFF9, s6;
	v45 =	vld.idx.msk [tilespmem:v36+s17+$0x0], $0xffff  }
0x8d: {  	v38 =	vand.u32 $0x1F, v38;
	v47 =	vor.u32 v5, v35;
	v27 =	vadd.s32 s12, v0;
	v48 =	vld.idx.msk [tilespmem:v36+s18+$0x0], $0xffff  }
0x8e: {  	v49 =	vadd.f32 v17, v11;
	v40 =	vand.u32 $0x1F, v40;
	v41 =	vand.u32 $0x1F, v41;
	v36 =	vld.idx.msk [tilespmem:v36+s19+$0x0], $0xffff  }
0x8f: {  	v51 =	vadd.f32 v21, v15;
	v52 =	vadd.f32 v14, v11;
	v17 =	vand.u32 $0x1F, v23;
	v50 =	vld.idx.msk [tilespmem:v30+s18+$0x0], $0xffff  }
0x90: {  	v25 =	vadd.f32 v25, v19;
	v14 =	vand.u32 $0x1F, v44;
	v11 =	vld.idx.msk [tilespmem:v30+s19+$0x0], $0xffff;
	v30 =	vadd.f32 v18, v15  }
0x91: {  	v20 =	vadd.f32 v20, v19;
	v21 =	vadd.f32 v28, v22;
	v18 =	vor.u32 v5, v38;
	v15 =	vld.idx.msk [tilespmem:v46+s2+$0x0], $0xffff  }
0x92: {  	v22 =	vadd.f32 v24, v22;
	v28 =	vor.u32 v5, v41;
	v19 =	vld.idx.msk [tilespmem:v29+s2+$0x0], $0xffff;
	v29 =	vadd.f32 v31, v26  }
0x93: {  	v24 =	vor.u32 v5, v40;
	v31 =	vadd.f32 v37, v33;
	v26 =	vadd.f32 v16, v26;
	v37 =	vld.idx.msk [tilespmem:v6+s2+$0x0], $0xffff  }
0x94: {  	v16 =	vor.u32 v5, v17;
	v48 =	vadd.f32 v48, v45;
	v36 =	vadd.f32 v36, v45;
	v44 =	vld.idx.msk [tilespmem:v13+s2+$0x0], $0xffff  }
0x95: {  	v23 =	vor.u32 v5, v14;
	v33 =	vadd.f32 v39, v33;
	v50 =	vadd.f32 v50, v42;
	v39 =	vld.idx.msk [tilespmem:v8+s2+$0x0], $0xffff  }
0x96: {  	v6 =	vmovc v35;
	v45 =	vmax.f32 v48, $0.0e+00;
	v36 =	vmax.f32 v36, $0.0e+00;
	v42 =	vadd.f32 v11, v42;
	v8 =	vmovc v38;
	v46 =	vld.idx.msk [tilespmem:v12+s2+$0x0], $0xffff  }
0x97: {  	v35 =	vmul.f32 v15, v45;
	v15 =	vmul.f32 v36, v15;
	v45 =	vmax.f32 v50, $0.0e+00;
	v12 =	vmovc v17;
	v11 =	vld.idx.msk [tilespmem:v47+s17+$0x0], $0xffff  }
0x98: {  	v31 =	vmax.f32 v31, $0.0e+00;
	v13 =	vmovc v14;
	v36 =	vmul.f32 v19, v45;
	v38 =	vmax.f32 v42, $0.0e+00;
	v42 =	vld.idx.msk [tilespmem:v10+s2+$0x0], $0xffff;
	v10 =	vmovc v40  }
0x99: {  	v34 =	vadd.f32 v35, v34;
	v15 =	vadd.f32 v15, v32;
	v19 =	vmul.f32 v38, v19;
	v17 =	vld.idx.msk [tilespmem:v47+s18+$0x0], $0xffff  }
0x9a: {  	v29 =	vmax.f32 v29, $0.0e+00;
	v32 =	vmax.f32 v33, $0.0e+00;
	v31 =	vmul.f32 v44, v31;
	v33 =	vld.idx.msk [tilespmem:v9+s2+$0x0], $0xffff;
	v9 =	vmovc v41  }
0x9b: {  	v32 =	vmul.f32 v32, v44;
	v34 =	vadd.f32 v36, v34;
	v19 =	vadd.f32 v19, v15;
	v14 =	vld.idx.msk [tilespmem:v47+s19+$0x0], $0xffff  }
0x9c: {  	v26 =	vmax.f32 v26, $0.0e+00;
	v35 =	vmax.f32 v21, $0.0e+00;
	v29 =	vmul.f32 v46, v29;
	v15 =	vld.idx.msk [tilespmem:v18+s17+$0x0], $0xffff  }
0x9d: {  	v26 =	vmul.f32 v26, v46;
	v31 =	vadd.f32 v31, v34;
	v32 =	vadd.f32 v32, v19;
	v21 =	vld.idx.msk [tilespmem:v18+s18+$0x0], $0xffff  }
0x9e: {  	v22 =	vmax.f32 v22, $0.0e+00;
	v34 =	vmul.f32 v42, v35;
	v35 =	vmax.f32 v25, $0.0e+00;
	v18 =	vld.idx.msk [tilespmem:v18+s19+$0x0], $0xffff  }
0x9f: {  	v22 =	vmul.f32 v22, v42;
	v29 =	vadd.f32 v29, v31;
	v26 =	vadd.f32 v26, v32;
	v19 =	vld.idx.msk [tilespmem:v28+s17+$0x0], $0xffff  }
0xa0: {  	v32 =	vmax.f32 v20, $0.0e+00;
	v31 =	vmul.f32 v33, v35;
	v35 =	vmax.f32 v51, $0.0e+00;
	v25 =	vld.idx.msk [tilespmem:v28+s18+$0x0], $0xffff  }
0xa1: {  	v32 =	vmul.f32 v32, v33;
	v29 =	vadd.f32 v34, v29;
	v26 =	vadd.f32 v22, v26;
	v20 =	vld.idx.msk [tilespmem:v28+s19+$0x0], $0xffff  }
.Ltmp0:
0xa2: {  	v30 =	vmax.f32 v30, $0.0e+00;
	v33 =	vmul.f32 v39, v35;
	v34 =	vmax.f32 v49, $0.0e+00;
	v22 =	vld.idx.msk [tilespmem:v24+s17+$0x0], $0xffff;
	(pc) =	sbr.rel @p0 .LBB2_4-.Ltmp0, $4  }
0xa3: {  	v30 =	vmul.f32 v30, v39;
	v31 =	vadd.f32 v31, v29;
	v32 =	vadd.f32 v32, v26;
	v28 =	vld.idx.msk [tilespmem:v24+s18+$0x0], $0xffff  }
0xa4: {  	v36 =	vmax.f32 v52, $0.0e+00;
	v34 =	vmul.f32 v37, v34;
	v29 =	vand.u32 $0x1F, v43;
	v24 =	vld.idx.msk [tilespmem:v24+s19+$0x0], $0xffff  }
0xa5: {  	v35 =	vadd.f32 v33, v31;
	v32 =	vadd.f32 v30, v32;
	v33 =	vmul.f32 v36, v37;
	v26 =	vld.idx.msk [tilespmem:v16+s17+$0x0], $0xffff  }
0xa6: {  	s6 =	sadd.s32 $0x8, s6;
	v27 =	vand.u32 $0x18, v27;
	v30 =	vor.u32 v5, v29;
	v31 =	vld.idx.msk [tilespmem:v16+s18+$0x0], $0xffff  }
0xa7: {  	v5 =	vor.u32 v7, v27;
	_ =	sdelay $0x3  }
0xa8: {  	v7 =	vld.idx.msk [tilespmem:v23+s17+$0x0], $0xffff;
	v48 =	vor.u32 v2, v27  }
0xa9: {  	v36 =	vld.idx.msk [tilespmem:v5+s17+$0x0], $0xffff  }
0xaa: {  	v37 =	vld.idx.msk [tilespmem:v5+s18+$0x0], $0xffff  }
0xab: {  	v38 =	vld.idx.msk [tilespmem:v30+s17+$0x0], $0xffff  }
0xac: {  	v39 =	vld.idx.msk [tilespmem:v30+s18+$0x0], $0xffff  }
0xad: {  	v27 =	vld.idx.msk [tilespmem:v48+s2+$0x0], $0xffff  }
0xae: {  	v40 =	vld.idx.msk [tilespmem:v23+s18+$0x0], $0xffff  }
0xaf: {  	v29 =	vld.idx.msk [tilespmem:v29+s2+$0x0], $0xffff;
	v37 =	vadd.f32 v37, v36;
	_ =	sdelay $0x1  }
0xb0: {  	v13 =	vld.idx.msk [tilespmem:v13+s2+$0x0], $0xffff;
	v39 =	vadd.f32 v39, v38;
	v37 =	vmax.f32 v37, $0.0e+00  }
0xb1: {  	v34 =	vadd.f32 v34, v35;
	v49 =	vmul.f32 v27, v37  }
0xb2: {  	v12 =	vld.idx.msk [tilespmem:v12+s2+$0x0], $0xffff;
	v50 =	vadd.f32 v40, v7;
	v39 =	vmax.f32 v39, $0.0e+00  }
0xb3: {  	v51 =	vmul.f32 v29, v39;
	v34 =	vadd.f32 v49, v34  }
0xb4: {  	v10 =	vld.idx.msk [tilespmem:v10+s2+$0x0], $0xffff;
	v31 =	vadd.f32 v31, v26;
	v37 =	vmax.f32 v50, $0.0e+00  }
0xb5: {  	v9 =	vld.idx.msk [tilespmem:v9+s2+$0x0], $0xffff;
	v37 =	vmul.f32 v13, v37;
	v34 =	vadd.f32 v51, v34  }
0xb6: {  	v28 =	vadd.f32 v28, v22;
	v5 =	vld.idx.msk [tilespmem:v5+s19+$0x0], $0xffff;
	v31 =	vmax.f32 v31, $0.0e+00  }
0xb7: {  	v52 =	vld.idx.msk [tilespmem:v30+s19+$0x0], $0xffff;
	v31 =	vmul.f32 v12, v31;
	v34 =	vadd.f32 v37, v34  }
0xb8: {  	v25 =	vadd.f32 v25, v19;
	v8 =	vld.idx.msk [tilespmem:v8+s2+$0x0], $0xffff;
	v28 =	vmax.f32 v28, $0.0e+00  }
0xb9: {  	v53 =	vld.idx.msk [tilespmem:v23+s19+$0x0], $0xffff;
	v28 =	vmul.f32 v10, v28;
	v31 =	vadd.f32 v31, v34  }
0xba: {  	v21 =	vadd.f32 v21, v15;
	v6 =	vld.idx.msk [tilespmem:v6+s2+$0x0], $0xffff;
	v32 =	vadd.f32 v33, v32;
	v25 =	vmax.f32 v25, $0.0e+00  }
0xbb: {  	v25 =	vmul.f32 v9, v25;
	v5 =	vadd.f32 v5, v36;
	v28 =	vadd.f32 v28, v31  }
0xbc: {  	v16 =	vld.idx.msk [tilespmem:v16+s19+$0x0], $0xffff;
	v17 =	vadd.f32 v17, v11;
	v21 =	vmax.f32 v21, $0.0e+00;
	v30 =	vadd.f32 v52, v38  }
0xbd: {  	v21 =	vmul.f32 v8, v21;
	v5 =	vmax.f32 v5, $0.0e+00;
	v25 =	vadd.f32 v25, v28  }
0xbe: {  	v54 =	vld.idx.msk [tilespmem:v3+s2+$0x0], $0xffff;
	v17 =	vmax.f32 v17, $0.0e+00;
	v7 =	vadd.f32 v53, v7;
	v5 =	vmul.f32 v5, v27  }
0xbf: {  	v17 =	vmul.f32 v6, v17;
	v55 =	vmax.f32 v30, $0.0e+00;
	v21 =	vadd.f32 v21, v25  }
0xc0: {  	v56 =	vmul.f32 v55, v29;
	v5 =	vadd.f32 v5, v32  }
0xc1: {  	v16 =	vadd.f32 v16, v26;
	v7 =	vmax.f32 v7, $0.0e+00;
	v17 =	vadd.f32 v17, v21  }
0xc2: {  	v7 =	vmul.f32 v7, v13;
	v5 =	vadd.f32 v56, v5  }
0xc3: {  	v57 =	vadd.f32 v24, v22;
	v16 =	vmax.f32 v16, $0.0e+00;
	v17 =	vadd.f32 v54, v17  }
0xc4: {  	v5 =	vadd.f32 v7, v5;
	v7 =	vmul.f32 v16, v12  }
0xc5: {  	v58 =	vadd.f32 v20, v19;
	v13 =	vmax.f32 v57, $0.0e+00;
	v59 =	vsub.f32 $0.0e+00, v17  }
0xc6: {  	v5 =	vadd.f32 v7, v5;
	v7 =	vmul.f32 v13, v10  }
0xc7: {  	v60 =	vadd.f32 v18, v15;
	v12 =	vmax.f32 v58, $0.0e+00;
	v61 =	vmul.f32 $1.442695020e+00, v59  }
0xc8: {  	v5 =	vadd.f32 v7, v5;
	v7 =	vmul.f32 v12, v9  }
0xc9: {  	v62 =	vadd.f32 v14, v11;
	v10 =	vmax.f32 v60, $0.0e+00;
	(erf) = vpow2.f32 v61  }
0xca: {  	v5 =	vadd.f32 v7, v5;
	v7 =	vmul.f32 v10, v8  }
0xcb: {  	v63 =	vmax.f32 v62, $0.0e+00  }
0xcc: {  	v6 =	vmul.f32 v63, v6;
	v5 =	vadd.f32 v7, v5;
	_ =	sdelay $0x1  }
0xcd: {  	v5 =	vadd.f32 v6, v5;
	_ =	sdelay $0x1  }
0xce: {  	v5 =	vadd.f32 v54, v5;
	_ =	sdelay $0x1  }
0xcf: {  	v5 =	vsub.f32 $0.0e+00, v5;
	v6 =	vpop (erf)  }
0xd0: {  	v6 =	vadd.f32 $1.000000000e+00, v6  }
0xd1: {  	v5 =	vmul.f32 $1.442695020e+00, v5  }
0xd2: {  	(erf) = vrcp.f32 v6  }
0xd3: {  	(erf) = vpow2.f32 v5;
	_ =	sdelay $0x7  }
0xd4: {  	v5 =	vpop (erf)  }
0xd5: {  	v6 =	vpop (erf)  }
0xd6: {  	v6 =	vadd.f32 $1.000000000e+00, v6;
	_ =	sdelay $0x1  }
0xd7: {  	(erf) = vrcp.f32 v6;
	_ =	sdelay $0x3  }
0xd8: {  	s10 =	sadd.s32 $0x1, s10  }
0xd9: {  	p0 =	sne.s32 s10, $0x5  }
.Ltmp1:
0xda: {  	_ = 	snop;
	(pc) =	sbr.rel @p0 .LBB2_3-.Ltmp1, $3  }
0xdb: {  	_ =	sdelay $0x1  }
0xdc: {  	[tilespmem:v4+s11+$0x10B60 ss:$0x1] =	vst.idx.msk $0xffff, v5;
	v5 =	vpop (erf)  }
0xdd: {  	[tilespmem:v4+s11+$0x13270 ss:$0x1] =	vst.idx.msk $0xffff, v5  }
0xde: {  	s6 =	simm.s32 $0x2  }
0xdf: {  	_ =	swait.ge [sflag:s6], $0xA00  }
0xe0: {  	[sflag:s6] =	ssyncset.done $0x0  }
0xe1: {  	[sflag:s6] =	ssyncadd.s32 $0xFFFFF600  }
0xe2: {  	_ =	swait.ge [sflag:s6], $0xA00  }
0xe3: {  	[sflag:s6] =	ssyncset.done $0x0  }
0xe4: {  	[sflag:s6] =	ssyncadd.s32 $0xFFFFF600  }
0xe5: {  	p0 =	seq.s32 s7, $0x18;
	_ =	swait.ge [sflag:s6], $0xA00  }
0xe6: {  	s9 =	simm.s32 @!p0 $0x50;
	[sflag:s6] =	ssyncset.done $0x0  }
0xe7: {  	s10 =	simm.s32 @!p0 $0x7560;
	[sflag:s6] =	ssyncadd.s32 $0xFFFFF600;
	s6 =	sadd.s32 @!p0 $0x1C0, s8  }
0xe8: {  	[tilespmem:s10], [sflag:$0x1] =	stream.indirect.gather @!p0 [hbm4b:s3+s9], $0x20, s6, s9, $0xb8;
	[tilespmem:$0x15980] =	vst v63  }
0xe9: {  	s6 =	sadd.s32 @!p0 $0x28D0, s8;
	s10 =	simm.s32 @!p0 $0x7F60  }
0xea: {  	[tilespmem:s10], [sflag:$0x1] =	stream.indirect.gather @!p0 [hbm4b:s4+s9], $0x20, s6, s9, $0xb8;
	[tilespmem:$0x15980] =	vst v63  }
0xeb: {  	s31 =	sadd.s32 $0x50, s8;
	s6 =	sadd.s32 @!p0 $0x4FE0, s8;
	s10 =	simm.s32 @!p0 $0x8960  }
0xec: {  	[tilespmem:s10], [sflag:$0x1] =	stream.indirect.gather @!p0 [hbm4b:s4+s9], $0x20, s6, s9, $0xb8;
	[tilespmem:$0x15980] =	vst v63  }
0xed: {  	v4 =	vmov s31;
	s10 =	simm.s32 $0x0  }
.LBB2_7:
0xee: {  	s11 =	sshll.u32 s10, $0x4  }
0xef: {  	s6 =	simm.s32 $0x7;
	v5 =	vmov s11  }
0xf0: {  	v6 =	vadd.s32 s6, v0;
	v5 =	vshll.u32 v5, $0x5  }
0xf1: {  	v11 =	vand.u32 $0x1F, v6;
	v5 =	vor.u32 v1, v5  }
0xf2: {  	s31 =	simm.s32 $0x6;
	v6 =	vor.u32 v5, v11  }
0xf3: {  	v7 =	vadd.s32 s31, v0  }
0xf4: {  	v14 =	vand.u32 $0x1F, v7  }
0xf5: {  	s9 =	simm.s32 $0x5;
	v7 =	vor.u32 v5, v14  }
0xf6: {  	v8 =	vadd.s32 s9, v0  }
0xf7: {  	s12 =	simm.s32 $0x4;
	v15 =	vand.u32 $0x1F, v8;
	v12 =	vld.idx.msk [tilespmem:v6+s21+$0x0], $0xffff  }
0xf8: {  	s13 =	simm.s32 $0x3;
	v10 =	vadd.s32 s12, v0;
	v8 =	vor.u32 v5, v15;
	v9 =	vld.idx.msk [tilespmem:v6+s23+$0x0], $0xffff  }
0xf9: {  	v17 =	vand.u32 $0x1F, v10;
	v10 =	vadd.s32 s13, v0;
	v13 =	vld.idx.msk [tilespmem:v6+s25+$0x0], $0xffff  }
0xfa: {  	v20 =	vand.u32 $0x1F, v10;
	v16 =	vld.idx.msk [tilespmem:v7+s21+$0x0], $0xffff  }
0xfb: {  	v10 =	vor.u32 v5, v20;
	v18 =	vld.idx.msk [tilespmem:v7+s23+$0x0], $0xffff  }
0xfc: {  	v19 =	vld.idx.msk [tilespmem:v7+s25+$0x0], $0xffff  }
0xfd: {  	v6 =	vor.u32 v5, v17;
	v21 =	vld.idx.msk [tilespmem:v8+s21+$0x0], $0xffff  }
0xfe: {  	s16 =	simm.s32 $0x2;
	v22 =	vld.idx.msk [tilespmem:v8+s23+$0x0], $0xffff  }
0xff: {  	v7 =	vadd.s32 s16, v0;
	v23 =	vld.idx.msk [tilespmem:v8+s25+$0x0], $0xffff  }
0x100: {  	v29 =	vld.idx.msk [tilespmem:v10+s21+$0x0], $0xffff;
	v24 =	vand.u32 $0x1F, v7  }
0x101: {  	v32 =	vld.idx.msk [tilespmem:v10+s23+$0x0], $0xffff;
	v8 =	vor.u32 v5, v24  }
0x102: {  	s31 =	simm.s32 $0x1;
	v25 =	vld.idx.msk [tilespmem:v6+s21+$0x0], $0xffff  }
0x103: {  	s9 =	simm.s32 $0x0;
	v7 =	vadd.s32 s31, v0;
	v26 =	vld.idx.msk [tilespmem:v6+s23+$0x0], $0xffff  }
0x104: {  	v28 =	vand.u32 $0x1F, v7;
	v27 =	vld.idx.msk [tilespmem:v6+s25+$0x0], $0xffff;
	v6 =	vadd.s32 s9, v0  }
0x105: {  	v34 =	vld.idx.msk [tilespmem:v10+s25+$0x0], $0xffff;
	v7 =	vor.u32 v2, v5;
	v31 =	vor.u32 v5, v28;
	v30 =	vand.u32 $0x18, v6  }
0x106: {  	v33 =	vor.u32 v7, v30;
	v35 =	vld.idx.msk [tilespmem:v8+s21+$0x0], $0xffff  }
0x107: {  	s13 =	simm.s32 $0xE;
	v36 =	vld.idx.msk [tilespmem:v8+s23+$0x0], $0xffff  }
0x108: {  	v37 =	vimm.f32 $0.0e+00;
	s16 =	simm.s32 $0xB;
	v10 =	vadd.s32 s13, v0;
	v38 =	vld.idx.msk [tilespmem:v8+s25+$0x0], $0xffff  }
0x109: {  	s31 =	simm.s32 $0xD;
	v39 =	vadd.s32 s16, v0;
	s16 =	simm.s32 $0xA;
	v22 =	vadd.f32 v22, v21;
	v23 =	vadd.f32 v23, v21;
	v21 =	vld.idx.msk [tilespmem:v28+s2+$0x0], $0xffff  }
0x10a: {  	s12 =	simm.s32 $0xF;
	v42 =	vadd.s32 s31, v0;
	v45 =	vadd.s32 s16, v0;
	v49 =	vadd.f32 v18, v16;
	v41 =	vld.idx.msk [tilespmem:v31+s21+$0x0], $0xffff  }
0x10b: {  	v50 =	vadd.f32 v13, v12;
	v6 =	vadd.s32 s12, v0;
	s12 =	simm.s32 $0xC;
	v30 =	vor.u32 v2, v30;
	v44 =	vld.idx.msk [tilespmem:v33+s21+$0x0], $0xffff  }
0x10c: {  	v13 =	vand.u32 $0x1F, v45;
	v6 =	vand.u32 $0x1F, v6;
	v40 =	vadd.s32 s12, v0;
	v47 =	vld.idx.msk [tilespmem:v33+s23+$0x0], $0xffff  }
0x10d: {  	v8 =	vand.u32 $0x1F, v10;
	v28 =	vadd.f32 v32, v29;
	v29 =	vadd.f32 v34, v29;
	v33 =	vld.idx.msk [tilespmem:v33+s25+$0x0], $0xffff  }
0x10e: {  	v22 =	vmax.f32 v22, $0.0e+00;
	v48 =	vor.u32 v5, v6;
	v10 =	vand.u32 $0x1F, v40;
	v18 =	vld.idx.msk [tilespmem:v31+s25+$0x0], $0xffff  }
0x10f: {  	v40 =	vadd.f32 v9, v12;
	v9 =	vand.u32 $0x1F, v42;
	v63 =	vld.idx.msk [tilespmem:v31+s23+$0x0], $0xffff;
	v12 =	vand.u32 $0x1F, v39  }
0x110: {  	v31 =	vadd.f32 v19, v16;
	v54 =	vor.u32 v5, v10;
	v26 =	vadd.f32 v26, v25;
	v19 =	vld.idx.msk [tilespmem:v30+s2+$0x0], $0xffff  }
0x111: {  	v16 =	vor.u32 v5, v12;
	v25 =	vadd.f32 v27, v25;
	v52 =	vadd.f32 v36, v35  }
0x112: {  	v53 =	vld.idx.msk [tilespmem:v11+s2+$0x0], $0xffff;
	v28 =	vmax.f32 v28, $0.0e+00;
	v11 =	vadd.f32 v47, v44;
	v33 =	vadd.f32 v33, v44  }
0x113: {  	v24 =	vld.idx.msk [tilespmem:v24+s2+$0x0], $0xffff;
	v30 =	vor.u32 v5, v8;
	v35 =	vadd.f32 v38, v35;
	v18 =	vadd.f32 v18, v41  }
0x114: {  	v56 =	vld.idx.msk [tilespmem:v14+s2+$0x0], $0xffff;
	v55 =	vadd.f32 v63, v41;
	v14 =	vmax.f32 v11, $0.0e+00;
	v33 =	vmax.f32 v33, $0.0e+00  }
0x115: {  	v20 =	vld.idx.msk [tilespmem:v20+s2+$0x0], $0xffff;
	v18 =	vmax.f32 v18, $0.0e+00;
	v14 =	vmul.f32 v19, v14;
	v19 =	vmul.f32 v33, v19  }
0x116: {  	v58 =	vld.idx.msk [tilespmem:v17+s2+$0x0], $0xffff;
	v32 =	vmax.f32 v52, $0.0e+00;
	v57 =	vmax.f32 v55, $0.0e+00;
	v18 =	vmul.f32 v18, v21  }
0x117: {  	v60 =	vld.idx.msk [tilespmem:v15+s2+$0x0], $0xffff;
	v33 =	vmul.f32 v21, v57;
	v59 =	vadd.f32 v14, v37;
	v19 =	vadd.f32 v19, v37  }
0x118: {  	v27 =	vor.u32 v5, v9;
	v17 =	vld.idx.msk [tilespmem:v48+s23+$0x0], $0xffff;
	v32 =	vmul.f32 v24, v32;
	v21 =	vmax.f32 v35, $0.0e+00  }
0x119: {  	v15 =	vld.idx.msk [tilespmem:v30+s21+$0x0], $0xffff;
	v33 =	vadd.f32 v33, v59;
	v18 =	vadd.f32 v18, v19;
	v19 =	vmul.f32 v21, v24  }
0x11a: {  	v26 =	vmax.f32 v26, $0.0e+00;
	v11 =	vld.idx.msk [tilespmem:v48+s21+$0x0], $0xffff;
	v24 =	vmul.f32 v20, v28;
	v28 =	vmax.f32 v29, $0.0e+00  }
0x11b: {  	v21 =	vld.idx.msk [tilespmem:v30+s23+$0x0], $0xffff;
	v20 =	vmul.f32 v28, v20;
	v29 =	vadd.f32 v32, v33;
	v61 =	vadd.f32 v19, v18  }
0x11c: {  	v18 =	vld.idx.msk [tilespmem:v30+s25+$0x0], $0xffff;
	v30 =	vmul.f32 v60, v22;
	v22 =	vmax.f32 v23, $0.0e+00;
	v23 =	vmax.f32 v49, $0.0e+00  }
0x11d: {  	v25 =	vmax.f32 v25, $0.0e+00;
	v26 =	vmul.f32 v58, v26;
	v19 =	vld.idx.msk [tilespmem:v27+s21+$0x0], $0xffff;
	v62 =	vmul.f32 v56, v23  }
0x11e: {  	v24 =	vadd.f32 v24, v29;
	v28 =	vadd.f32 v20, v61;
	v29 =	vmul.f32 v25, v58;
	v25 =	vld.idx.msk [tilespmem:v27+s23+$0x0], $0xffff  }
0x11f: {  	v23 =	vmax.f32 v31, $0.0e+00;
	v31 =	vmax.f32 v40, $0.0e+00;
	v20 =	vld.idx.msk [tilespmem:v27+s25+$0x0], $0xffff;
	v27 =	vmul.f32 v22, v60  }
0x120: {  	v14 =	vld.idx.msk [tilespmem:v48+s25+$0x0], $0xffff;
	v63 =	vmul.f32 v23, v56;
	v24 =	vadd.f32 v26, v24;
	v26 =	vadd.f32 v29, v28  }
0x121: {  	v22 =	vld.idx.msk [tilespmem:v54+s21+$0x0], $0xffff;
	v23 =	vor.u32 v5, v13;
	v34 =	vmul.f32 v53, v31;
	v31 =	vmax.f32 v50, $0.0e+00  }
0x122: {  	s13 =	simm.s32 $0x9;
	s31 =	simm.s32 $0x8;
	v33 =	vmul.f32 v31, v53;
	v31 =	vld.idx.msk [tilespmem:v16+s23+$0x0], $0xffff;
	v30 =	vadd.f32 v30, v24;
	v27 =	vadd.f32 v27, v26  }
0x123: {  	v43 =	vadd.s32 s13, v0;
	v46 =	vadd.s32 s31, v0;
	v28 =	vld.idx.msk [tilespmem:v54+s23+$0x0], $0xffff  }
0x124: {  	v29 =	vand.u32 $0x1F, v43;
	v24 =	vld.idx.msk [tilespmem:v54+s25+$0x0], $0xffff;
	v35 =	vadd.f32 v62, v30;
	v32 =	vadd.f32 v63, v27  }
0x125: {  	s6 =	simm.s32 $0x17;
	v26 =	vld.idx.msk [tilespmem:v16+s21+$0x0], $0xffff;
	v27 =	vand.u32 $0x18, v46;
	v30 =	vor.u32 v5, v29  }
.LBB2_8:
0x126: {  	p1 =	sne.s32 s6, $0x1F;
	v36 =	vor.u32 v7, v27;
	v16 =	vld.idx.msk [tilespmem:v16+s25+$0x0], $0xffff;
	v34 =	vadd.f32 v34, v35;
	v32 =	vadd.f32 v33, v32  }
0x127: {  	v33 =	vld.idx.msk [tilespmem:v23+s21+$0x0], $0xffff  }
0x128: {  	s9 =	sadd.s32 $0xFFFFFFFF, s6;
	v35 =	vadd.s32 s6, v0;
	v37 =	vld.idx.msk [tilespmem:v23+s23+$0x0], $0xffff  }
0x129: {  	s12 =	sadd.s32 $0xFFFFFFFC, s6;
	s13 =	sadd.s32 $0xFFFFFFFD, s6;
	s16 =	sadd.s32 $0xFFFFFFFE, s6;
	v38 =	vadd.s32 s9, v0;
	v35 =	vand.u32 $0x1F, v35;
	v39 =	vld.idx.msk [tilespmem:v23+s25+$0x0], $0xffff  }
0x12a: {  	s31 =	sadd.s32 $0xFFFFFFFB, s6;
	s9 =	sadd.s32 $0xFFFFFFFA, s6;
	v40 =	vadd.s32 s13, v0;
	v41 =	vadd.s32 s16, v0;
	v23 =	vadd.s32 s12, v0;
	v42 =	vld.idx.msk [tilespmem:v30+s21+$0x0], $0xffff  }
0x12b: {  	v46 =	vor.u32 v2, v27;
	v44 =	vadd.s32 s31, v0;
	v43 =	vadd.s32 s9, v0;
	s12 =	sadd.s32 $0xFFFFFFF9, s6;
	v45 =	vld.idx.msk [tilespmem:v36+s21+$0x0], $0xffff  }
0x12c: {  	v38 =	vand.u32 $0x1F, v38;
	v47 =	vor.u32 v5, v35;
	v27 =	vadd.s32 s12, v0;
	v48 =	vld.idx.msk [tilespmem:v36+s23+$0x0], $0xffff  }
0x12d: {  	v49 =	vadd.f32 v17, v11;
	v40 =	vand.u32 $0x1F, v40;
	v41 =	vand.u32 $0x1F, v41;
	v36 =	vld.idx.msk [tilespmem:v36+s25+$0x0], $0xffff  }
0x12e: {  	v51 =	vadd.f32 v21, v15;
	v52 =	vadd.f32 v14, v11;
	v17 =	vand.u32 $0x1F, v23;
	v50 =	vld.idx.msk [tilespmem:v30+s23+$0x0], $0xffff  }
0x12f: {  	v25 =	vadd.f32 v25, v19;
	v14 =	vand.u32 $0x1F, v44;
	v11 =	vld.idx.msk [tilespmem:v30+s25+$0x0], $0xffff;
	v30 =	vadd.f32 v18, v15  }
0x130: {  	v20 =	vadd.f32 v20, v19;
	v21 =	vadd.f32 v28, v22;
	v18 =	vor.u32 v5, v38;
	v15 =	vld.idx.msk [tilespmem:v46+s2+$0x0], $0xffff  }
0x131: {  	v22 =	vadd.f32 v24, v22;
	v28 =	vor.u32 v5, v41;
	v19 =	vld.idx.msk [tilespmem:v29+s2+$0x0], $0xffff;
	v29 =	vadd.f32 v31, v26  }
0x132: {  	v24 =	vor.u32 v5, v40;
	v31 =	vadd.f32 v37, v33;
	v26 =	vadd.f32 v16, v26;
	v37 =	vld.idx.msk [tilespmem:v6+s2+$0x0], $0xffff  }
0x133: {  	v16 =	vor.u32 v5, v17;
	v48 =	vadd.f32 v48, v45;
	v36 =	vadd.f32 v36, v45;
	v44 =	vld.idx.msk [tilespmem:v13+s2+$0x0], $0xffff  }
0x134: {  	v23 =	vor.u32 v5, v14;
	v33 =	vadd.f32 v39, v33;
	v50 =	vadd.f32 v50, v42;
	v39 =	vld.idx.msk [tilespmem:v8+s2+$0x0], $0xffff  }
0x135: {  	v6 =	vmovc v35;
	v45 =	vmax.f32 v48, $0.0e+00;
	v36 =	vmax.f32 v36, $0.0e+00;
	v42 =	vadd.f32 v11, v42;
	v8 =	vmovc v38;
	v46 =	vld.idx.msk [tilespmem:v12+s2+$0x0], $0xffff  }
0x136: {  	v35 =	vmul.f32 v15, v45;
	v15 =	vmul.f32 v36, v15;
	v45 =	vmax.f32 v50, $0.0e+00;
	v12 =	vmovc v17;
	v11 =	vld.idx.msk [tilespmem:v47+s21+$0x0], $0xffff  }
0x137: {  	v31 =	vmax.f32 v31, $0.0e+00;
	v13 =	vmovc v14;
	v36 =	vmul.f32 v19, v45;
	v38 =	vmax.f32 v42, $0.0e+00;
	v42 =	vld.idx.msk [tilespmem:v10+s2+$0x0], $0xffff;
	v10 =	vmovc v40  }
0x138: {  	v34 =	vadd.f32 v35, v34;
	v15 =	vadd.f32 v15, v32;
	v19 =	vmul.f32 v38, v19;
	v17 =	vld.idx.msk [tilespmem:v47+s23+$0x0], $0xffff  }
0x139: {  	v29 =	vmax.f32 v29, $0.0e+00;
	v32 =	vmax.f32 v33, $0.0e+00;
	v31 =	vmul.f32 v44, v31;
	v33 =	vld.idx.msk [tilespmem:v9+s2+$0x0], $0xffff;
	v9 =	vmovc v41  }
0x13a: {  	v32 =	vmul.f32 v32, v44;
	v34 =	vadd.f32 v36, v34;
	v19 =	vadd.f32 v19, v15;
	v14 =	vld.idx.msk [tilespmem:v47+s25+$0x0], $0xffff  }
0x13b: {  	v26 =	vmax.f32 v26, $0.0e+00;
	v35 =	vmax.f32 v21, $0.0e+00;
	v29 =	vmul.f32 v46, v29;
	v15 =	vld.idx.msk [tilespmem:v18+s21+$0x0], $0xffff  }
0x13c: {  	v26 =	vmul.f32 v26, v46;
	v31 =	vadd.f32 v31, v34;
	v32 =	vadd.f32 v32, v19;
	v21 =	vld.idx.msk [tilespmem:v18+s23+$0x0], $0xffff  }
0x13d: {  	v22 =	vmax.f32 v22, $0.0e+00;
	v34 =	vmul.f32 v42, v35;
	v35 =	vmax.f32 v25, $0.0e+00;
	v18 =	vld.idx.msk [tilespmem:v18+s25+$0x0], $0xffff  }
0x13e: {  	v22 =	vmul.f32 v22, v42;
	v29 =	vadd.f32 v29, v31;
	v26 =	vadd.f32 v26, v32;
	v19 =	vld.idx.msk [tilespmem:v28+s21+$0x0], $0xffff  }
0x13f: {  	v32 =	vmax.f32 v20, $0.0e+00;
	v31 =	vmul.f32 v33, v35;
	v35 =	vmax.f32 v51, $0.0e+00;
	v25 =	vld.idx.msk [tilespmem:v28+s23+$0x0], $0xffff  }
0x140: {  	v32 =	vmul.f32 v32, v33;
	v29 =	vadd.f32 v34, v29;
	v26 =	vadd.f32 v22, v26;
	v20 =	vld.idx.msk [tilespmem:v28+s25+$0x0], $0xffff  }
.Ltmp2:
0x141: {  	v30 =	vmax.f32 v30, $0.0e+00;
	v33 =	vmul.f32 v39, v35;
	v34 =	vmax.f32 v49, $0.0e+00;
	v22 =	vld.idx.msk [tilespmem:v24+s21+$0x0], $0xffff;
	(pc) =	sbr.rel @p1 .LBB2_8-.Ltmp2, $4  }
0x142: {  	v30 =	vmul.f32 v30, v39;
	v31 =	vadd.f32 v31, v29;
	v32 =	vadd.f32 v32, v26;
	v28 =	vld.idx.msk [tilespmem:v24+s23+$0x0], $0xffff  }
0x143: {  	v36 =	vmax.f32 v52, $0.0e+00;
	v34 =	vmul.f32 v37, v34;
	v29 =	vand.u32 $0x1F, v43;
	v24 =	vld.idx.msk [tilespmem:v24+s25+$0x0], $0xffff  }
0x144: {  	v35 =	vadd.f32 v33, v31;
	v32 =	vadd.f32 v30, v32;
	v33 =	vmul.f32 v36, v37;
	v26 =	vld.idx.msk [tilespmem:v16+s21+$0x0], $0xffff  }
0x145: {  	s6 =	sadd.s32 $0x8, s6;
	v27 =	vand.u32 $0x18, v27;
	v30 =	vor.u32 v5, v29;
	v31 =	vld.idx.msk [tilespmem:v16+s23+$0x0], $0xffff  }
0x146: {  	v5 =	vor.u32 v7, v27;
	_ =	sdelay $0x3  }
0x147: {  	v7 =	vld.idx.msk [tilespmem:v23+s21+$0x0], $0xffff;
	v48 =	vor.u32 v2, v27  }
0x148: {  	v36 =	vld.idx.msk [tilespmem:v5+s21+$0x0], $0xffff  }
0x149: {  	v37 =	vld.idx.msk [tilespmem:v5+s23+$0x0], $0xffff  }
0x14a: {  	v38 =	vld.idx.msk [tilespmem:v30+s21+$0x0], $0xffff  }
0x14b: {  	v39 =	vld.idx.msk [tilespmem:v30+s23+$0x0], $0xffff  }
0x14c: {  	v27 =	vld.idx.msk [tilespmem:v48+s2+$0x0], $0xffff  }
0x14d: {  	v40 =	vld.idx.msk [tilespmem:v23+s23+$0x0], $0xffff  }
0x14e: {  	v29 =	vld.idx.msk [tilespmem:v29+s2+$0x0], $0xffff;
	v37 =	vadd.f32 v37, v36;
	_ =	sdelay $0x1  }
0x14f: {  	v13 =	vld.idx.msk [tilespmem:v13+s2+$0x0], $0xffff;
	v39 =	vadd.f32 v39, v38;
	v37 =	vmax.f32 v37, $0.0e+00  }
0x150: {  	v34 =	vadd.f32 v34, v35;
	v49 =	vmul.f32 v27, v37  }
0x151: {  	v12 =	vld.idx.msk [tilespmem:v12+s2+$0x0], $0xffff;
	v50 =	vadd.f32 v40, v7;
	v39 =	vmax.f32 v39, $0.0e+00  }
0x152: {  	v51 =	vmul.f32 v29, v39;
	v34 =	vadd.f32 v49, v34  }
0x153: {  	v10 =	vld.idx.msk [tilespmem:v10+s2+$0x0], $0xffff;
	v31 =	vadd.f32 v31, v26;
	v37 =	vmax.f32 v50, $0.0e+00  }
0x154: {  	v9 =	vld.idx.msk [tilespmem:v9+s2+$0x0], $0xffff;
	v37 =	vmul.f32 v13, v37;
	v34 =	vadd.f32 v51, v34  }
0x155: {  	v28 =	vadd.f32 v28, v22;
	v5 =	vld.idx.msk [tilespmem:v5+s25+$0x0], $0xffff;
	v31 =	vmax.f32 v31, $0.0e+00  }
0x156: {  	v52 =	vld.idx.msk [tilespmem:v30+s25+$0x0], $0xffff;
	v31 =	vmul.f32 v12, v31;
	v34 =	vadd.f32 v37, v34  }
0x157: {  	v25 =	vadd.f32 v25, v19;
	v8 =	vld.idx.msk [tilespmem:v8+s2+$0x0], $0xffff;
	v28 =	vmax.f32 v28, $0.0e+00  }
0x158: {  	v53 =	vld.idx.msk [tilespmem:v23+s25+$0x0], $0xffff;
	v28 =	vmul.f32 v10, v28;
	v31 =	vadd.f32 v31, v34  }
0x159: {  	v21 =	vadd.f32 v21, v15;
	v6 =	vld.idx.msk [tilespmem:v6+s2+$0x0], $0xffff;
	v32 =	vadd.f32 v33, v32;
	v25 =	vmax.f32 v25, $0.0e+00  }
0x15a: {  	v25 =	vmul.f32 v9, v25;
	v5 =	vadd.f32 v5, v36;
	v28 =	vadd.f32 v28, v31  }
0x15b: {  	v16 =	vld.idx.msk [tilespmem:v16+s25+$0x0], $0xffff;
	v17 =	vadd.f32 v17, v11;
	v21 =	vmax.f32 v21, $0.0e+00;
	v30 =	vadd.f32 v52, v38  }
0x15c: {  	v21 =	vmul.f32 v8, v21;
	v5 =	vmax.f32 v5, $0.0e+00;
	v25 =	vadd.f32 v25, v28  }
0x15d: {  	v54 =	vld.idx.msk [tilespmem:v3+s2+$0x0], $0xffff;
	v17 =	vmax.f32 v17, $0.0e+00;
	v7 =	vadd.f32 v53, v7;
	v5 =	vmul.f32 v5, v27  }
0x15e: {  	v17 =	vmul.f32 v6, v17;
	v55 =	vmax.f32 v30, $0.0e+00;
	v21 =	vadd.f32 v21, v25  }
0x15f: {  	v56 =	vmul.f32 v55, v29;
	v5 =	vadd.f32 v5, v32  }
0x160: {  	v16 =	vadd.f32 v16, v26;
	v7 =	vmax.f32 v7, $0.0e+00;
	v17 =	vadd.f32 v17, v21  }
0x161: {  	v7 =	vmul.f32 v7, v13;
	v5 =	vadd.f32 v56, v5  }
0x162: {  	v57 =	vadd.f32 v24, v22;
	v16 =	vmax.f32 v16, $0.0e+00;
	v17 =	vadd.f32 v54, v17  }
0x163: {  	v5 =	vadd.f32 v7, v5;
	v7 =	vmul.f32 v16, v12  }
0x164: {  	v58 =	vadd.f32 v20, v19;
	v13 =	vmax.f32 v57, $0.0e+00;
	v59 =	vsub.f32 $0.0e+00, v17  }
0x165: {  	v5 =	vadd.f32 v7, v5;
	v7 =	vmul.f32 v13, v10  }
0x166: {  	v60 =	vadd.f32 v18, v15;
	v12 =	vmax.f32 v58, $0.0e+00;
	v61 =	vmul.f32 $1.442695020e+00, v59  }
0x167: {  	v5 =	vadd.f32 v7, v5;
	v7 =	vmul.f32 v12, v9  }
0x168: {  	v62 =	vadd.f32 v14, v11;
	v10 =	vmax.f32 v60, $0.0e+00;
	(erf) = vpow2.f32 v61  }
0x169: {  	v5 =	vadd.f32 v7, v5;
	v7 =	vmul.f32 v10, v8  }
0x16a: {  	v63 =	vmax.f32 v62, $0.0e+00  }
0x16b: {  	v6 =	vmul.f32 v63, v6;
	v5 =	vadd.f32 v7, v5;
	_ =	sdelay $0x1  }
0x16c: {  	v5 =	vadd.f32 v6, v5;
	_ =	sdelay $0x1  }
0x16d: {  	v5 =	vadd.f32 v54, v5;
	_ =	sdelay $0x1  }
0x16e: {  	v5 =	vsub.f32 $0.0e+00, v5;
	v6 =	vpop (erf)  }
0x16f: {  	v6 =	vadd.f32 $1.000000000e+00, v6  }
0x170: {  	v5 =	vmul.f32 $1.442695020e+00, v5  }
0x171: {  	(erf) = vrcp.f32 v6  }
0x172: {  	(erf) = vpow2.f32 v5;
	_ =	sdelay $0x7  }
0x173: {  	v5 =	vpop (erf)  }
0x174: {  	v6 =	vpop (erf)  }
0x175: {  	v6 =	vadd.f32 $1.000000000e+00, v6;
	_ =	sdelay $0x1  }
0x176: {  	(erf) = vrcp.f32 v6;
	_ =	sdelay $0x3  }
0x177: {  	s10 =	sadd.s32 $0x1, s10  }
0x178: {  	p1 =	sne.s32 s10, $0x5  }
.Ltmp3:
0x179: {  	_ = 	snop;
	(pc) =	sbr.rel @p1 .LBB2_7-.Ltmp3, $3  }
0x17a: {  	_ =	sdelay $0x1  }
0x17b: {  	[tilespmem:v4+s11+$0x10B60 ss:$0x1] =	vst.idx.msk $0xffff, v5;
	v5 =	vpop (erf)  }
0x17c: {  	[tilespmem:v4+s11+$0x13270 ss:$0x1] =	vst.idx.msk $0xffff, v5  }
0x17d: {  	_ =	swait.ge [sflag:s14], $0xA00  }
0x17e: {  	[sflag:s14] =	ssyncset.done $0x0  }
0x17f: {  	[sflag:s14] =	ssyncadd.s32 $0xFFFFF600  }
0x180: {  	_ =	swait.ge [sflag:s14], $0xA00  }
0x181: {  	[sflag:s14] =	ssyncset.done $0x0  }
0x182: {  	[sflag:s14] =	ssyncadd.s32 $0xFFFFF600  }
0x183: {  	_ =	swait.ge [sflag:s14], $0xA00  }
0x184: {  	s6 =	sadd.s32 @!p0 $0x210, s8;
	[sflag:s14] =	ssyncset.done $0x0  }
0x185: {  	s9 =	simm.s32 @!p0 $0x50;
	s10 =	simm.s32 @!p0 $0x9360;
	[sflag:s14] =	ssyncadd.s32 $0xFFFFF600  }
0x186: {  	[tilespmem:s10], [sflag:$0x2] =	stream.indirect.gather @!p0 [hbm4b:s3+s9], $0x20, s6, s9, $0xb8;
	[tilespmem:$0x15980] =	vst v63  }
0x187: {  	s6 =	sadd.s32 @!p0 $0x2920, s8;
	s10 =	simm.s32 @!p0 $0x9D60  }
0x188: {  	[tilespmem:s10], [sflag:$0x2] =	stream.indirect.gather @!p0 [hbm4b:s4+s9], $0x20, s6, s9, $0xb8;
	[tilespmem:$0x15980] =	vst v63  }
0x189: {  	s31 =	sadd.s32 $0xA0, s8;
	s6 =	sadd.s32 @!p0 $0x5030, s8;
	s10 =	simm.s32 @!p0 $0xA760  }
0x18a: {  	[tilespmem:s10], [sflag:$0x2] =	stream.indirect.gather @!p0 [hbm4b:s4+s9], $0x20, s6, s9, $0xb8;
	[tilespmem:$0x15980] =	vst v63  }
0x18b: {  	v4 =	vmov s31;
	s10 =	simm.s32 $0x0  }
.LBB2_11:
0x18c: {  	s11 =	sshll.u32 s10, $0x4  }
0x18d: {  	s6 =	simm.s32 $0x7;
	v5 =	vmov s11  }
0x18e: {  	v6 =	vadd.s32 s6, v0;
	v5 =	vshll.u32 v5, $0x5  }
0x18f: {  	v11 =	vand.u32 $0x1F, v6;
	v5 =	vor.u32 v1, v5  }
0x190: {  	s31 =	simm.s32 $0x6;
	v6 =	vor.u32 v5, v11  }
0x191: {  	v7 =	vadd.s32 s31, v0  }
0x192: {  	v14 =	vand.u32 $0x1F, v7  }
0x193: {  	s9 =	simm.s32 $0x5;
	v7 =	vor.u32 v5, v14  }
0x194: {  	v8 =	vadd.s32 s9, v0  }
0x195: {  	s12 =	simm.s32 $0x4;
	v15 =	vand.u32 $0x1F, v8;
	v12 =	vld.idx.msk [tilespmem:v6+s28+$0x0], $0xffff  }
0x196: {  	s13 =	simm.s32 $0x3;
	v10 =	vadd.s32 s12, v0;
	v8 =	vor.u32 v5, v15;
	v9 =	vld.idx.msk [tilespmem:v6+s30+$0x0], $0xffff  }
0x197: {  	v17 =	vand.u32 $0x1F, v10;
	v10 =	vadd.s32 s13, v0;
	v13 =	vld.idx.msk [tilespmem:v6+s0+$0x0], $0xffff  }
0x198: {  	v20 =	vand.u32 $0x1F, v10;
	v16 =	vld.idx.msk [tilespmem:v7+s28+$0x0], $0xffff  }
0x199: {  	v10 =	vor.u32 v5, v20;
	v18 =	vld.idx.msk [tilespmem:v7+s30+$0x0], $0xffff  }
0x19a: {  	v19 =	vld.idx.msk [tilespmem:v7+s0+$0x0], $0xffff  }
0x19b: {  	v6 =	vor.u32 v5, v17;
	v21 =	vld.idx.msk [tilespmem:v8+s28+$0x0], $0xffff  }
0x19c: {  	s16 =	simm.s32 $0x2;
	v22 =	vld.idx.msk [tilespmem:v8+s30+$0x0], $0xffff  }
0x19d: {  	v7 =	vadd.s32 s16, v0;
	v23 =	vld.idx.msk [tilespmem:v8+s0+$0x0], $0xffff  }
0x19e: {  	v29 =	vld.idx.msk [tilespmem:v10+s28+$0x0], $0xffff;
	v24 =	vand.u32 $0x1F, v7  }
0x19f: {  	v32 =	vld.idx.msk [tilespmem:v10+s30+$0x0], $0xffff;
	v8 =	vor.u32 v5, v24  }
0x1a0: {  	s31 =	simm.s32 $0x1;
	v25 =	vld.idx.msk [tilespmem:v6+s28+$0x0], $0xffff  }
0x1a1: {  	s9 =	simm.s32 $0x0;
	v7 =	vadd.s32 s31, v0;
	v26 =	vld.idx.msk [tilespmem:v6+s30+$0x0], $0xffff  }
0x1a2: {  	v28 =	vand.u32 $0x1F, v7;
	v27 =	vld.idx.msk [tilespmem:v6+s0+$0x0], $0xffff;
	v6 =	vadd.s32 s9, v0  }
0x1a3: {  	v34 =	vld.idx.msk [tilespmem:v10+s0+$0x0], $0xffff;
	v7 =	vor.u32 v2, v5;
	v31 =	vor.u32 v5, v28;
	v30 =	vand.u32 $0x18, v6  }
0x1a4: {  	v33 =	vor.u32 v7, v30;
	v35 =	vld.idx.msk [tilespmem:v8+s28+$0x0], $0xffff  }
0x1a5: {  	s13 =	simm.s32 $0xE;
	v36 =	vld.idx.msk [tilespmem:v8+s30+$0x0], $0xffff  }
0x1a6: {  	v37 =	vimm.f32 $0.0e+00;
	s16 =	simm.s32 $0xB;
	v10 =	vadd.s32 s13, v0;
	v38 =	vld.idx.msk [tilespmem:v8+s0+$0x0], $0xffff  }
0x1a7: {  	s31 =	simm.s32 $0xD;
	v39 =	vadd.s32 s16, v0;
	s16 =	simm.s32 $0xA;
	v22 =	vadd.f32 v22, v21;
	v23 =	vadd.f32 v23, v21;
	v21 =	vld.idx.msk [tilespmem:v28+s2+$0x0], $0xffff  }
0x1a8: {  	s12 =	simm.s32 $0xF;
	v42 =	vadd.s32 s31, v0;
	v45 =	vadd.s32 s16, v0;
	v49 =	vadd.f32 v18, v16;
	v41 =	vld.idx.msk [tilespmem:v31+s28+$0x0], $0xffff  }
0x1a9: {  	v50 =	vadd.f32 v13, v12;
	v6 =	vadd.s32 s12, v0;
	s12 =	simm.s32 $0xC;
	v30 =	vor.u32 v2, v30;
	v44 =	vld.idx.msk [tilespmem:v33+s28+$0x0], $0xffff  }
0x1aa: {  	v13 =	vand.u32 $0x1F, v45;
	v6 =	vand.u32 $0x1F, v6;
	v40 =	vadd.s32 s12, v0;
	v47 =	vld.idx.msk [tilespmem:v33+s30+$0x0], $0xffff  }
0x1ab: {  	v8 =	vand.u32 $0x1F, v10;
	v28 =	vadd.f32 v32, v29;
	v29 =	vadd.f32 v34, v29;
	v33 =	vld.idx.msk [tilespmem:v33+s0+$0x0], $0xffff  }
0x1ac: {  	v22 =	vmax.f32 v22, $0.0e+00;
	v48 =	vor.u32 v5, v6;
	v10 =	vand.u32 $0x1F, v40;
	v18 =	vld.idx.msk [tilespmem:v31+s0+$0x0], $0xffff  }
0x1ad: {  	v40 =	vadd.f32 v9, v12;
	v9 =	vand.u32 $0x1F, v42;
	v63 =	vld.idx.msk [tilespmem:v31+s30+$0x0], $0xffff;
	v12 =	vand.u32 $0x1F, v39  }
0x1ae: {  	v31 =	vadd.f32 v19, v16;
	v54 =	vor.u32 v5, v10;
	v26 =	vadd.f32 v26, v25;
	v19 =	vld.idx.msk [tilespmem:v30+s2+$0x0], $0xffff  }
0x1af: {  	v16 =	vor.u32 v5, v12;
	v25 =	vadd.f32 v27, v25;
	v52 =	vadd.f32 v36, v35  }
0x1b0: {  	v53 =	vld.idx.msk [tilespmem:v11+s2+$0x0], $0xffff;
	v28 =	vmax.f32 v28, $0.0e+00;
	v11 =	vadd.f32 v47, v44;
	v33 =	vadd.f32 v33, v44  }
0x1b1: {  	v24 =	vld.idx.msk [tilespmem:v24+s2+$0x0], $0xffff;
	v30 =	vor.u32 v5, v8;
	v35 =	vadd.f32 v38, v35;
	v18 =	vadd.f32 v18, v41  }
0x1b2: {  	v56 =	vld.idx.msk [tilespmem:v14+s2+$0x0], $0xffff;
	v55 =	vadd.f32 v63, v41;
	v14 =	vmax.f32 v11, $0.0e+00;
	v33 =	vmax.f32 v33, $0.0e+00  }
0x1b3: {  	v20 =	vld.idx.msk [tilespmem:v20+s2+$0x0], $0xffff;
	v18 =	vmax.f32 v18, $0.0e+00;
	v14 =	vmul.f32 v19, v14;
	v19 =	vmul.f32 v33, v19  }
0x1b4: {  	v58 =	vld.idx.msk [tilespmem:v17+s2+$0x0], $0xffff;
	v32 =	vmax.f32 v52, $0.0e+00;
	v57 =	vmax.f32 v55, $0.0e+00;
	v18 =	vmul.f32 v18, v21  }
0x1b5: {  	v60 =	vld.idx.msk [tilespmem:v15+s2+$0x0], $0xffff;
	v33 =	vmul.f32 v21, v57;
	v59 =	vadd.f32 v14, v37;
	v19 =	vadd.f32 v19, v37  }
0x1b6: {  	v27 =	vor.u32 v5, v9;
	v17 =	vld.idx.msk [tilespmem:v48+s30+$0x0], $0xffff;
	v32 =	vmul.f32 v24, v32;
	v21 =	vmax.f32 v35, $0.0e+00  }
0x1b7: {  	v15 =	vld.idx.msk [tilespmem:v30+s28+$0x0], $0xffff;
	v33 =	vadd.f32 v33, v59;
	v18 =	vadd.f32 v18, v19;
	v19 =	vmul.f32 v21, v24  }
0x1b8: {  	v26 =	vmax.f32 v26, $0.0e+00;
	v11 =	vld.idx.msk [tilespmem:v48+s28+$0x0], $0xffff;
	v24 =	vmul.f32 v20, v28;
	v28 =	vmax.f32 v29, $0.0e+00  }
0x1b9: {  	v21 =	vld.idx.msk [tilespmem:v30+s30+$0x0], $0xffff;
	v20 =	vmul.f32 v28, v20;
	v29 =	vadd.f32 v32, v33;
	v61 =	vadd.f32 v19, v18  }
0x1ba: {  	v18 =	vld.idx.msk [tilespmem:v30+s0+$0x0], $0xffff;
	v30 =	vmul.f32 v60, v22;
	v22 =	vmax.f32 v23, $0.0e+00;
	v23 =	vmax.f32 v49, $0.0e+00  }
0x1bb: {  	v25 =	vmax.f32 v25, $0.0e+00;
	v26 =	vmul.f32 v58, v26;
	v19 =	vld.idx.msk [tilespmem:v27+s28+$0x0], $0xffff;
	v62 =	vmul.f32 v56, v23  }
0x1bc: {  	v24 =	vadd.f32 v24, v29;
	v28 =	vadd.f32 v20, v61;
	v29 =	vmul.f32 v25, v58;
	v25 =	vld.idx.msk [tilespmem:v27+s30+$0x0], $0xffff  }
0x1bd: {  	v23 =	vmax.f32 v31, $0.0e+00;
	v31 =	vmax.f32 v40, $0.0e+00;
	v20 =	vld.idx.msk [tilespmem:v27+s0+$0x0], $0xffff;
	v27 =	vmul.f32 v22, v60  }
0x1be: {  	v14 =	vld.idx.msk [tilespmem:v48+s0+$0x0], $0xffff;
	v63 =	vmul.f32 v23, v56;
	v24 =	vadd.f32 v26, v24;
	v26 =	vadd.f32 v29, v28  }
0x1bf: {  	v22 =	vld.idx.msk [tilespmem:v54+s28+$0x0], $0xffff;
	v23 =	vor.u32 v5, v13;
	v34 =	vmul.f32 v53, v31;
	v31 =	vmax.f32 v50, $0.0e+00  }
0x1c0: {  	s13 =	simm.s32 $0x9;
	s31 =	simm.s32 $0x8;
	v33 =	vmul.f32 v31, v53;
	v31 =	vld.idx.msk [tilespmem:v16+s30+$0x0], $0xffff;
	v30 =	vadd.f32 v30, v24;
	v27 =	vadd.f32 v27, v26  }
0x1c1: {  	v43 =	vadd.s32 s13, v0;
	v46 =	vadd.s32 s31, v0;
	v28 =	vld.idx.msk [tilespmem:v54+s30+$0x0], $0xffff  }
0x1c2: {  	v29 =	vand.u32 $0x1F, v43;
	v24 =	vld.idx.msk [tilespmem:v54+s0+$0x0], $0xffff;
	v35 =	vadd.f32 v62, v30;
	v32 =	vadd.f32 v63, v27  }
0x1c3: {  	s6 =	simm.s32 $0x17;
	v26 =	vld.idx.msk [tilespmem:v16+s28+$0x0], $0xffff;
	v27 =	vand.u32 $0x18, v46;
	v30 =	vor.u32 v5, v29  }
.LBB2_12:
0x1c4: {  	p1 =	sne.s32 s6, $0x1F;
	v36 =	vor.u32 v7, v27;
	v16 =	vld.idx.msk [tilespmem:v16+s0+$0x0], $0xffff;
	v34 =	vadd.f32 v34, v35;
	v32 =	vadd.f32 v33, v32  }
0x1c5: {  	v33 =	vld.idx.msk [tilespmem:v23+s28+$0x0], $0xffff  }
0x1c6: {  	s9 =	sadd.s32 $0xFFFFFFFF, s6;
	v35 =	vadd.s32 s6, v0;
	v37 =	vld.idx.msk [tilespmem:v23+s30+$0x0], $0xffff  }
0x1c7: {  	s12 =	sadd.s32 $0xFFFFFFFC, s6;
	s13 =	sadd.s32 $0xFFFFFFFD, s6;
	s16 =	sadd.s32 $0xFFFFFFFE, s6;
	v38 =	vadd.s32 s9, v0;
	v35 =	vand.u32 $0x1F, v35;
	v39 =	vld.idx.msk [tilespmem:v23+s0+$0x0], $0xffff  }
0x1c8: {  	s31 =	sadd.s32 $0xFFFFFFFB, s6;
	s9 =	sadd.s32 $0xFFFFFFFA, s6;
	v40 =	vadd.s32 s13, v0;
	v41 =	vadd.s32 s16, v0;
	v23 =	vadd.s32 s12, v0;
	v42 =	vld.idx.msk [tilespmem:v30+s28+$0x0], $0xffff  }
0x1c9: {  	v46 =	vor.u32 v2, v27;
	v44 =	vadd.s32 s31, v0;
	v43 =	vadd.s32 s9, v0;
	s12 =	sadd.s32 $0xFFFFFFF9, s6;
	v45 =	vld.idx.msk [tilespmem:v36+s28+$0x0], $0xffff  }
0x1ca: {  	v38 =	vand.u32 $0x1F, v38;
	v47 =	vor.u32 v5, v35;
	v27 =	vadd.s32 s12, v0;
	v48 =	vld.idx.msk [tilespmem:v36+s30+$0x0], $0xffff  }
0x1cb: {  	v49 =	vadd.f32 v17, v11;
	v40 =	vand.u32 $0x1F, v40;
	v41 =	vand.u32 $0x1F, v41;
	v36 =	vld.idx.msk [tilespmem:v36+s0+$0x0], $0xffff  }
0x1cc: {  	v51 =	vadd.f32 v21, v15;
	v52 =	vadd.f32 v14, v11;
	v17 =	vand.u32 $0x1F, v23;
	v50 =	vld.idx.msk [tilespmem:v30+s30+$0x0], $0xffff  }
0x1cd: {  	v25 =	vadd.f32 v25, v19;
	v14 =	vand.u32 $0x1F, v44;
	v11 =	vld.idx.msk [tilespmem:v30+s0+$0x0], $0xffff;
	v30 =	vadd.f32 v18, v15  }
0x1ce: {  	v20 =	vadd.f32 v20, v19;
	v21 =	vadd.f32 v28, v22;
	v18 =	vor.u32 v5, v38;
	v15 =	vld.idx.msk [tilespmem:v46+s2+$0x0], $0xffff  }
0x1cf: {  	v22 =	vadd.f32 v24, v22;
	v28 =	vor.u32 v5, v41;
	v19 =	vld.idx.msk [tilespmem:v29+s2+$0x0], $0xffff;
	v29 =	vadd.f32 v31, v26  }
0x1d0: {  	v24 =	vor.u32 v5, v40;
	v31 =	vadd.f32 v37, v33;
	v26 =	vadd.f32 v16, v26;
	v37 =	vld.idx.msk [tilespmem:v6+s2+$0x0], $0xffff  }
0x1d1: {  	v16 =	vor.u32 v5, v17;
	v48 =	vadd.f32 v48, v45;
	v36 =	vadd.f32 v36, v45;
	v44 =	vld.idx.msk [tilespmem:v13+s2+$0x0], $0xffff  }
0x1d2: {  	v23 =	vor.u32 v5, v14;
	v33 =	vadd.f32 v39, v33;
	v50 =	vadd.f32 v50, v42;
	v39 =	vld.idx.msk [tilespmem:v8+s2+$0x0], $0xffff  }
0x1d3: {  	v6 =	vmovc v35;
	v45 =	vmax.f32 v48, $0.0e+00;
	v36 =	vmax.f32 v36, $0.0e+00;
	v42 =	vadd.f32 v11, v42;
	v8 =	vmovc v38;
	v46 =	vld.idx.msk [tilespmem:v12+s2+$0x0], $0xffff  }
0x1d4: {  	v35 =	vmul.f32 v15, v45;
	v15 =	vmul.f32 v36, v15;
	v45 =	vmax.f32 v50, $0.0e+00;
	v12 =	vmovc v17;
	v11 =	vld.idx.msk [tilespmem:v47+s28+$0x0], $0xffff  }
0x1d5: {  	v31 =	vmax.f32 v31, $0.0e+00;
	v13 =	vmovc v14;
	v36 =	vmul.f32 v19, v45;
	v38 =	vmax.f32 v42, $0.0e+00;
	v42 =	vld.idx.msk [tilespmem:v10+s2+$0x0], $0xffff;
	v10 =	vmovc v40  }
0x1d6: {  	v34 =	vadd.f32 v35, v34;
	v15 =	vadd.f32 v15, v32;
	v19 =	vmul.f32 v38, v19;
	v17 =	vld.idx.msk [tilespmem:v47+s30+$0x0], $0xffff  }
0x1d7: {  	v29 =	vmax.f32 v29, $0.0e+00;
	v32 =	vmax.f32 v33, $0.0e+00;
	v31 =	vmul.f32 v44, v31;
	v33 =	vld.idx.msk [tilespmem:v9+s2+$0x0], $0xffff;
	v9 =	vmovc v41  }
0x1d8: {  	v32 =	vmul.f32 v32, v44;
	v34 =	vadd.f32 v36, v34;
	v19 =	vadd.f32 v19, v15;
	v14 =	vld.idx.msk [tilespmem:v47+s0+$0x0], $0xffff  }
0x1d9: {  	v26 =	vmax.f32 v26, $0.0e+00;
	v35 =	vmax.f32 v21, $0.0e+00;
	v29 =	vmul.f32 v46, v29;
	v15 =	vld.idx.msk [tilespmem:v18+s28+$0x0], $0xffff  }
0x1da: {  	v26 =	vmul.f32 v26, v46;
	v31 =	vadd.f32 v31, v34;
	v32 =	vadd.f32 v32, v19;
	v21 =	vld.idx.msk [tilespmem:v18+s30+$0x0], $0xffff  }
0x1db: {  	v22 =	vmax.f32 v22, $0.0e+00;
	v34 =	vmul.f32 v42, v35;
	v35 =	vmax.f32 v25, $0.0e+00;
	v18 =	vld.idx.msk [tilespmem:v18+s0+$0x0], $0xffff  }
0x1dc: {  	v22 =	vmul.f32 v22, v42;
	v29 =	vadd.f32 v29, v31;
	v26 =	vadd.f32 v26, v32;
	v19 =	vld.idx.msk [tilespmem:v28+s28+$0x0], $0xffff  }
0x1dd: {  	v32 =	vmax.f32 v20, $0.0e+00;
	v31 =	vmul.f32 v33, v35;
	v35 =	vmax.f32 v51, $0.0e+00;
	v25 =	vld.idx.msk [tilespmem:v28+s30+$0x0], $0xffff  }
0x1de: {  	v32 =	vmul.f32 v32, v33;
	v29 =	vadd.f32 v34, v29;
	v26 =	vadd.f32 v22, v26;
	v20 =	vld.idx.msk [tilespmem:v28+s0+$0x0], $0xffff  }
.Ltmp4:
0x1df: {  	v30 =	vmax.f32 v30, $0.0e+00;
	v33 =	vmul.f32 v39, v35;
	v34 =	vmax.f32 v49, $0.0e+00;
	v22 =	vld.idx.msk [tilespmem:v24+s28+$0x0], $0xffff;
	(pc) =	sbr.rel @p1 .LBB2_12-.Ltmp4, $4  }
0x1e0: {  	v30 =	vmul.f32 v30, v39;
	v31 =	vadd.f32 v31, v29;
	v32 =	vadd.f32 v32, v26;
	v28 =	vld.idx.msk [tilespmem:v24+s30+$0x0], $0xffff  }
0x1e1: {  	v36 =	vmax.f32 v52, $0.0e+00;
	v34 =	vmul.f32 v37, v34;
	v29 =	vand.u32 $0x1F, v43;
	v24 =	vld.idx.msk [tilespmem:v24+s0+$0x0], $0xffff  }
0x1e2: {  	v35 =	vadd.f32 v33, v31;
	v32 =	vadd.f32 v30, v32;
	v33 =	vmul.f32 v36, v37;
	v26 =	vld.idx.msk [tilespmem:v16+s28+$0x0], $0xffff  }
0x1e3: {  	s6 =	sadd.s32 $0x8, s6;
	v27 =	vand.u32 $0x18, v27;
	v30 =	vor.u32 v5, v29;
	v31 =	vld.idx.msk [tilespmem:v16+s30+$0x0], $0xffff  }
0x1e4: {  	v5 =	vor.u32 v7, v27;
	_ =	sdelay $0x3  }
0x1e5: {  	v7 =	vld.idx.msk [tilespmem:v23+s28+$0x0], $0xffff;
	v48 =	vor.u32 v2, v27  }
0x1e6: {  	v36 =	vld.idx.msk [tilespmem:v5+s28+$0x0], $0xffff  }
0x1e7: {  	v37 =	vld.idx.msk [tilespmem:v5+s30+$0x0], $0xffff  }
0x1e8: {  	v38 =	vld.idx.msk [tilespmem:v30+s28+$0x0], $0xffff  }
0x1e9: {  	v39 =	vld.idx.msk [tilespmem:v30+s30+$0x0], $0xffff  }
0x1ea: {  	v27 =	vld.idx.msk [tilespmem:v48+s2+$0x0], $0xffff  }
0x1eb: {  	v40 =	vld.idx.msk [tilespmem:v23+s30+$0x0], $0xffff  }
0x1ec: {  	v29 =	vld.idx.msk [tilespmem:v29+s2+$0x0], $0xffff;
	v37 =	vadd.f32 v37, v36;
	_ =	sdelay $0x1  }
0x1ed: {  	v13 =	vld.idx.msk [tilespmem:v13+s2+$0x0], $0xffff;
	v39 =	vadd.f32 v39, v38;
	v37 =	vmax.f32 v37, $0.0e+00  }
0x1ee: {  	v34 =	vadd.f32 v34, v35;
	v49 =	vmul.f32 v27, v37  }
0x1ef: {  	v12 =	vld.idx.msk [tilespmem:v12+s2+$0x0], $0xffff;
	v50 =	vadd.f32 v40, v7;
	v39 =	vmax.f32 v39, $0.0e+00  }
0x1f0: {  	v51 =	vmul.f32 v29, v39;
	v34 =	vadd.f32 v49, v34  }
0x1f1: {  	v10 =	vld.idx.msk [tilespmem:v10+s2+$0x0], $0xffff;
	v31 =	vadd.f32 v31, v26;
	v37 =	vmax.f32 v50, $0.0e+00  }
0x1f2: {  	v9 =	vld.idx.msk [tilespmem:v9+s2+$0x0], $0xffff;
	v37 =	vmul.f32 v13, v37;
	v34 =	vadd.f32 v51, v34  }
0x1f3: {  	v28 =	vadd.f32 v28, v22;
	v5 =	vld.idx.msk [tilespmem:v5+s0+$0x0], $0xffff;
	v31 =	vmax.f32 v31, $0.0e+00  }
0x1f4: {  	v52 =	vld.idx.msk [tilespmem:v30+s0+$0x0], $0xffff;
	v31 =	vmul.f32 v12, v31;
	v34 =	vadd.f32 v37, v34  }
0x1f5: {  	v25 =	vadd.f32 v25, v19;
	v8 =	vld.idx.msk [tilespmem:v8+s2+$0x0], $0xffff;
	v28 =	vmax.f32 v28, $0.0e+00  }
0x1f6: {  	v53 =	vld.idx.msk [tilespmem:v23+s0+$0x0], $0xffff;
	v28 =	vmul.f32 v10, v28;
	v31 =	vadd.f32 v31, v34  }
0x1f7: {  	v21 =	vadd.f32 v21, v15;
	v6 =	vld.idx.msk [tilespmem:v6+s2+$0x0], $0xffff;
	v32 =	vadd.f32 v33, v32;
	v25 =	vmax.f32 v25, $0.0e+00  }
0x1f8: {  	v25 =	vmul.f32 v9, v25;
	v5 =	vadd.f32 v5, v36;
	v28 =	vadd.f32 v28, v31  }
0x1f9: {  	v16 =	vld.idx.msk [tilespmem:v16+s0+$0x0], $0xffff;
	v17 =	vadd.f32 v17, v11;
	v21 =	vmax.f32 v21, $0.0e+00;
	v30 =	vadd.f32 v52, v38  }
0x1fa: {  	v21 =	vmul.f32 v8, v21;
	v5 =	vmax.f32 v5, $0.0e+00;
	v25 =	vadd.f32 v25, v28  }
0x1fb: {  	v54 =	vld.idx.msk [tilespmem:v3+s2+$0x0], $0xffff;
	v17 =	vmax.f32 v17, $0.0e+00;
	v7 =	vadd.f32 v53, v7;
	v5 =	vmul.f32 v5, v27  }
0x1fc: {  	v17 =	vmul.f32 v6, v17;
	v55 =	vmax.f32 v30, $0.0e+00;
	v21 =	vadd.f32 v21, v25  }
0x1fd: {  	v56 =	vmul.f32 v55, v29;
	v5 =	vadd.f32 v5, v32  }
0x1fe: {  	v16 =	vadd.f32 v16, v26;
	v7 =	vmax.f32 v7, $0.0e+00;
	v17 =	vadd.f32 v17, v21  }
0x1ff: {  	v7 =	vmul.f32 v7, v13;
	v5 =	vadd.f32 v56, v5  }
0x200: {  	v57 =	vadd.f32 v24, v22;
	v16 =	vmax.f32 v16, $0.0e+00;
	v17 =	vadd.f32 v54, v17  }
0x201: {  	v5 =	vadd.f32 v7, v5;
	v7 =	vmul.f32 v16, v12  }
0x202: {  	v58 =	vadd.f32 v20, v19;
	v13 =	vmax.f32 v57, $0.0e+00;
	v59 =	vsub.f32 $0.0e+00, v17  }
0x203: {  	v5 =	vadd.f32 v7, v5;
	v7 =	vmul.f32 v13, v10  }
0x204: {  	v60 =	vadd.f32 v18, v15;
	v12 =	vmax.f32 v58, $0.0e+00;
	v61 =	vmul.f32 $1.442695020e+00, v59  }
0x205: {  	v5 =	vadd.f32 v7, v5;
	v7 =	vmul.f32 v12, v9  }
0x206: {  	v62 =	vadd.f32 v14, v11;
	v10 =	vmax.f32 v60, $0.0e+00;
	(erf) = vpow2.f32 v61  }
0x207: {  	v5 =	vadd.f32 v7, v5;
	v7 =	vmul.f32 v10, v8  }
0x208: {  	v63 =	vmax.f32 v62, $0.0e+00  }
0x209: {  	v6 =	vmul.f32 v63, v6;
	v5 =	vadd.f32 v7, v5;
	_ =	sdelay $0x1  }
0x20a: {  	v5 =	vadd.f32 v6, v5;
	_ =	sdelay $0x1  }
0x20b: {  	v5 =	vadd.f32 v54, v5;
	_ =	sdelay $0x1  }
0x20c: {  	v5 =	vsub.f32 $0.0e+00, v5;
	v6 =	vpop (erf)  }
0x20d: {  	v6 =	vadd.f32 $1.000000000e+00, v6  }
0x20e: {  	v5 =	vmul.f32 $1.442695020e+00, v5  }
0x20f: {  	(erf) = vrcp.f32 v6  }
0x210: {  	(erf) = vpow2.f32 v5;
	_ =	sdelay $0x7  }
0x211: {  	v5 =	vpop (erf)  }
0x212: {  	v6 =	vpop (erf)  }
0x213: {  	v6 =	vadd.f32 $1.000000000e+00, v6;
	_ =	sdelay $0x1  }
0x214: {  	(erf) = vrcp.f32 v6;
	_ =	sdelay $0x3  }
0x215: {  	s10 =	sadd.s32 $0x1, s10  }
0x216: {  	p1 =	sne.s32 s10, $0x5  }
.Ltmp5:
0x217: {  	_ = 	snop;
	(pc) =	sbr.rel @p1 .LBB2_11-.Ltmp5, $3  }
0x218: {  	_ =	sdelay $0x1  }
0x219: {  	[tilespmem:v4+s11+$0x10B60 ss:$0x1] =	vst.idx.msk $0xffff, v5;
	v5 =	vpop (erf)  }
0x21a: {  	[tilespmem:v4+s11+$0x13270 ss:$0x1] =	vst.idx.msk $0xffff, v5  }
0x21b: {  	_ =	swait.ge [sflag:s15], $0xA00  }
0x21c: {  	[sflag:s15] =	ssyncset.done $0x0  }
0x21d: {  	[sflag:s15] =	ssyncadd.s32 $0xFFFFF600  }
0x21e: {  	_ =	swait.ge [sflag:s15], $0xA00  }
0x21f: {  	[sflag:s15] =	ssyncset.done $0x0  }
0x220: {  	[sflag:s15] =	ssyncadd.s32 $0xFFFFF600  }
0x221: {  	_ =	swait.ge [sflag:s15], $0xA00  }
0x222: {  	s6 =	sadd.s32 @!p0 $0x260, s8;
	[sflag:s15] =	ssyncset.done $0x0  }
0x223: {  	s9 =	simm.s32 @!p0 $0x50;
	s10 =	simm.s32 @!p0 $0xB160;
	[sflag:s15] =	ssyncadd.s32 $0xFFFFF600  }
0x224: {  	[tilespmem:s10], [sflag:$0x3] =	stream.indirect.gather @!p0 [hbm4b:s3+s9], $0x20, s6, s9, $0xb8;
	[tilespmem:$0x15980] =	vst v63  }
0x225: {  	s6 =	sadd.s32 @!p0 $0x2970, s8;
	s10 =	simm.s32 @!p0 $0xBB60  }
0x226: {  	[tilespmem:s10], [sflag:$0x3] =	stream.indirect.gather @!p0 [hbm4b:s4+s9], $0x20, s6, s9, $0xb8;
	[tilespmem:$0x15980] =	vst v63  }
0x227: {  	s31 =	sadd.s32 $0xF0, s8;
	s6 =	sadd.s32 @!p0 $0x5080, s8;
	s10 =	simm.s32 @!p0 $0xC560  }
0x228: {  	[tilespmem:s10], [sflag:$0x3] =	stream.indirect.gather @!p0 [hbm4b:s4+s9], $0x20, s6, s9, $0xb8;
	[tilespmem:$0x15980] =	vst v63  }
0x229: {  	v4 =	vmov s31;
	s10 =	simm.s32 $0x0  }
.LBB2_15:
0x22a: {  	s11 =	sshll.u32 s10, $0x4  }
0x22b: {  	s6 =	simm.s32 $0x7;
	v5 =	vmov s11  }
0x22c: {  	v6 =	vadd.s32 s6, v0;
	v5 =	vshll.u32 v5, $0x5  }
0x22d: {  	v11 =	vand.u32 $0x1F, v6;
	v5 =	vor.u32 v1, v5  }
0x22e: {  	s31 =	simm.s32 $0x6;
	v6 =	vor.u32 v5, v11  }
0x22f: {  	v7 =	vadd.s32 s31, v0  }
0x230: {  	v14 =	vand.u32 $0x1F, v7  }
0x231: {  	s9 =	simm.s32 $0x5;
	v7 =	vor.u32 v5, v14  }
0x232: {  	v8 =	vadd.s32 s9, v0  }
0x233: {  	s12 =	simm.s32 $0x4;
	v15 =	vand.u32 $0x1F, v8;
	v12 =	vld.idx.msk [tilespmem:v6+s20+$0x0], $0xffff  }
0x234: {  	s13 =	simm.s32 $0x3;
	v10 =	vadd.s32 s12, v0;
	v8 =	vor.u32 v5, v15;
	v9 =	vld.idx.msk [tilespmem:v6+s24+$0x0], $0xffff  }
0x235: {  	v17 =	vand.u32 $0x1F, v10;
	v10 =	vadd.s32 s13, v0;
	v13 =	vld.idx.msk [tilespmem:v6+s29+$0x0], $0xffff  }
0x236: {  	v20 =	vand.u32 $0x1F, v10;
	v16 =	vld.idx.msk [tilespmem:v7+s20+$0x0], $0xffff  }
0x237: {  	v10 =	vor.u32 v5, v20;
	v18 =	vld.idx.msk [tilespmem:v7+s24+$0x0], $0xffff  }
0x238: {  	v19 =	vld.idx.msk [tilespmem:v7+s29+$0x0], $0xffff  }
0x239: {  	v6 =	vor.u32 v5, v17;
	v21 =	vld.idx.msk [tilespmem:v8+s20+$0x0], $0xffff  }
0x23a: {  	s16 =	simm.s32 $0x2;
	v22 =	vld.idx.msk [tilespmem:v8+s24+$0x0], $0xffff  }
0x23b: {  	v7 =	vadd.s32 s16, v0;
	v23 =	vld.idx.msk [tilespmem:v8+s29+$0x0], $0xffff  }
0x23c: {  	v29 =	vld.idx.msk [tilespmem:v10+s20+$0x0], $0xffff;
	v24 =	vand.u32 $0x1F, v7  }
0x23d: {  	v32 =	vld.idx.msk [tilespmem:v10+s24+$0x0], $0xffff;
	v8 =	vor.u32 v5, v24  }
0x23e: {  	s31 =	simm.s32 $0x1;
	v25 =	vld.idx.msk [tilespmem:v6+s20+$0x0], $0xffff  }
0x23f: {  	s9 =	simm.s32 $0x0;
	v7 =	vadd.s32 s31, v0;
	v26 =	vld.idx.msk [tilespmem:v6+s24+$0x0], $0xffff  }
0x240: {  	v28 =	vand.u32 $0x1F, v7;
	v27 =	vld.idx.msk [tilespmem:v6+s29+$0x0], $0xffff;
	v6 =	vadd.s32 s9, v0  }
0x241: {  	v34 =	vld.idx.msk [tilespmem:v10+s29+$0x0], $0xffff;
	v7 =	vor.u32 v2, v5;
	v31 =	vor.u32 v5, v28;
	v30 =	vand.u32 $0x18, v6  }
0x242: {  	v33 =	vor.u32 v7, v30;
	v35 =	vld.idx.msk [tilespmem:v8+s20+$0x0], $0xffff  }
0x243: {  	s13 =	simm.s32 $0xE;
	v36 =	vld.idx.msk [tilespmem:v8+s24+$0x0], $0xffff  }
0x244: {  	v37 =	vimm.f32 $0.0e+00;
	s16 =	simm.s32 $0xB;
	v10 =	vadd.s32 s13, v0;
	v38 =	vld.idx.msk [tilespmem:v8+s29+$0x0], $0xffff  }
0x245: {  	s31 =	simm.s32 $0xD;
	v39 =	vadd.s32 s16, v0;
	s16 =	simm.s32 $0xA;
	v22 =	vadd.f32 v22, v21;
	v23 =	vadd.f32 v23, v21;
	v21 =	vld.idx.msk [tilespmem:v28+s2+$0x0], $0xffff  }
0x246: {  	s12 =	simm.s32 $0xF;
	v42 =	vadd.s32 s31, v0;
	v45 =	vadd.s32 s16, v0;
	v49 =	vadd.f32 v18, v16;
	v41 =	vld.idx.msk [tilespmem:v31+s20+$0x0], $0xffff  }
0x247: {  	v50 =	vadd.f32 v13, v12;
	v6 =	vadd.s32 s12, v0;
	s12 =	simm.s32 $0xC;
	v30 =	vor.u32 v2, v30;
	v44 =	vld.idx.msk [tilespmem:v33+s20+$0x0], $0xffff  }
0x248: {  	v13 =	vand.u32 $0x1F, v45;
	v6 =	vand.u32 $0x1F, v6;
	v40 =	vadd.s32 s12, v0;
	v47 =	vld.idx.msk [tilespmem:v33+s24+$0x0], $0xffff  }
0x249: {  	v8 =	vand.u32 $0x1F, v10;
	v28 =	vadd.f32 v32, v29;
	v29 =	vadd.f32 v34, v29;
	v33 =	vld.idx.msk [tilespmem:v33+s29+$0x0], $0xffff  }
0x24a: {  	v22 =	vmax.f32 v22, $0.0e+00;
	v48 =	vor.u32 v5, v6;
	v10 =	vand.u32 $0x1F, v40;
	v18 =	vld.idx.msk [tilespmem:v31+s29+$0x0], $0xffff  }
0x24b: {  	v40 =	vadd.f32 v9, v12;
	v9 =	vand.u32 $0x1F, v42;
	v63 =	vld.idx.msk [tilespmem:v31+s24+$0x0], $0xffff;
	v12 =	vand.u32 $0x1F, v39  }
0x24c: {  	v31 =	vadd.f32 v19, v16;
	v54 =	vor.u32 v5, v10;
	v26 =	vadd.f32 v26, v25;
	v19 =	vld.idx.msk [tilespmem:v30+s2+$0x0], $0xffff  }
0x24d: {  	v16 =	vor.u32 v5, v12;
	v25 =	vadd.f32 v27, v25;
	v52 =	vadd.f32 v36, v35  }
0x24e: {  	v53 =	vld.idx.msk [tilespmem:v11+s2+$0x0], $0xffff;
	v28 =	vmax.f32 v28, $0.0e+00;
	v11 =	vadd.f32 v47, v44;
	v33 =	vadd.f32 v33, v44  }
0x24f: {  	v24 =	vld.idx.msk [tilespmem:v24+s2+$0x0], $0xffff;
	v30 =	vor.u32 v5, v8;
	v35 =	vadd.f32 v38, v35;
	v18 =	vadd.f32 v18, v41  }
0x250: {  	v56 =	vld.idx.msk [tilespmem:v14+s2+$0x0], $0xffff;
	v55 =	vadd.f32 v63, v41;
	v14 =	vmax.f32 v11, $0.0e+00;
	v33 =	vmax.f32 v33, $0.0e+00  }
0x251: {  	v20 =	vld.idx.msk [tilespmem:v20+s2+$0x0], $0xffff;
	v18 =	vmax.f32 v18, $0.0e+00;
	v14 =	vmul.f32 v19, v14;
	v19 =	vmul.f32 v33, v19  }
0x252: {  	v58 =	vld.idx.msk [tilespmem:v17+s2+$0x0], $0xffff;
	v32 =	vmax.f32 v52, $0.0e+00;
	v57 =	vmax.f32 v55, $0.0e+00;
	v18 =	vmul.f32 v18, v21  }
0x253: {  	v60 =	vld.idx.msk [tilespmem:v15+s2+$0x0], $0xffff;
	v33 =	vmul.f32 v21, v57;
	v59 =	vadd.f32 v14, v37;
	v19 =	vadd.f32 v19, v37  }
0x254: {  	v27 =	vor.u32 v5, v9;
	v17 =	vld.idx.msk [tilespmem:v48+s24+$0x0], $0xffff;
	v32 =	vmul.f32 v24, v32;
	v21 =	vmax.f32 v35, $0.0e+00  }
0x255: {  	v15 =	vld.idx.msk [tilespmem:v30+s20+$0x0], $0xffff;
	v33 =	vadd.f32 v33, v59;
	v18 =	vadd.f32 v18, v19;
	v19 =	vmul.f32 v21, v24  }
0x256: {  	v26 =	vmax.f32 v26, $0.0e+00;
	v11 =	vld.idx.msk [tilespmem:v48+s20+$0x0], $0xffff;
	v24 =	vmul.f32 v20, v28;
	v28 =	vmax.f32 v29, $0.0e+00  }
0x257: {  	v21 =	vld.idx.msk [tilespmem:v30+s24+$0x0], $0xffff;
	v20 =	vmul.f32 v28, v20;
	v29 =	vadd.f32 v32, v33;
	v61 =	vadd.f32 v19, v18  }
0x258: {  	v18 =	vld.idx.msk [tilespmem:v30+s29+$0x0], $0xffff;
	v30 =	vmul.f32 v60, v22;
	v22 =	vmax.f32 v23, $0.0e+00;
	v23 =	vmax.f32 v49, $0.0e+00  }
0x259: {  	v25 =	vmax.f32 v25, $0.0e+00;
	v26 =	vmul.f32 v58, v26;
	v19 =	vld.idx.msk [tilespmem:v27+s20+$0x0], $0xffff;
	v62 =	vmul.f32 v56, v23  }
0x25a: {  	v24 =	vadd.f32 v24, v29;
	v28 =	vadd.f32 v20, v61;
	v29 =	vmul.f32 v25, v58;
	v25 =	vld.idx.msk [tilespmem:v27+s24+$0x0], $0xffff  }
0x25b: {  	v23 =	vmax.f32 v31, $0.0e+00;
	v31 =	vmax.f32 v40, $0.0e+00;
	v20 =	vld.idx.msk [tilespmem:v27+s29+$0x0], $0xffff;
	v27 =	vmul.f32 v22, v60  }
0x25c: {  	v14 =	vld.idx.msk [tilespmem:v48+s29+$0x0], $0xffff;
	v63 =	vmul.f32 v23, v56;
	v24 =	vadd.f32 v26, v24;
	v26 =	vadd.f32 v29, v28  }
0x25d: {  	v22 =	vld.idx.msk [tilespmem:v54+s20+$0x0], $0xffff;
	v23 =	vor.u32 v5, v13;
	v34 =	vmul.f32 v53, v31;
	v31 =	vmax.f32 v50, $0.0e+00  }
0x25e: {  	s13 =	simm.s32 $0x9;
	s31 =	simm.s32 $0x8;
	v33 =	vmul.f32 v31, v53;
	v31 =	vld.idx.msk [tilespmem:v16+s24+$0x0], $0xffff;
	v30 =	vadd.f32 v30, v24;
	v27 =	vadd.f32 v27, v26  }
0x25f: {  	v43 =	vadd.s32 s13, v0;
	v46 =	vadd.s32 s31, v0;
	v28 =	vld.idx.msk [tilespmem:v54+s24+$0x0], $0xffff  }
0x260: {  	v29 =	vand.u32 $0x1F, v43;
	v24 =	vld.idx.msk [tilespmem:v54+s29+$0x0], $0xffff;
	v35 =	vadd.f32 v62, v30;
	v32 =	vadd.f32 v63, v27  }
0x261: {  	s6 =	simm.s32 $0x17;
	v26 =	vld.idx.msk [tilespmem:v16+s20+$0x0], $0xffff;
	v27 =	vand.u32 $0x18, v46;
	v30 =	vor.u32 v5, v29  }
.LBB2_16:
0x262: {  	p1 =	sne.s32 s6, $0x1F;
	v36 =	vor.u32 v7, v27;
	v16 =	vld.idx.msk [tilespmem:v16+s29+$0x0], $0xffff;
	v34 =	vadd.f32 v34, v35;
	v32 =	vadd.f32 v33, v32  }
0x263: {  	v33 =	vld.idx.msk [tilespmem:v23+s20+$0x0], $0xffff  }
0x264: {  	s9 =	sadd.s32 $0xFFFFFFFF, s6;
	v35 =	vadd.s32 s6, v0;
	v37 =	vld.idx.msk [tilespmem:v23+s24+$0x0], $0xffff  }
0x265: {  	s12 =	sadd.s32 $0xFFFFFFFC, s6;
	s13 =	sadd.s32 $0xFFFFFFFD, s6;
	s16 =	sadd.s32 $0xFFFFFFFE, s6;
	v38 =	vadd.s32 s9, v0;
	v35 =	vand.u32 $0x1F, v35;
	v39 =	vld.idx.msk [tilespmem:v23+s29+$0x0], $0xffff  }
0x266: {  	s31 =	sadd.s32 $0xFFFFFFFB, s6;
	s9 =	sadd.s32 $0xFFFFFFFA, s6;
	v40 =	vadd.s32 s13, v0;
	v41 =	vadd.s32 s16, v0;
	v23 =	vadd.s32 s12, v0;
	v42 =	vld.idx.msk [tilespmem:v30+s20+$0x0], $0xffff  }
0x267: {  	v46 =	vor.u32 v2, v27;
	v44 =	vadd.s32 s31, v0;
	v43 =	vadd.s32 s9, v0;
	s12 =	sadd.s32 $0xFFFFFFF9, s6;
	v45 =	vld.idx.msk [tilespmem:v36+s20+$0x0], $0xffff  }
0x268: {  	v38 =	vand.u32 $0x1F, v38;
	v47 =	vor.u32 v5, v35;
	v27 =	vadd.s32 s12, v0;
	v48 =	vld.idx.msk [tilespmem:v36+s24+$0x0], $0xffff  }
0x269: {  	v49 =	vadd.f32 v17, v11;
	v40 =	vand.u32 $0x1F, v40;
	v41 =	vand.u32 $0x1F, v41;
	v36 =	vld.idx.msk [tilespmem:v36+s29+$0x0], $0xffff  }
0x26a: {  	v51 =	vadd.f32 v21, v15;
	v52 =	vadd.f32 v14, v11;
	v17 =	vand.u32 $0x1F, v23;
	v50 =	vld.idx.msk [tilespmem:v30+s24+$0x0], $0xffff  }
0x26b: {  	v25 =	vadd.f32 v25, v19;
	v14 =	vand.u32 $0x1F, v44;
	v11 =	vld.idx.msk [tilespmem:v30+s29+$0x0], $0xffff;
	v30 =	vadd.f32 v18, v15  }
0x26c: {  	v20 =	vadd.f32 v20, v19;
	v21 =	vadd.f32 v28, v22;
	v18 =	vor.u32 v5, v38;
	v15 =	vld.idx.msk [tilespmem:v46+s2+$0x0], $0xffff  }
0x26d: {  	v22 =	vadd.f32 v24, v22;
	v28 =	vor.u32 v5, v41;
	v19 =	vld.idx.msk [tilespmem:v29+s2+$0x0], $0xffff;
	v29 =	vadd.f32 v31, v26  }
0x26e: {  	v24 =	vor.u32 v5, v40;
	v31 =	vadd.f32 v37, v33;
	v26 =	vadd.f32 v16, v26;
	v37 =	vld.idx.msk [tilespmem:v6+s2+$0x0], $0xffff  }
0x26f: {  	v16 =	vor.u32 v5, v17;
	v48 =	vadd.f32 v48, v45;
	v36 =	vadd.f32 v36, v45;
	v44 =	vld.idx.msk [tilespmem:v13+s2+$0x0], $0xffff  }
0x270: {  	v23 =	vor.u32 v5, v14;
	v33 =	vadd.f32 v39, v33;
	v50 =	vadd.f32 v50, v42;
	v39 =	vld.idx.msk [tilespmem:v8+s2+$0x0], $0xffff  }
0x271: {  	v6 =	vmovc v35;
	v45 =	vmax.f32 v48, $0.0e+00;
	v36 =	vmax.f32 v36, $0.0e+00;
	v42 =	vadd.f32 v11, v42;
	v8 =	vmovc v38;
	v46 =	vld.idx.msk [tilespmem:v12+s2+$0x0], $0xffff  }
0x272: {  	v35 =	vmul.f32 v15, v45;
	v15 =	vmul.f32 v36, v15;
	v45 =	vmax.f32 v50, $0.0e+00;
	v12 =	vmovc v17;
	v11 =	vld.idx.msk [tilespmem:v47+s20+$0x0], $0xffff  }
0x273: {  	v31 =	vmax.f32 v31, $0.0e+00;
	v13 =	vmovc v14;
	v36 =	vmul.f32 v19, v45;
	v38 =	vmax.f32 v42, $0.0e+00;
	v42 =	vld.idx.msk [tilespmem:v10+s2+$0x0], $0xffff;
	v10 =	vmovc v40  }
0x274: {  	v34 =	vadd.f32 v35, v34;
	v15 =	vadd.f32 v15, v32;
	v19 =	vmul.f32 v38, v19;
	v17 =	vld.idx.msk [tilespmem:v47+s24+$0x0], $0xffff  }
0x275: {  	v29 =	vmax.f32 v29, $0.0e+00;
	v32 =	vmax.f32 v33, $0.0e+00;
	v31 =	vmul.f32 v44, v31;
	v33 =	vld.idx.msk [tilespmem:v9+s2+$0x0], $0xffff;
	v9 =	vmovc v41  }
0x276: {  	v32 =	vmul.f32 v32, v44;
	v34 =	vadd.f32 v36, v34;
	v19 =	vadd.f32 v19, v15;
	v14 =	vld.idx.msk [tilespmem:v47+s29+$0x0], $0xffff  }
0x277: {  	v26 =	vmax.f32 v26, $0.0e+00;
	v35 =	vmax.f32 v21, $0.0e+00;
	v29 =	vmul.f32 v46, v29;
	v15 =	vld.idx.msk [tilespmem:v18+s20+$0x0], $0xffff  }
0x278: {  	v26 =	vmul.f32 v26, v46;
	v31 =	vadd.f32 v31, v34;
	v32 =	vadd.f32 v32, v19;
	v21 =	vld.idx.msk [tilespmem:v18+s24+$0x0], $0xffff  }
0x279: {  	v22 =	vmax.f32 v22, $0.0e+00;
	v34 =	vmul.f32 v42, v35;
	v35 =	vmax.f32 v25, $0.0e+00;
	v18 =	vld.idx.msk [tilespmem:v18+s29+$0x0], $0xffff  }
0x27a: {  	v22 =	vmul.f32 v22, v42;
	v29 =	vadd.f32 v29, v31;
	v26 =	vadd.f32 v26, v32;
	v19 =	vld.idx.msk [tilespmem:v28+s20+$0x0], $0xffff  }
0x27b: {  	v32 =	vmax.f32 v20, $0.0e+00;
	v31 =	vmul.f32 v33, v35;
	v35 =	vmax.f32 v51, $0.0e+00;
	v25 =	vld.idx.msk [tilespmem:v28+s24+$0x0], $0xffff  }
0x27c: {  	v32 =	vmul.f32 v32, v33;
	v29 =	vadd.f32 v34, v29;
	v26 =	vadd.f32 v22, v26;
	v20 =	vld.idx.msk [tilespmem:v28+s29+$0x0], $0xffff  }
.Ltmp6:
0x27d: {  	v30 =	vmax.f32 v30, $0.0e+00;
	v33 =	vmul.f32 v39, v35;
	v34 =	vmax.f32 v49, $0.0e+00;
	v22 =	vld.idx.msk [tilespmem:v24+s20+$0x0], $0xffff;
	(pc) =	sbr.rel @p1 .LBB2_16-.Ltmp6, $4  }
0x27e: {  	v30 =	vmul.f32 v30, v39;
	v31 =	vadd.f32 v31, v29;
	v32 =	vadd.f32 v32, v26;
	v28 =	vld.idx.msk [tilespmem:v24+s24+$0x0], $0xffff  }
0x27f: {  	v36 =	vmax.f32 v52, $0.0e+00;
	v34 =	vmul.f32 v37, v34;
	v29 =	vand.u32 $0x1F, v43;
	v24 =	vld.idx.msk [tilespmem:v24+s29+$0x0], $0xffff  }
0x280: {  	v35 =	vadd.f32 v33, v31;
	v32 =	vadd.f32 v30, v32;
	v33 =	vmul.f32 v36, v37;
	v26 =	vld.idx.msk [tilespmem:v16+s20+$0x0], $0xffff  }
0x281: {  	s6 =	sadd.s32 $0x8, s6;
	v27 =	vand.u32 $0x18, v27;
	v30 =	vor.u32 v5, v29;
	v31 =	vld.idx.msk [tilespmem:v16+s24+$0x0], $0xffff  }
0x282: {  	v5 =	vor.u32 v7, v27;
	_ =	sdelay $0x3  }
0x283: {  	v7 =	vld.idx.msk [tilespmem:v23+s20+$0x0], $0xffff;
	v48 =	vor.u32 v2, v27  }
0x284: {  	v36 =	vld.idx.msk [tilespmem:v5+s20+$0x0], $0xffff  }
0x285: {  	v37 =	vld.idx.msk [tilespmem:v5+s24+$0x0], $0xffff  }
0x286: {  	v38 =	vld.idx.msk [tilespmem:v30+s20+$0x0], $0xffff  }
0x287: {  	v39 =	vld.idx.msk [tilespmem:v30+s24+$0x0], $0xffff  }
0x288: {  	v27 =	vld.idx.msk [tilespmem:v48+s2+$0x0], $0xffff  }
0x289: {  	v40 =	vld.idx.msk [tilespmem:v23+s24+$0x0], $0xffff  }
0x28a: {  	v29 =	vld.idx.msk [tilespmem:v29+s2+$0x0], $0xffff;
	v37 =	vadd.f32 v37, v36;
	_ =	sdelay $0x1  }
0x28b: {  	v13 =	vld.idx.msk [tilespmem:v13+s2+$0x0], $0xffff;
	v39 =	vadd.f32 v39, v38;
	v37 =	vmax.f32 v37, $0.0e+00  }
0x28c: {  	v34 =	vadd.f32 v34, v35;
	v49 =	vmul.f32 v27, v37  }
0x28d: {  	v12 =	vld.idx.msk [tilespmem:v12+s2+$0x0], $0xffff;
	v50 =	vadd.f32 v40, v7;
	v39 =	vmax.f32 v39, $0.0e+00  }
0x28e: {  	v51 =	vmul.f32 v29, v39;
	v34 =	vadd.f32 v49, v34  }
0x28f: {  	v10 =	vld.idx.msk [tilespmem:v10+s2+$0x0], $0xffff;
	v31 =	vadd.f32 v31, v26;
	v37 =	vmax.f32 v50, $0.0e+00  }
0x290: {  	v9 =	vld.idx.msk [tilespmem:v9+s2+$0x0], $0xffff;
	v37 =	vmul.f32 v13, v37;
	v34 =	vadd.f32 v51, v34  }
0x291: {  	v28 =	vadd.f32 v28, v22;
	v5 =	vld.idx.msk [tilespmem:v5+s29+$0x0], $0xffff;
	v31 =	vmax.f32 v31, $0.0e+00  }
0x292: {  	v52 =	vld.idx.msk [tilespmem:v30+s29+$0x0], $0xffff;
	v31 =	vmul.f32 v12, v31;
	v34 =	vadd.f32 v37, v34  }
0x293: {  	v25 =	vadd.f32 v25, v19;
	v8 =	vld.idx.msk [tilespmem:v8+s2+$0x0], $0xffff;
	v28 =	vmax.f32 v28, $0.0e+00  }
0x294: {  	v53 =	vld.idx.msk [tilespmem:v23+s29+$0x0], $0xffff;
	v28 =	vmul.f32 v10, v28;
	v31 =	vadd.f32 v31, v34  }
0x295: {  	v21 =	vadd.f32 v21, v15;
	v6 =	vld.idx.msk [tilespmem:v6+s2+$0x0], $0xffff;
	v32 =	vadd.f32 v33, v32;
	v25 =	vmax.f32 v25, $0.0e+00  }
0x296: {  	v25 =	vmul.f32 v9, v25;
	v5 =	vadd.f32 v5, v36;
	v28 =	vadd.f32 v28, v31  }
0x297: {  	v16 =	vld.idx.msk [tilespmem:v16+s29+$0x0], $0xffff;
	v17 =	vadd.f32 v17, v11;
	v21 =	vmax.f32 v21, $0.0e+00;
	v30 =	vadd.f32 v52, v38  }
0x298: {  	v21 =	vmul.f32 v8, v21;
	v5 =	vmax.f32 v5, $0.0e+00;
	v25 =	vadd.f32 v25, v28  }
0x299: {  	v54 =	vld.idx.msk [tilespmem:v3+s2+$0x0], $0xffff;
	v17 =	vmax.f32 v17, $0.0e+00;
	v7 =	vadd.f32 v53, v7;
	v5 =	vmul.f32 v5, v27  }
0x29a: {  	v17 =	vmul.f32 v6, v17;
	v55 =	vmax.f32 v30, $0.0e+00;
	v21 =	vadd.f32 v21, v25  }
0x29b: {  	v56 =	vmul.f32 v55, v29;
	v5 =	vadd.f32 v5, v32  }
0x29c: {  	v16 =	vadd.f32 v16, v26;
	v7 =	vmax.f32 v7, $0.0e+00;
	v17 =	vadd.f32 v17, v21  }
0x29d: {  	v7 =	vmul.f32 v7, v13;
	v5 =	vadd.f32 v56, v5  }
0x29e: {  	v57 =	vadd.f32 v24, v22;
	v16 =	vmax.f32 v16, $0.0e+00;
	v17 =	vadd.f32 v54, v17  }
0x29f: {  	v5 =	vadd.f32 v7, v5;
	v7 =	vmul.f32 v16, v12  }
0x2a0: {  	v58 =	vadd.f32 v20, v19;
	v13 =	vmax.f32 v57, $0.0e+00;
	v59 =	vsub.f32 $0.0e+00, v17  }
0x2a1: {  	v5 =	vadd.f32 v7, v5;
	v7 =	vmul.f32 v13, v10  }
0x2a2: {  	v60 =	vadd.f32 v18, v15;
	v12 =	vmax.f32 v58, $0.0e+00;
	v61 =	vmul.f32 $1.442695020e+00, v59  }
0x2a3: {  	v5 =	vadd.f32 v7, v5;
	v7 =	vmul.f32 v12, v9  }
0x2a4: {  	v62 =	vadd.f32 v14, v11;
	v10 =	vmax.f32 v60, $0.0e+00;
	(erf) = vpow2.f32 v61  }
0x2a5: {  	v5 =	vadd.f32 v7, v5;
	v7 =	vmul.f32 v10, v8  }
0x2a6: {  	v63 =	vmax.f32 v62, $0.0e+00  }
0x2a7: {  	v6 =	vmul.f32 v63, v6;
	v5 =	vadd.f32 v7, v5;
	_ =	sdelay $0x1  }
0x2a8: {  	v5 =	vadd.f32 v6, v5;
	_ =	sdelay $0x1  }
0x2a9: {  	v5 =	vadd.f32 v54, v5;
	_ =	sdelay $0x1  }
0x2aa: {  	v5 =	vsub.f32 $0.0e+00, v5;
	v6 =	vpop (erf)  }
0x2ab: {  	v6 =	vadd.f32 $1.000000000e+00, v6  }
0x2ac: {  	v5 =	vmul.f32 $1.442695020e+00, v5  }
0x2ad: {  	(erf) = vrcp.f32 v6  }
0x2ae: {  	(erf) = vpow2.f32 v5;
	_ =	sdelay $0x7  }
0x2af: {  	v5 =	vpop (erf)  }
0x2b0: {  	v6 =	vpop (erf)  }
0x2b1: {  	v6 =	vadd.f32 $1.000000000e+00, v6;
	_ =	sdelay $0x1  }
0x2b2: {  	(erf) = vrcp.f32 v6;
	_ =	sdelay $0x3  }
0x2b3: {  	s10 =	sadd.s32 $0x1, s10  }
0x2b4: {  	p1 =	sne.s32 s10, $0x5  }
.Ltmp7:
0x2b5: {  	_ = 	snop;
	(pc) =	sbr.rel @p1 .LBB2_15-.Ltmp7, $3  }
0x2b6: {  	_ =	sdelay $0x1  }
0x2b7: {  	[tilespmem:v4+s11+$0x10B60 ss:$0x1] =	vst.idx.msk $0xffff, v5;
	v5 =	vpop (erf)  }
0x2b8: {  	[tilespmem:v4+s11+$0x13270 ss:$0x1] =	vst.idx.msk $0xffff, v5  }
0x2b9: {  	_ =	swait.ge [sflag:s5], $0xA00  }
0x2ba: {  	[sflag:s5] =	ssyncset.done $0x0  }
0x2bb: {  	[sflag:s5] =	ssyncadd.s32 $0xFFFFF600  }
0x2bc: {  	_ =	swait.ge [sflag:s5], $0xA00  }
0x2bd: {  	[sflag:s5] =	ssyncset.done $0x0  }
0x2be: {  	[sflag:s5] =	ssyncadd.s32 $0xFFFFF600  }
0x2bf: {  	_ =	swait.ge [sflag:s5], $0xA00  }
0x2c0: {  	s6 =	sadd.s32 @!p0 $0x2B0, s8;
	[sflag:s5] =	ssyncset.done $0x0  }
0x2c1: {  	s9 =	simm.s32 @!p0 $0x50;
	s10 =	simm.s32 @!p0 $0xCF60;
	[sflag:s5] =	ssyncadd.s32 $0xFFFFF600  }
0x2c2: {  	[tilespmem:s10], [sflag:$0x4] =	stream.indirect.gather @!p0 [hbm4b:s3+s9], $0x20, s6, s9, $0xb8;
	[tilespmem:$0x15980] =	vst v63  }
0x2c3: {  	s6 =	sadd.s32 @!p0 $0x29C0, s8;
	s10 =	simm.s32 @!p0 $0xD960  }
0x2c4: {  	[tilespmem:s10], [sflag:$0x4] =	stream.indirect.gather @!p0 [hbm4b:s4+s9], $0x20, s6, s9, $0xb8;
	[tilespmem:$0x15980] =	vst v63  }
0x2c5: {  	s31 =	rddreg [dreg:$0xf];
	s6 =	sadd.s32 @!p0 $0x50D0, s8;
	s8 =	simm.s32 @!p0 $0xE360  }
0x2c6: {  	[tilespmem:s8], [sflag:$0x4] =	stream.indirect.gather @!p0 [hbm4b:s4+s9], $0x20, s6, s9, $0xb8;
	[tilespmem:$0x15980] =	vst v63  }
0x2c7: {  	v4 =	vmov s31;
	s8 =	simm.s32 $0x0  }
.LBB2_19:
0x2c8: {  	s9 =	sshll.u32 s8, $0x4  }
0x2c9: {  	s6 =	simm.s32 $0x7;
	v5 =	vmov s9  }
0x2ca: {  	v6 =	vadd.s32 s6, v0;
	v5 =	vshll.u32 v5, $0x5  }
0x2cb: {  	v11 =	vand.u32 $0x1F, v6;
	v5 =	vor.u32 v1, v5  }
0x2cc: {  	s13 =	simm.s32 $0x6;
	v6 =	vor.u32 v5, v11  }
0x2cd: {  	v7 =	vadd.s32 s13, v0  }
0x2ce: {  	v14 =	vand.u32 $0x1F, v7  }
0x2cf: {  	s16 =	simm.s32 $0x5;
	v7 =	vor.u32 v5, v14  }
0x2d0: {  	v8 =	vadd.s32 s16, v0  }
0x2d1: {  	s31 =	simm.s32 $0x4;
	v15 =	vand.u32 $0x1F, v8;
	v12 =	vld.idx.msk [tilespmem:v6+s1+$0x0], $0xffff  }
0x2d2: {  	s10 =	simm.s32 $0x3;
	v10 =	vadd.s32 s31, v0;
	v8 =	vor.u32 v5, v15;
	v9 =	vld.idx.msk [tilespmem:v6+s22+$0x0], $0xffff  }
0x2d3: {  	v17 =	vand.u32 $0x1F, v10;
	v10 =	vadd.s32 s10, v0;
	v13 =	vld.idx.msk [tilespmem:v6+s26+$0x0], $0xffff  }
0x2d4: {  	v20 =	vand.u32 $0x1F, v10;
	v16 =	vld.idx.msk [tilespmem:v7+s1+$0x0], $0xffff  }
0x2d5: {  	v10 =	vor.u32 v5, v20;
	v18 =	vld.idx.msk [tilespmem:v7+s22+$0x0], $0xffff  }
0x2d6: {  	v19 =	vld.idx.msk [tilespmem:v7+s26+$0x0], $0xffff  }
0x2d7: {  	v6 =	vor.u32 v5, v17;
	v21 =	vld.idx.msk [tilespmem:v8+s1+$0x0], $0xffff  }
0x2d8: {  	s11 =	simm.s32 $0x2;
	v22 =	vld.idx.msk [tilespmem:v8+s22+$0x0], $0xffff  }
0x2d9: {  	v7 =	vadd.s32 s11, v0;
	v23 =	vld.idx.msk [tilespmem:v8+s26+$0x0], $0xffff  }
0x2da: {  	v29 =	vld.idx.msk [tilespmem:v10+s1+$0x0], $0xffff;
	v24 =	vand.u32 $0x1F, v7  }
0x2db: {  	v32 =	vld.idx.msk [tilespmem:v10+s22+$0x0], $0xffff;
	v8 =	vor.u32 v5, v24  }
0x2dc: {  	s12 =	simm.s32 $0x1;
	v25 =	vld.idx.msk [tilespmem:v6+s1+$0x0], $0xffff  }
0x2dd: {  	s10 =	simm.s32 $0x0;
	v7 =	vadd.s32 s12, v0;
	v26 =	vld.idx.msk [tilespmem:v6+s22+$0x0], $0xffff  }
0x2de: {  	v28 =	vand.u32 $0x1F, v7;
	v27 =	vld.idx.msk [tilespmem:v6+s26+$0x0], $0xffff;
	v6 =	vadd.s32 s10, v0  }
0x2df: {  	v34 =	vld.idx.msk [tilespmem:v10+s26+$0x0], $0xffff;
	v7 =	vor.u32 v2, v5;
	v31 =	vor.u32 v5, v28;
	v30 =	vand.u32 $0x18, v6  }
0x2e0: {  	v33 =	vor.u32 v7, v30;
	v35 =	vld.idx.msk [tilespmem:v8+s1+$0x0], $0xffff  }
0x2e1: {  	s31 =	simm.s32 $0xB;
	v36 =	vld.idx.msk [tilespmem:v8+s22+$0x0], $0xffff  }
0x2e2: {  	v37 =	vimm.f32 $0.0e+00;
	s16 =	simm.s32 $0xE;
	v39 =	vadd.s32 s31, v0;
	v38 =	vld.idx.msk [tilespmem:v8+s26+$0x0], $0xffff  }
0x2e3: {  	s11 =	simm.s32 $0xC;
	v10 =	vadd.s32 s16, v0;
	s16 =	simm.s32 $0xA;
	v22 =	vadd.f32 v22, v21;
	v23 =	vadd.f32 v23, v21;
	v21 =	vld.idx.msk [tilespmem:v28+s2+$0x0], $0xffff  }
0x2e4: {  	s13 =	simm.s32 $0xF;
	v40 =	vadd.s32 s11, v0;
	v45 =	vadd.s32 s16, v0;
	v49 =	vadd.f32 v18, v16;
	v41 =	vld.idx.msk [tilespmem:v31+s1+$0x0], $0xffff  }
0x2e5: {  	v50 =	vadd.f32 v13, v12;
	v6 =	vadd.s32 s13, v0;
	s13 =	simm.s32 $0xD;
	v30 =	vor.u32 v2, v30;
	v44 =	vld.idx.msk [tilespmem:v33+s1+$0x0], $0xffff  }
0x2e6: {  	v13 =	vand.u32 $0x1F, v45;
	v6 =	vand.u32 $0x1F, v6;
	v42 =	vadd.s32 s13, v0;
	v47 =	vld.idx.msk [tilespmem:v33+s22+$0x0], $0xffff  }
0x2e7: {  	v8 =	vand.u32 $0x1F, v10;
	v10 =	vand.u32 $0x1F, v40;
	v40 =	vadd.f32 v9, v12;
	v33 =	vld.idx.msk [tilespmem:v33+s26+$0x0], $0xffff  }
0x2e8: {  	v12 =	vand.u32 $0x1F, v39;
	v28 =	vadd.f32 v32, v29;
	v29 =	vadd.f32 v34, v29;
	v18 =	vld.idx.msk [tilespmem:v31+s26+$0x0], $0xffff  }
0x2e9: {  	v22 =	vmax.f32 v22, $0.0e+00;
	v48 =	vor.u32 v5, v6;
	v9 =	vand.u32 $0x1F, v42;
	v63 =	vld.idx.msk [tilespmem:v31+s22+$0x0], $0xffff  }
0x2ea: {  	v31 =	vadd.f32 v19, v16;
	v54 =	vor.u32 v5, v10;
	v26 =	vadd.f32 v26, v25;
	v19 =	vld.idx.msk [tilespmem:v30+s2+$0x0], $0xffff  }
0x2eb: {  	v16 =	vor.u32 v5, v12;
	v25 =	vadd.f32 v27, v25;
	v52 =	vadd.f32 v36, v35  }
0x2ec: {  	v53 =	vld.idx.msk [tilespmem:v11+s2+$0x0], $0xffff;
	v28 =	vmax.f32 v28, $0.0e+00;
	v11 =	vadd.f32 v47, v44;
	v33 =	vadd.f32 v33, v44  }
0x2ed: {  	v24 =	vld.idx.msk [tilespmem:v24+s2+$0x0], $0xffff;
	v30 =	vor.u32 v5, v8;
	v35 =	vadd.f32 v38, v35;
	v18 =	vadd.f32 v18, v41  }
0x2ee: {  	v56 =	vld.idx.msk [tilespmem:v14+s2+$0x0], $0xffff;
	v55 =	vadd.f32 v63, v41;
	v14 =	vmax.f32 v11, $0.0e+00;
	v33 =	vmax.f32 v33, $0.0e+00  }
0x2ef: {  	v20 =	vld.idx.msk [tilespmem:v20+s2+$0x0], $0xffff;
	v18 =	vmax.f32 v18, $0.0e+00;
	v14 =	vmul.f32 v19, v14;
	v19 =	vmul.f32 v33, v19  }
0x2f0: {  	v58 =	vld.idx.msk [tilespmem:v17+s2+$0x0], $0xffff;
	v32 =	vmax.f32 v52, $0.0e+00;
	v57 =	vmax.f32 v55, $0.0e+00;
	v18 =	vmul.f32 v18, v21  }
0x2f1: {  	v60 =	vld.idx.msk [tilespmem:v15+s2+$0x0], $0xffff;
	v33 =	vmul.f32 v21, v57;
	v59 =	vadd.f32 v14, v37;
	v19 =	vadd.f32 v19, v37  }
0x2f2: {  	v27 =	vor.u32 v5, v9;
	v17 =	vld.idx.msk [tilespmem:v48+s22+$0x0], $0xffff;
	v32 =	vmul.f32 v24, v32;
	v21 =	vmax.f32 v35, $0.0e+00  }
0x2f3: {  	v15 =	vld.idx.msk [tilespmem:v30+s1+$0x0], $0xffff;
	v33 =	vadd.f32 v33, v59;
	v18 =	vadd.f32 v18, v19;
	v19 =	vmul.f32 v21, v24  }
0x2f4: {  	v26 =	vmax.f32 v26, $0.0e+00;
	v11 =	vld.idx.msk [tilespmem:v48+s1+$0x0], $0xffff;
	v24 =	vmul.f32 v20, v28;
	v28 =	vmax.f32 v29, $0.0e+00  }
0x2f5: {  	v21 =	vld.idx.msk [tilespmem:v30+s22+$0x0], $0xffff;
	v20 =	vmul.f32 v28, v20;
	v29 =	vadd.f32 v32, v33;
	v61 =	vadd.f32 v19, v18  }
0x2f6: {  	v18 =	vld.idx.msk [tilespmem:v30+s26+$0x0], $0xffff;
	v30 =	vmul.f32 v60, v22;
	v22 =	vmax.f32 v23, $0.0e+00;
	v23 =	vmax.f32 v49, $0.0e+00  }
0x2f7: {  	v25 =	vmax.f32 v25, $0.0e+00;
	v26 =	vmul.f32 v58, v26;
	v19 =	vld.idx.msk [tilespmem:v27+s1+$0x0], $0xffff;
	v62 =	vmul.f32 v56, v23  }
0x2f8: {  	v24 =	vadd.f32 v24, v29;
	v28 =	vadd.f32 v20, v61;
	v29 =	vmul.f32 v25, v58;
	v25 =	vld.idx.msk [tilespmem:v27+s22+$0x0], $0xffff  }
0x2f9: {  	v23 =	vmax.f32 v31, $0.0e+00;
	v31 =	vmax.f32 v40, $0.0e+00;
	v20 =	vld.idx.msk [tilespmem:v27+s26+$0x0], $0xffff;
	v27 =	vmul.f32 v22, v60  }
0x2fa: {  	v14 =	vld.idx.msk [tilespmem:v48+s26+$0x0], $0xffff;
	v63 =	vmul.f32 v23, v56;
	v24 =	vadd.f32 v26, v24;
	v26 =	vadd.f32 v29, v28  }
0x2fb: {  	v22 =	vld.idx.msk [tilespmem:v54+s1+$0x0], $0xffff;
	v23 =	vor.u32 v5, v13;
	v34 =	vmul.f32 v53, v31;
	v31 =	vmax.f32 v50, $0.0e+00  }
0x2fc: {  	s31 =	simm.s32 $0x8;
	s12 =	simm.s32 $0x9;
	v33 =	vmul.f32 v31, v53;
	v31 =	vld.idx.msk [tilespmem:v16+s22+$0x0], $0xffff;
	v30 =	vadd.f32 v30, v24;
	v27 =	vadd.f32 v27, v26  }
0x2fd: {  	v46 =	vadd.s32 s31, v0;
	v43 =	vadd.s32 s12, v0;
	v28 =	vld.idx.msk [tilespmem:v54+s22+$0x0], $0xffff  }
0x2fe: {  	v29 =	vand.u32 $0x1F, v43;
	v24 =	vld.idx.msk [tilespmem:v54+s26+$0x0], $0xffff;
	v35 =	vadd.f32 v62, v30;
	v32 =	vadd.f32 v63, v27  }
0x2ff: {  	s6 =	simm.s32 $0x17;
	v26 =	vld.idx.msk [tilespmem:v16+s1+$0x0], $0xffff;
	v27 =	vand.u32 $0x18, v46;
	v30 =	vor.u32 v5, v29  }
.LBB2_20:
0x300: {  	p0 =	sne.s32 s6, $0x1F;
	v36 =	vor.u32 v7, v27;
	v16 =	vld.idx.msk [tilespmem:v16+s26+$0x0], $0xffff;
	v34 =	vadd.f32 v34, v35;
	v32 =	vadd.f32 v33, v32  }
0x301: {  	v33 =	vld.idx.msk [tilespmem:v23+s1+$0x0], $0xffff  }
0x302: {  	s10 =	sadd.s32 $0xFFFFFFFF, s6;
	v35 =	vadd.s32 s6, v0;
	v37 =	vld.idx.msk [tilespmem:v23+s22+$0x0], $0xffff  }
0x303: {  	s11 =	sadd.s32 $0xFFFFFFFC, s6;
	s12 =	sadd.s32 $0xFFFFFFFD, s6;
	s13 =	sadd.s32 $0xFFFFFFFE, s6;
	v38 =	vadd.s32 s10, v0;
	v35 =	vand.u32 $0x1F, v35;
	v39 =	vld.idx.msk [tilespmem:v23+s26+$0x0], $0xffff  }
0x304: {  	s16 =	sadd.s32 $0xFFFFFFFB, s6;
	s10 =	sadd.s32 $0xFFFFFFFA, s6;
	v40 =	vadd.s32 s12, v0;
	v41 =	vadd.s32 s13, v0;
	v23 =	vadd.s32 s11, v0;
	v42 =	vld.idx.msk [tilespmem:v30+s1+$0x0], $0xffff  }
0x305: {  	v46 =	vor.u32 v2, v27;
	v44 =	vadd.s32 s16, v0;
	v43 =	vadd.s32 s10, v0;
	s11 =	sadd.s32 $0xFFFFFFF9, s6;
	v45 =	vld.idx.msk [tilespmem:v36+s1+$0x0], $0xffff  }
0x306: {  	v38 =	vand.u32 $0x1F, v38;
	v47 =	vor.u32 v5, v35;
	v27 =	vadd.s32 s11, v0;
	v48 =	vld.idx.msk [tilespmem:v36+s22+$0x0], $0xffff  }
0x307: {  	v49 =	vadd.f32 v17, v11;
	v40 =	vand.u32 $0x1F, v40;
	v41 =	vand.u32 $0x1F, v41;
	v36 =	vld.idx.msk [tilespmem:v36+s26+$0x0], $0xffff  }
0x308: {  	v51 =	vadd.f32 v21, v15;
	v52 =	vadd.f32 v14, v11;
	v17 =	vand.u32 $0x1F, v23;
	v50 =	vld.idx.msk [tilespmem:v30+s22+$0x0], $0xffff  }
0x309: {  	v25 =	vadd.f32 v25, v19;
	v14 =	vand.u32 $0x1F, v44;
	v11 =	vld.idx.msk [tilespmem:v30+s26+$0x0], $0xffff;
	v30 =	vadd.f32 v18, v15  }
0x30a: {  	v20 =	vadd.f32 v20, v19;
	v21 =	vadd.f32 v28, v22;
	v18 =	vor.u32 v5, v38;
	v15 =	vld.idx.msk [tilespmem:v46+s2+$0x0], $0xffff  }
0x30b: {  	v22 =	vadd.f32 v24, v22;
	v28 =	vor.u32 v5, v41;
	v19 =	vld.idx.msk [tilespmem:v29+s2+$0x0], $0xffff;
	v29 =	vadd.f32 v31, v26  }
0x30c: {  	v24 =	vor.u32 v5, v40;
	v31 =	vadd.f32 v37, v33;
	v26 =	vadd.f32 v16, v26;
	v37 =	vld.idx.msk [tilespmem:v6+s2+$0x0], $0xffff  }
0x30d: {  	v16 =	vor.u32 v5, v17;
	v48 =	vadd.f32 v48, v45;
	v36 =	vadd.f32 v36, v45;
	v44 =	vld.idx.msk [tilespmem:v13+s2+$0x0], $0xffff  }
0x30e: {  	v23 =	vor.u32 v5, v14;
	v33 =	vadd.f32 v39, v33;
	v50 =	vadd.f32 v50, v42;
	v39 =	vld.idx.msk [tilespmem:v8+s2+$0x0], $0xffff  }
0x30f: {  	v6 =	vmovc v35;
	v45 =	vmax.f32 v48, $0.0e+00;
	v36 =	vmax.f32 v36, $0.0e+00;
	v42 =	vadd.f32 v11, v42;
	v8 =	vmovc v38;
	v46 =	vld.idx.msk [tilespmem:v12+s2+$0x0], $0xffff  }
0x310: {  	v35 =	vmul.f32 v15, v45;
	v15 =	vmul.f32 v36, v15;
	v45 =	vmax.f32 v50, $0.0e+00;
	v12 =	vmovc v17;
	v11 =	vld.idx.msk [tilespmem:v47+s1+$0x0], $0xffff  }
0x311: {  	v31 =	vmax.f32 v31, $0.0e+00;
	v13 =	vmovc v14;
	v36 =	vmul.f32 v19, v45;
	v38 =	vmax.f32 v42, $0.0e+00;
	v42 =	vld.idx.msk [tilespmem:v10+s2+$0x0], $0xffff;
	v10 =	vmovc v40  }
0x312: {  	v34 =	vadd.f32 v35, v34;
	v15 =	vadd.f32 v15, v32;
	v19 =	vmul.f32 v38, v19;
	v17 =	vld.idx.msk [tilespmem:v47+s22+$0x0], $0xffff  }
0x313: {  	v29 =	vmax.f32 v29, $0.0e+00;
	v32 =	vmax.f32 v33, $0.0e+00;
	v31 =	vmul.f32 v44, v31;
	v33 =	vld.idx.msk [tilespmem:v9+s2+$0x0], $0xffff;
	v9 =	vmovc v41  }
0x314: {  	v32 =	vmul.f32 v32, v44;
	v34 =	vadd.f32 v36, v34;
	v19 =	vadd.f32 v19, v15;
	v14 =	vld.idx.msk [tilespmem:v47+s26+$0x0], $0xffff  }
0x315: {  	v26 =	vmax.f32 v26, $0.0e+00;
	v35 =	vmax.f32 v21, $0.0e+00;
	v29 =	vmul.f32 v46, v29;
	v15 =	vld.idx.msk [tilespmem:v18+s1+$0x0], $0xffff  }
0x316: {  	v26 =	vmul.f32 v26, v46;
	v31 =	vadd.f32 v31, v34;
	v32 =	vadd.f32 v32, v19;
	v21 =	vld.idx.msk [tilespmem:v18+s22+$0x0], $0xffff  }
0x317: {  	v22 =	vmax.f32 v22, $0.0e+00;
	v34 =	vmul.f32 v42, v35;
	v35 =	vmax.f32 v25, $0.0e+00;
	v18 =	vld.idx.msk [tilespmem:v18+s26+$0x0], $0xffff  }
0x318: {  	v22 =	vmul.f32 v22, v42;
	v29 =	vadd.f32 v29, v31;
	v26 =	vadd.f32 v26, v32;
	v19 =	vld.idx.msk [tilespmem:v28+s1+$0x0], $0xffff  }
0x319: {  	v32 =	vmax.f32 v20, $0.0e+00;
	v31 =	vmul.f32 v33, v35;
	v35 =	vmax.f32 v51, $0.0e+00;
	v25 =	vld.idx.msk [tilespmem:v28+s22+$0x0], $0xffff  }
0x31a: {  	v32 =	vmul.f32 v32, v33;
	v29 =	vadd.f32 v34, v29;
	v26 =	vadd.f32 v22, v26;
	v20 =	vld.idx.msk [tilespmem:v28+s26+$0x0], $0xffff  }
.Ltmp8:
0x31b: {  	v30 =	vmax.f32 v30, $0.0e+00;
	v33 =	vmul.f32 v39, v35;
	v34 =	vmax.f32 v49, $0.0e+00;
	v22 =	vld.idx.msk [tilespmem:v24+s1+$0x0], $0xffff;
	(pc) =	sbr.rel @p0 .LBB2_20-.Ltmp8, $4  }
0x31c: {  	v30 =	vmul.f32 v30, v39;
	v31 =	vadd.f32 v31, v29;
	v32 =	vadd.f32 v32, v26;
	v28 =	vld.idx.msk [tilespmem:v24+s22+$0x0], $0xffff  }
0x31d: {  	v36 =	vmax.f32 v52, $0.0e+00;
	v34 =	vmul.f32 v37, v34;
	v29 =	vand.u32 $0x1F, v43;
	v24 =	vld.idx.msk [tilespmem:v24+s26+$0x0], $0xffff  }
0x31e: {  	v35 =	vadd.f32 v33, v31;
	v32 =	vadd.f32 v30, v32;
	v33 =	vmul.f32 v36, v37;
	v26 =	vld.idx.msk [tilespmem:v16+s1+$0x0], $0xffff  }
0x31f: {  	s6 =	sadd.s32 $0x8, s6;
	v27 =	vand.u32 $0x18, v27;
	v30 =	vor.u32 v5, v29;
	v31 =	vld.idx.msk [tilespmem:v16+s22+$0x0], $0xffff  }
0x320: {  	v5 =	vor.u32 v7, v27;
	_ =	sdelay $0x3  }
0x321: {  	v7 =	vld.idx.msk [tilespmem:v23+s1+$0x0], $0xffff;
	v48 =	vor.u32 v2, v27  }
0x322: {  	v36 =	vld.idx.msk [tilespmem:v5+s1+$0x0], $0xffff  }
0x323: {  	v37 =	vld.idx.msk [tilespmem:v5+s22+$0x0], $0xffff  }
0x324: {  	v38 =	vld.idx.msk [tilespmem:v30+s1+$0x0], $0xffff  }
0x325: {  	v39 =	vld.idx.msk [tilespmem:v30+s22+$0x0], $0xffff  }
0x326: {  	v27 =	vld.idx.msk [tilespmem:v48+s2+$0x0], $0xffff  }
0x327: {  	v40 =	vld.idx.msk [tilespmem:v23+s22+$0x0], $0xffff  }
0x328: {  	v29 =	vld.idx.msk [tilespmem:v29+s2+$0x0], $0xffff;
	v37 =	vadd.f32 v37, v36;
	_ =	sdelay $0x1  }
0x329: {  	v13 =	vld.idx.msk [tilespmem:v13+s2+$0x0], $0xffff;
	v39 =	vadd.f32 v39, v38;
	v37 =	vmax.f32 v37, $0.0e+00  }
0x32a: {  	v34 =	vadd.f32 v34, v35;
	v49 =	vmul.f32 v27, v37  }
0x32b: {  	v12 =	vld.idx.msk [tilespmem:v12+s2+$0x0], $0xffff;
	v50 =	vadd.f32 v40, v7;
	v39 =	vmax.f32 v39, $0.0e+00  }
0x32c: {  	v51 =	vmul.f32 v29, v39;
	v34 =	vadd.f32 v49, v34  }
0x32d: {  	v10 =	vld.idx.msk [tilespmem:v10+s2+$0x0], $0xffff;
	v31 =	vadd.f32 v31, v26;
	v37 =	vmax.f32 v50, $0.0e+00  }
0x32e: {  	v9 =	vld.idx.msk [tilespmem:v9+s2+$0x0], $0xffff;
	v37 =	vmul.f32 v13, v37;
	v34 =	vadd.f32 v51, v34  }
0x32f: {  	v28 =	vadd.f32 v28, v22;
	v5 =	vld.idx.msk [tilespmem:v5+s26+$0x0], $0xffff;
	v31 =	vmax.f32 v31, $0.0e+00  }
0x330: {  	v52 =	vld.idx.msk [tilespmem:v30+s26+$0x0], $0xffff;
	v31 =	vmul.f32 v12, v31;
	v34 =	vadd.f32 v37, v34  }
0x331: {  	v25 =	vadd.f32 v25, v19;
	v8 =	vld.idx.msk [tilespmem:v8+s2+$0x0], $0xffff;
	v28 =	vmax.f32 v28, $0.0e+00  }
0x332: {  	v53 =	vld.idx.msk [tilespmem:v23+s26+$0x0], $0xffff;
	v28 =	vmul.f32 v10, v28;
	v31 =	vadd.f32 v31, v34  }
0x333: {  	v21 =	vadd.f32 v21, v15;
	v6 =	vld.idx.msk [tilespmem:v6+s2+$0x0], $0xffff;
	v32 =	vadd.f32 v33, v32;
	v25 =	vmax.f32 v25, $0.0e+00  }
0x334: {  	v25 =	vmul.f32 v9, v25;
	v5 =	vadd.f32 v5, v36;
	v28 =	vadd.f32 v28, v31  }
0x335: {  	v16 =	vld.idx.msk [tilespmem:v16+s26+$0x0], $0xffff;
	v17 =	vadd.f32 v17, v11;
	v21 =	vmax.f32 v21, $0.0e+00;
	v30 =	vadd.f32 v52, v38  }
0x336: {  	v21 =	vmul.f32 v8, v21;
	v5 =	vmax.f32 v5, $0.0e+00;
	v25 =	vadd.f32 v25, v28  }
0x337: {  	v54 =	vld.idx.msk [tilespmem:v3+s2+$0x0], $0xffff;
	v17 =	vmax.f32 v17, $0.0e+00;
	v7 =	vadd.f32 v53, v7;
	v5 =	vmul.f32 v5, v27  }
0x338: {  	v17 =	vmul.f32 v6, v17;
	v55 =	vmax.f32 v30, $0.0e+00;
	v21 =	vadd.f32 v21, v25  }
0x339: {  	v56 =	vmul.f32 v55, v29;
	v5 =	vadd.f32 v5, v32  }
0x33a: {  	v16 =	vadd.f32 v16, v26;
	v7 =	vmax.f32 v7, $0.0e+00;
	v17 =	vadd.f32 v17, v21  }
0x33b: {  	v7 =	vmul.f32 v7, v13;
	v5 =	vadd.f32 v56, v5  }
0x33c: {  	v57 =	vadd.f32 v24, v22;
	v16 =	vmax.f32 v16, $0.0e+00;
	v17 =	vadd.f32 v54, v17  }
0x33d: {  	v5 =	vadd.f32 v7, v5;
	v7 =	vmul.f32 v16, v12  }
0x33e: {  	v58 =	vadd.f32 v20, v19;
	v13 =	vmax.f32 v57, $0.0e+00;
	v59 =	vsub.f32 $0.0e+00, v17  }
0x33f: {  	v5 =	vadd.f32 v7, v5;
	v7 =	vmul.f32 v13, v10  }
0x340: {  	v60 =	vadd.f32 v18, v15;
	v12 =	vmax.f32 v58, $0.0e+00;
	v61 =	vmul.f32 $1.442695020e+00, v59  }
0x341: {  	v5 =	vadd.f32 v7, v5;
	v7 =	vmul.f32 v12, v9  }
0x342: {  	v62 =	vadd.f32 v14, v11;
	v10 =	vmax.f32 v60, $0.0e+00;
	(erf) = vpow2.f32 v61  }
0x343: {  	v5 =	vadd.f32 v7, v5;
	v7 =	vmul.f32 v10, v8  }
0x344: {  	v63 =	vmax.f32 v62, $0.0e+00  }
0x345: {  	v6 =	vmul.f32 v63, v6;
	v5 =	vadd.f32 v7, v5;
	_ =	sdelay $0x1  }
0x346: {  	v5 =	vadd.f32 v6, v5;
	_ =	sdelay $0x1  }
0x347: {  	v5 =	vadd.f32 v54, v5;
	_ =	sdelay $0x1  }
0x348: {  	v5 =	vsub.f32 $0.0e+00, v5;
	v6 =	vpop (erf)  }
0x349: {  	v6 =	vadd.f32 $1.000000000e+00, v6  }
0x34a: {  	v5 =	vmul.f32 $1.442695020e+00, v5  }
0x34b: {  	(erf) = vrcp.f32 v6  }
0x34c: {  	(erf) = vpow2.f32 v5;
	_ =	sdelay $0x7  }
0x34d: {  	v5 =	vpop (erf)  }
0x34e: {  	v6 =	vpop (erf)  }
0x34f: {  	v6 =	vadd.f32 $1.000000000e+00, v6;
	_ =	sdelay $0x1  }
0x350: {  	(erf) = vrcp.f32 v6;
	_ =	sdelay $0x3  }
0x351: {  	s8 =	sadd.s32 $0x1, s8  }
0x352: {  	p0 =	sne.s32 s8, $0x5  }
.Ltmp9:
0x353: {  	_ = 	snop;
	(pc) =	sbr.rel @p0 .LBB2_19-.Ltmp9, $3  }
0x354: {  	_ =	sdelay $0x1  }
0x355: {  	[tilespmem:v4+s9+$0x10B60 ss:$0x1] =	vst.idx.msk $0xffff, v5;
	v5 =	vpop (erf)  }
0x356: {  	[tilespmem:v4+s9+$0x13270 ss:$0x1] =	vst.idx.msk $0xffff, v5  }
0x357: {  	s7 =	sadd.s32 $0x1, s7  }
0x358: {  	p0 =	sne.s32 s7, $0x19  }
.Ltmp10:
0x359: {  	_ = 	snop;
	(pc) =	sbr.rel @p0 .LBB2_2-.Ltmp10, $1  }
0x35a: {  	_ =	sdelay $0x3  }
0x35b: {  	s6 =	rddreg [dreg:$0xb];
	s7 =	simm.s32 $0x10B60  }
0x35c: {  	[hbm4b:s6+s2] =	stream.linear.scatter [tilespmem:s7], [sflag:$0x6], $0x2710, $0x38;
	[tilespmem:$0x15980] =	vst v63  }
0x35d: {  	s7 =	simm.s32 $0x6  }
0x35e: {  	_ =	swait.ge [sflag:s7], $0x2710  }
0x35f: {  	[sflag:s7] =	ssyncset.done $0x0  }
0x360: {  	s8 =	simm.s32 $0x13270;
	s13 =	rddreg [dreg:$0xc];
	[sflag:s7] =	ssyncadd.s32 $0xFFFFD8F0  }
0x361: {  	[hbm4b:s13+s2] =	stream.linear.scatter [tilespmem:s8], [sflag:$0x6], $0x2710, $0x38;
	[tilespmem:$0x15980] =	vst v63  }
0x362: {  	_ =	swait.ge [sflag:s7], $0x2710  }
0x363: {  	s16 =	rddreg [dreg:$0xe]  }
0x364: {  	s31 =	rddreg [dreg:$0xd];
	s8 =	sadd.s32 $0x1, s16  }
0x365: {  	p0 =	sne.s32 s8, s31  }
.Ltmp11:
0x366: {  	_ = 	snop;
	(pc) =	sbr.rel @p0 .LBB2_1-.Ltmp11, $3  }
0x367: {  	_ =	sdelay $0x1  }
0x368: {  	[sflag:s7] =	ssyncset.done $0x0  }
0x369: {  	[sflag:s7] =	ssyncadd.s32 $0xFFFFD8F0  }
0x36a: {  	_ =	sfence.sel $0x180000  }
0x36b: {  	[bflag:$0x0] =	sbarrier.arrive $0xFFFF  }
0x36c: {  	_ =	strace $0x90000047  }
0x36d: {  	s0 =	stileid.u32;
	[bflag:$0x2] =	sbarrier.arrive $0xFFFF  }
0x36e: {  	p0 =	sne.s32 s0, $0x0;
	s0 =	rddreg [dreg:$0x6]  }
0x36f: {  	s0 =	sadd.s32 @!p0 $0x100000, s0  }
0x370: {  	[sflag:s0] =	ssyncadd.tile.s32 @!p0 $0x1;
	_ =	shalt  }
.Lfunc_end2:
_tile_overlayer_lowered:
.L_overlay_start_2:
0x371: {  	(tag) =	ssettag $0x2  }
0x372: {  	s0 =	rddreg [dreg:$0x0];
	s2 =	stileid.u32  }
0x373: {  	s1 =	rddreg [dreg:$0x1];
	p0 =	sne.s32 s2, $0x0  }
0x374: {  	s3 =	rddreg [dreg:$0x2];
	[bflag:$0x3] =	sbarrier.arrive $0xFFFF;
	s2 =	simm.s32 @!p0 $0x1C06  }
0x375: {  	[timem:s3], [sflag:s2] =	dma.local @!p0 [hbm:s0], s1  }
0x376: {  	s0 =	simm.s32 @!p0 $0x6  }
0x377: {  	_ =	swait.ge @!p0 [sflag:s0], s1  }
0x378: {  	s1 =	ssub.s32 @!p0 $0x0, s1;
	[sflag:s0] =	ssyncset.done @!p0 $0x0  }
0x379: {  	[sflag:s0] =	ssyncadd.s32 @!p0 s1  }
0x37a: {  	[bflag:$0x3] =	sbarrier.arrive $0xFFFF  }
0x37b: {  	_ =	shalt  }

</sc_bundles>
